<compile_context>
chip_gen: v7x
topology: tpu7x:2x2x1
jax: 0.10.2.dev20260603
libtpu: 0.0.44.dev20260713+nightly
codegen_flags: <defaults>
</compile_context>

<pallas_src>
import jax
import jax.numpy as jnp
from jax.experimental import pallas as pl
from jax.experimental.pallas import tpu as pltpu

_PRE = 2048
_POST = 512
_BLK = 128
_NBLK = _PRE // _BLK
_TH = 0.7
_BAND = _BLK + 8
_ACC = _POST + _BAND + 8


def _nms_body(geomt_ref, geomc_ref, feat_ref, out_ref, keep_ref, acc_ref,
              s_ref):

    lane = jax.lax.broadcasted_iota(jnp.int32, (1, _BLK), 1)
    sub = jax.lax.broadcasted_iota(jnp.int32, (_BLK, 1), 0)
    tri_bf = (sub < lane).astype(jnp.bfloat16)
    band_iota = jax.lax.broadcasted_iota(jnp.int32, (_BAND, 1), 0).astype(
        jnp.float32)
    lane_pre = jax.lax.broadcasted_iota(jnp.int32, (1, _PRE), 1)

    acc_ref[...] = jnp.zeros((_ACC, 16), jnp.float32)
    for c in range(_NBLK):
        s_ref[pl.ds(c * _BLK, _BLK), :] = jnp.zeros((_BLK, _PRE),
                                                    jnp.bfloat16)

    _SUP = 1024
    for cg in range(_PRE // _SUP):
        c0 = cg * _SUP
        x1c = geomt_ref[0, 0:1, c0:c0 + _SUP]
        x2c = geomt_ref[0, 1:2, c0:c0 + _SUP]
        y1c = geomt_ref[0, 2:3, c0:c0 + _SUP]
        y2c = geomt_ref[0, 3:4, c0:c0 + _SUP]
        ar_c = geomt_ref[0, 4:5, c0:c0 + _SUP]

        def tile_body(r, _, c0=c0, x1c=x1c, x2c=x2c, y1c=y1c, y2c=y2c,
                      ar_c=ar_c):
            r0 = r * _BLK
            x1r = geomc_ref[0, pl.ds(r0, _BLK), 0:1]
            x2r = geomc_ref[0, pl.ds(r0, _BLK), 1:2]
            y1r = geomc_ref[0, pl.ds(r0, _BLK), 2:3]
            y2r = geomc_ref[0, pl.ds(r0, _BLK), 3:4]
            ar_r = geomc_ref[0, pl.ds(r0, _BLK), 4:5]
            xx1 = jnp.maximum(x1r, x1c)
            xx2 = jnp.minimum(x2r, x2c)
            yy1 = jnp.maximum(y1r, y1c)
            yy2 = jnp.minimum(y2r, y2c)
            inter = jnp.maximum(xx2 - xx1, 0.0) * jnp.maximum(yy2 - yy1, 0.0)
            union = ar_r + ar_c - inter
            s_ref[pl.ds(r0, _BLK), c0:c0 + _SUP] = (inter > _TH * union
                                                    ).astype(jnp.bfloat16)
            return 0

        jax.lax.fori_loop(0, (c0 + _SUP) // _BLK, tile_body, 0)

    count = jnp.float32(0.0)
    for c in range(_NBLK):
        c0 = c * _BLK
        keep_full = keep_ref[0:1, :]
        mkeep = jnp.where(lane_pre < c0, keep_full, 0.0).astype(jnp.bfloat16)
        s_col = s_ref[:, c0:c0 + _BLK]
        supp = jnp.dot(mkeep, s_col, preferred_element_type=jnp.float32)
        a = (supp < 0.5).astype(jnp.float32)

        s_diag = s_ref[pl.ds(c0, _BLK), c0:c0 + _BLK] * tri_bf

        def fp_cond(st):
            return st[1]

        def fp_body(st, a=a, s_diag=s_diag):
            act, _ = st
            cnt = jnp.dot(act.astype(jnp.bfloat16), s_diag,
                          preferred_element_type=jnp.float32)
            new = a * (cnt < 0.5).astype(jnp.float32)
            return new, jnp.any(new != act)

        act, _ = jax.lax.while_loop(fp_cond, fp_body, (a, True))
        keep_ref[0:1, c0:c0 + _BLK] = act

        posin = jnp.dot(act.astype(jnp.bfloat16), tri_bf,
                        preferred_element_type=jnp.float32)
        cnt_i = count.astype(jnp.int32)
        start = jnp.minimum((cnt_i // 8) * 8, _POST)
        off = (cnt_i - start).astype(jnp.float32)
        target = posin + off
        vb = (band_iota == target).astype(jnp.float32) * act
        featb = feat_ref[0, c0:c0 + _BLK, :]
        outb = jnp.dot(vb, featb, preferred_element_type=jnp.float32)
        cur = acc_ref[pl.ds(start, _BAND), :]
        acc_ref[pl.ds(start, _BAND), :] = cur + outb
        count = count + jnp.sum(act)

    out_ref[0] = acc_ref[0:_POST, :]


def _run_nms(geomt, geomc, feat, batch):
    return pl.pallas_call(
        _nms_body,
        grid=(batch,),
        in_specs=[
            pl.BlockSpec((1, 8, _PRE), lambda b: (b, 0, 0)),
            pl.BlockSpec((1, _PRE, 8), lambda b: (b, 0, 0)),
            pl.BlockSpec((1, _PRE, 16), lambda b: (b, 0, 0)),
        ],
        out_specs=pl.BlockSpec((1, _POST, 16), lambda b: (b, 0, 0)),
        out_shape=jax.ShapeDtypeStruct((batch, _POST, 16), jnp.float32),
        scratch_shapes=[
            pltpu.VMEM((1, _PRE), jnp.float32),
            pltpu.VMEM((_ACC, 16), jnp.float32),
            pltpu.VMEM((_PRE, _PRE), jnp.bfloat16),
        ],
    )(geomt, geomc, feat)


def kernel(box_preds, cls_preds):
    batch = box_preds.shape[0]
    cur_scores = jnp.max(cls_preds, axis=-1)
    cur_labels = jnp.argmax(cls_preds, axis=-1)
    topk_scores, topk_idx = jax.lax.top_k(cur_scores, _PRE)
    tb = jnp.take_along_axis(box_preds, topk_idx[..., None], axis=1)
    tl = jnp.take_along_axis(cur_labels, topk_idx, axis=1)

    cx, cy, dx, dy = tb[..., 0], tb[..., 1], tb[..., 3], tb[..., 4]
    x1 = cx - dx * 0.5
    x2 = cx + dx * 0.5
    y1 = cy - dy * 0.5
    y2 = cy + dy * 0.5
    area = dx * dy
    zeros = jnp.zeros_like(x1)
    geomc = jnp.stack([x1, x2, y1, y2, area, zeros, zeros, zeros], axis=-1)
    geomt = jnp.stack([x1, x2, y1, y2, area, zeros, zeros, zeros], axis=1)
    feat = jnp.concatenate(
        [tb, topk_scores[..., None], (tl + 1).astype(jnp.float32)[..., None],
         jnp.zeros((batch, _PRE, 7), jnp.float32)], axis=-1)

    out = _run_nms(geomt, geomc, feat, batch)
    rois = out[..., :7]
    roi_scores = out[..., 7]
    roi_labels = out[..., 8].astype(jnp.int32)
    return rois, roi_scores, roi_labels

# --- scband reference (transcript-rebuilt; emitter-appended) ---
"""Pipeline reference for scband-ro-ihead-template-82325933130327 (READ-ONLY COPY).

The authoritative reference and input builder live on the scoring server;
editing this copy changes nothing except your own understanding.
"""

import jax, jax.numpy as jnp
import numpy as np

B = 4
N = 20000
NUM_CLASS = 3
PRE_MAX = 2048
POST_MAX = 512
NMS_THRESH = 0.7


def setup_inputs(seed: int = 0) -> dict:
    key = jax.random.key(seed)
    k1, k2 = jax.random.split(key)
    u = jax.random.uniform(k1, (B, N, 7), dtype=jnp.float32)
    cx = u[..., 0] * 140.0 - 70.0
    cy = u[..., 1] * 80.0 - 40.0
    cz = u[..., 2] * 4.0 - 3.0
    dx = u[..., 3] * 4.0 + 0.5
    dy = u[..., 4] * 2.0 + 0.5
    dz = u[..., 5] * 2.0 + 0.5
    ry = u[..., 6] * 2.0 * np.pi - np.pi
    box_preds = jnp.stack([cx, cy, cz, dx, dy, dz, ry], axis=-1)
    cls_preds = jax.random.normal(k2, (B, N, NUM_CLASS), dtype=jnp.float32)
    return {"box_preds": box_preds, "cls_preds": cls_preds}


def _bev_iou(boxes):
    # Axis-aligned BEV IoU (standard approximation of rotated-box IoU)
    cx, cy, dx, dy = boxes[:, 0], boxes[:, 1], boxes[:, 3], boxes[:, 4]
    x1 = cx - dx * 0.5
    x2 = cx + dx * 0.5
    y1 = cy - dy * 0.5
    y2 = cy + dy * 0.5
    area = dx * dy
    xx1 = jnp.maximum(x1[:, None], x1[None, :])
    xx2 = jnp.minimum(x2[:, None], x2[None, :])
    yy1 = jnp.maximum(y1[:, None], y1[None, :])
    yy2 = jnp.minimum(y2[:, None], y2[None, :])
    inter = jnp.clip(xx2 - xx1, 0.0) * jnp.clip(yy2 - yy1, 0.0)
    union = area[:, None] + area[None, :] - inter
    return inter / jnp.maximum(union, 1e-6)


def _nms_single(boxes, cls):
    # cur_roi_scores, cur_roi_labels = torch.max(cls_preds, dim=1)
    cur_scores = jnp.max(cls, axis=1)
    cur_labels = jnp.argmax(cls, axis=1)
    # class_agnostic_nms: top-k pre-selection by score
    topk_scores, topk_idx = jax.lax.top_k(cur_scores, PRE_MAX)
    topk_boxes = jnp.take(boxes, topk_idx, axis=0)
    topk_labels = jnp.take(cur_labels, topk_idx, axis=0)
    iou = jax.lax.stop_gradient(_bev_iou(topk_boxes))
    ar = jnp.arange(PRE_MAX)

    def body(i, keep):
        suppress = (iou[i] > NMS_THRESH) & (ar > i)
        return jnp.where(keep[i], keep & (~suppress), keep)

    keep = jax.lax.fori_loop(0, PRE_MAX, body, jnp.ones((PRE_MAX,), dtype=bool))
    # kept boxes in descending-score order (topk already sorted), padded with zeros
    order = jnp.argsort(jnp.where(keep, ar, PRE_MAX + ar))
    sel = order[:POST_MAX]
    valid = jnp.take(keep, sel)
    vf = valid.astype(boxes.dtype)
    rois = jnp.take(topk_boxes, sel, axis=0) * vf[:, None]
    roi_scores = jnp.take(topk_scores, sel) * vf
    roi_labels = (jnp.take(topk_labels, sel).astype(jnp.int32) + 1) * valid.astype(jnp.int32)
    return rois, roi_scores, roi_labels


def reference(box_preds, cls_preds):
    rois, roi_scores, roi_labels = jax.vmap(_nms_single)(box_preds, cls_preds)
    return rois, roi_scores, roi_labels

if __name__ == "__main__":
    import jax
    _d = setup_inputs()
    print(jax.jit(kernel)(*tuple(_d.values())))

</pallas_src>

<mosaic_0001>
module attributes {stable_mosaic.version = 14 : i64} {
  func.func @_nms_body(%arg0: i32, %arg1: memref<1x8x2048xf32, #tpu.memory_space<vmem>>, %arg2: memref<1x2048x8xf32, #tpu.memory_space<vmem>>, %arg3: memref<1x2048x16xf32, #tpu.memory_space<vmem>>, %arg4: memref<1x512x16xf32, #tpu.memory_space<vmem>>, %arg5: memref<1x2048xf32, #tpu.memory_space<vmem>>, %arg6: memref<656x16xf32, #tpu.memory_space<vmem>>, %arg7: memref<2048x2048xbf16, #tpu.memory_space<vmem>>) attributes {dimension_semantics = [#tpu.dimension_semantics<arbitrary>], iteration_bounds = array<i64: 4>, scalar_prefetch = 0 : i64, scratch_operands = 3 : i64, tpu.core_type = #tpu.core_type<tc>, window_params = [{transform_indices = @transform_0, window_bounds = array<i64: 1, 8, 2048>}, {transform_indices = @transform_1, window_bounds = array<i64: 1, 2048, 8>}, {transform_indices = @transform_2, window_bounds = array<i64: 1, 2048, 16>}, {transform_indices = @transform_3, window_bounds = array<i64: 1, 512, 16>}]} {
    %iota3A = tpu.iota {dimensions = array<i32: 1>} : vector<1x128xi32>
    %iota3A_0 = tpu.iota {dimensions = array<i32: 0>} : vector<128x1xi32>
    %lt3A = vector.broadcast %iota3A_0 : vector<128x1xi32> to vector<128x128xi32>
    %lt3A_1 = vector.broadcast %iota3A : vector<1x128xi32> to vector<128x128xi32>
    %lt3A_2 = arith.cmpi slt, %lt3A, %lt3A_1 : vector<128x128xi32>
    %convert_element_type3A = arith.extui %lt3A_2 : vector<128x128xi1> to vector<128x128xi32>
    %convert_element_type3A_3 = arith.sitofp %convert_element_type3A : vector<128x128xi32> to vector<128x128xf32>
    %convert_element_type3A_4 = arith.truncf %convert_element_type3A_3 : vector<128x128xf32> to vector<128x128xbf16>
    %iota3A_5 = tpu.iota {dimensions = array<i32: 0>} : vector<136x1xi32>
    %convert_element_type3A_6 = arith.sitofp %iota3A_5 : vector<136x1xi32> to vector<136x1xf32>
    %iota3A_7 = tpu.iota {dimensions = array<i32: 1>} : vector<1x2048xi32>
    %broadcast_in_dim3A = arith.constant 0.000000e+00 : f32
    %broadcast_in_dim3A_8 = vector.broadcast %broadcast_in_dim3A : f32 to vector<656x16xf32>
    %swap3A = arith.constant 0 : index
    %swap3A_9 = arith.constant 0 : index
    %swap3A_10 = vector.load %arg6[%swap3A, %swap3A_9] : memref<656x16xf32, #tpu.memory_space<vmem>>, vector<656x16xf32>
    tpu.vector_store %arg6[%swap3A, %swap3A_9], %broadcast_in_dim3A_8 {strides = array<i32>} : memref<656x16xf32, #tpu.memory_space<vmem>>, vector<656x16xf32>,
    %broadcast_in_dim3A_11 = arith.constant 0.000000e+00 : bf16
    %broadcast_in_dim3A_12 = vector.broadcast %broadcast_in_dim3A_11 : bf16 to vector<128x2048xbf16>
    %swap3A_13 = arith.constant 0 : index
    %swap3A_14 = arith.constant 0 : index
    %swap3A_15 = vector.load %arg7[%swap3A_13, %swap3A_14] : memref<2048x2048xbf16, #tpu.memory_space<vmem>>, vector<128x2048xbf16>
    tpu.vector_store %arg7[%swap3A_13, %swap3A_14], %broadcast_in_dim3A_12 {strides = array<i32>} : memref<2048x2048xbf16, #tpu.memory_space<vmem>>, vector<128x2048xbf16>,
    %broadcast_in_dim3A_16 = arith.constant 0.000000e+00 : bf16
    %broadcast_in_dim3A_17 = vector.broadcast %broadcast_in_dim3A_16 : bf16 to vector<128x2048xbf16>
    %swap3A_18 = arith.constant 128 : index
    %swap3A_19 = arith.constant 0 : index
    %swap3A_20 = vector.load %arg7[%swap3A_18, %swap3A_19] : memref<2048x2048xbf16, #tpu.memory_space<vmem>>, vector<128x2048xbf16>
    tpu.vector_store %arg7[%swap3A_18, %swap3A_19], %broadcast_in_dim3A_17 {strides = array<i32>} : memref<2048x2048xbf16, #tpu.memory_space<vmem>>, vector<128x2048xbf16>,
    %broadcast_in_dim3A_21 = arith.constant 0.000000e+00 : bf16
    %broadcast_in_dim3A_22 = vector.broadcast %broadcast_in_dim3A_21 : bf16 to vector<128x2048xbf16>
    %swap3A_23 = arith.constant 256 : index
    %swap3A_24 = arith.constant 0 : index
    %swap3A_25 = vector.load %arg7[%swap3A_23, %swap3A_24] : memref<2048x2048xbf16, #tpu.memory_space<vmem>>, vector<128x2048xbf16>
    tpu.vector_store %arg7[%swap3A_23, %swap3A_24], %broadcast_in_dim3A_22 {strides = array<i32>} : memref<2048x2048xbf16, #tpu.memory_space<vmem>>, vector<128x2048xbf16>,
    %broadcast_in_dim3A_26 = arith.constant 0.000000e+00 : bf16
    %broadcast_in_dim3A_27 = vector.broadcast %broadcast_in_dim3A_26 : bf16 to vector<128x2048xbf16>
    %swap3A_28 = arith.constant 384 : index
    %swap3A_29 = arith.constant 0 : index
    %swap3A_30 = vector.load %arg7[%swap3A_28, %swap3A_29] : memref<2048x2048xbf16, #tpu.memory_space<vmem>>, vector<128x2048xbf16>
    tpu.vector_store %arg7[%swap3A_28, %swap3A_29], %broadcast_in_dim3A_27 {strides = array<i32>} : memref<2048x2048xbf16, #tpu.memory_space<vmem>>, vector<128x2048xbf16>,
    %broadcast_in_dim3A_31 = arith.constant 0.000000e+00 : bf16
    %broadcast_in_dim3A_32 = vector.broadcast %broadcast_in_dim3A_31 : bf16 to vector<128x2048xbf16>
    %swap3A_33 = arith.constant 512 : index
    %swap3A_34 = arith.constant 0 : index
    %swap3A_35 = vector.load %arg7[%swap3A_33, %swap3A_34] : memref<2048x2048xbf16, #tpu.memory_space<vmem>>, vector<128x2048xbf16>
    tpu.vector_store %arg7[%swap3A_33, %swap3A_34], %broadcast_in_dim3A_32 {strides = array<i32>} : memref<2048x2048xbf16, #tpu.memory_space<vmem>>, vector<128x2048xbf16>,
    %broadcast_in_dim3A_36 = arith.constant 0.000000e+00 : bf16
    %broadcast_in_dim3A_37 = vector.broadcast %broadcast_in_dim3A_36 : bf16 to vector<128x2048xbf16>
    %swap3A_38 = arith.constant 640 : index
    %swap3A_39 = arith.constant 0 : index
    %swap3A_40 = vector.load %arg7[%swap3A_38, %swap3A_39] : memref<2048x2048xbf16, #tpu.memory_space<vmem>>, vector<128x2048xbf16>
    tpu.vector_store %arg7[%swap3A_38, %swap3A_39], %broadcast_in_dim3A_37 {strides = array<i32>} : memref<2048x2048xbf16, #tpu.memory_space<vmem>>, vector<128x2048xbf16>,
    %broadcast_in_dim3A_41 = arith.constant 0.000000e+00 : bf16
    %broadcast_in_dim3A_42 = vector.broadcast %broadcast_in_dim3A_41 : bf16 to vector<128x2048xbf16>
    %swap3A_43 = arith.constant 768 : index
    %swap3A_44 = arith.constant 0 : index
    %swap3A_45 = vector.load %arg7[%swap3A_43, %swap3A_44] : memref<2048x2048xbf16, #tpu.memory_space<vmem>>, vector<128x2048xbf16>
    tpu.vector_store %arg7[%swap3A_43, %swap3A_44], %broadcast_in_dim3A_42 {strides = array<i32>} : memref<2048x2048xbf16, #tpu.memory_space<vmem>>, vector<128x2048xbf16>,
    %broadcast_in_dim3A_46 = arith.constant 0.000000e+00 : bf16
    %broadcast_in_dim3A_47 = vector.broadcast %broadcast_in_dim3A_46 : bf16 to vector<128x2048xbf16>
    %swap3A_48 = arith.constant 896 : index
    %swap3A_49 = arith.constant 0 : index
    %swap3A_50 = vector.load %arg7[%swap3A_48, %swap3A_49] : memref<2048x2048xbf16, #tpu.memory_space<vmem>>, vector<128x2048xbf16>
    tpu.vector_store %arg7[%swap3A_48, %swap3A_49], %broadcast_in_dim3A_47 {strides = array<i32>} : memref<2048x2048xbf16, #tpu.memory_space<vmem>>, vector<128x2048xbf16>,
    %broadcast_in_dim3A_51 = arith.constant 0.000000e+00 : bf16
    %broadcast_in_dim3A_52 = vector.broadcast %broadcast_in_dim3A_51 : bf16 to vector<128x2048xbf16>
    %swap3A_53 = arith.constant 1024 : index
    %swap3A_54 = arith.constant 0 : index
    %swap3A_55 = vector.load %arg7[%swap3A_53, %swap3A_54] : memref<2048x2048xbf16, #tpu.memory_space<vmem>>, vector<128x2048xbf16>
    tpu.vector_store %arg7[%swap3A_53, %swap3A_54], %broadcast_in_dim3A_52 {strides = array<i32>} : memref<2048x2048xbf16, #tpu.memory_space<vmem>>, vector<128x2048xbf16>,
    %broadcast_in_dim3A_56 = arith.constant 0.000000e+00 : bf16
    %broadcast_in_dim3A_57 = vector.broadcast %broadcast_in_dim3A_56 : bf16 to vector<128x2048xbf16>
    %swap3A_58 = arith.constant 1152 : index
    %swap3A_59 = arith.constant 0 : index
    %swap3A_60 = vector.load %arg7[%swap3A_58, %swap3A_59] : memref<2048x2048xbf16, #tpu.memory_space<vmem>>, vector<128x2048xbf16>
    tpu.vector_store %arg7[%swap3A_58, %swap3A_59], %broadcast_in_dim3A_57 {strides = array<i32>} : memref<2048x2048xbf16, #tpu.memory_space<vmem>>, vector<128x2048xbf16>,
    %broadcast_in_dim3A_61 = arith.constant 0.000000e+00 : bf16
    %broadcast_in_dim3A_62 = vector.broadcast %broadcast_in_dim3A_61 : bf16 to vector<128x2048xbf16>
    %swap3A_63 = arith.constant 1280 : index
    %swap3A_64 = arith.constant 0 : index
    %swap3A_65 = vector.load %arg7[%swap3A_63, %swap3A_64] : memref<2048x2048xbf16, #tpu.memory_space<vmem>>, vector<128x2048xbf16>
    tpu.vector_store %arg7[%swap3A_63, %swap3A_64], %broadcast_in_dim3A_62 {strides = array<i32>} : memref<2048x2048xbf16, #tpu.memory_space<vmem>>, vector<128x2048xbf16>,
    %broadcast_in_dim3A_66 = arith.constant 0.000000e+00 : bf16
    %broadcast_in_dim3A_67 = vector.broadcast %broadcast_in_dim3A_66 : bf16 to vector<128x2048xbf16>
    %swap3A_68 = arith.constant 1408 : index
    %swap3A_69 = arith.constant 0 : index
    %swap3A_70 = vector.load %arg7[%swap3A_68, %swap3A_69] : memref<2048x2048xbf16, #tpu.memory_space<vmem>>, vector<128x2048xbf16>
    tpu.vector_store %arg7[%swap3A_68, %swap3A_69], %broadcast_in_dim3A_67 {strides = array<i32>} : memref<2048x2048xbf16, #tpu.memory_space<vmem>>, vector<128x2048xbf16>,
    %broadcast_in_dim3A_71 = arith.constant 0.000000e+00 : bf16
    %broadcast_in_dim3A_72 = vector.broadcast %broadcast_in_dim3A_71 : bf16 to vector<128x2048xbf16>
    %swap3A_73 = arith.constant 1536 : index
    %swap3A_74 = arith.constant 0 : index
    %swap3A_75 = vector.load %arg7[%swap3A_73, %swap3A_74] : memref<2048x2048xbf16, #tpu.memory_space<vmem>>, vector<128x2048xbf16>
    tpu.vector_store %arg7[%swap3A_73, %swap3A_74], %broadcast_in_dim3A_72 {strides = array<i32>} : memref<2048x2048xbf16, #tpu.memory_space<vmem>>, vector<128x2048xbf16>,
    %broadcast_in_dim3A_76 = arith.constant 0.000000e+00 : bf16
    %broadcast_in_dim3A_77 = vector.broadcast %broadcast_in_dim3A_76 : bf16 to vector<128x2048xbf16>
    %swap3A_78 = arith.constant 1664 : index
    %swap3A_79 = arith.constant 0 : index
    %swap3A_80 = vector.load %arg7[%swap3A_78, %swap3A_79] : memref<2048x2048xbf16, #tpu.memory_space<vmem>>, vector<128x2048xbf16>
    tpu.vector_store %arg7[%swap3A_78, %swap3A_79], %broadcast_in_dim3A_77 {strides = array<i32>} : memref<2048x2048xbf16, #tpu.memory_space<vmem>>, vector<128x2048xbf16>,
    %broadcast_in_dim3A_81 = arith.constant 0.000000e+00 : bf16
    %broadcast_in_dim3A_82 = vector.broadcast %broadcast_in_dim3A_81 : bf16 to vector<128x2048xbf16>
    %swap3A_83 = arith.constant 1792 : index
    %swap3A_84 = arith.constant 0 : index
    %swap3A_85 = vector.load %arg7[%swap3A_83, %swap3A_84] : memref<2048x2048xbf16, #tpu.memory_space<vmem>>, vector<128x2048xbf16>
    tpu.vector_store %arg7[%swap3A_83, %swap3A_84], %broadcast_in_dim3A_82 {strides = array<i32>} : memref<2048x2048xbf16, #tpu.memory_space<vmem>>, vector<128x2048xbf16>,
    %broadcast_in_dim3A_86 = arith.constant 0.000000e+00 : bf16
    %broadcast_in_dim3A_87 = vector.broadcast %broadcast_in_dim3A_86 : bf16 to vector<128x2048xbf16>
    %swap3A_88 = arith.constant 1920 : index
    %swap3A_89 = arith.constant 0 : index
    %swap3A_90 = vector.load %arg7[%swap3A_88, %swap3A_89] : memref<2048x2048xbf16, #tpu.memory_space<vmem>>, vector<128x2048xbf16>
    tpu.vector_store %arg7[%swap3A_88, %swap3A_89], %broadcast_in_dim3A_87 {strides = array<i32>} : memref<2048x2048xbf16, #tpu.memory_space<vmem>>, vector<128x2048xbf16>,
    %get3A = arith.constant 0 : index
    %get3A_91 = arith.constant 0 : index
    %get3A_92 = arith.constant 0 : index
    %get3A_93 = vector.load %arg1[%get3A, %get3A_91, %get3A_92] : memref<1x8x2048xf32, #tpu.memory_space<vmem>>, vector<1x1x1024xf32>
    %get3A_94 = vector.shape_cast %get3A_93 : vector<1x1x1024xf32> to vector<1x1024xf32>
    %get3A_95 = arith.constant 0 : index
    %get3A_96 = arith.constant 1 : index
    %get3A_97 = arith.constant 0 : index
    %get3A_98 = vector.load %arg1[%get3A_95, %get3A_96, %get3A_97] : memref<1x8x2048xf32, #tpu.memory_space<vmem>>, vector<1x1x1024xf32>
    %get3A_99 = vector.shape_cast %get3A_98 : vector<1x1x1024xf32> to vector<1x1024xf32>
    %get3A_100 = arith.constant 0 : index
    %get3A_101 = arith.constant 2 : index
    %get3A_102 = arith.constant 0 : index
    %get3A_103 = vector.load %arg1[%get3A_100, %get3A_101, %get3A_102] : memref<1x8x2048xf32, #tpu.memory_space<vmem>>, vector<1x1x1024xf32>
    %get3A_104 = vector.shape_cast %get3A_103 : vector<1x1x1024xf32> to vector<1x1024xf32>
    %get3A_105 = arith.constant 0 : index
    %get3A_106 = arith.constant 3 : index
    %get3A_107 = arith.constant 0 : index
    %get3A_108 = vector.load %arg1[%get3A_105, %get3A_106, %get3A_107] : memref<1x8x2048xf32, #tpu.memory_space<vmem>>, vector<1x1x1024xf32>
    %get3A_109 = vector.shape_cast %get3A_108 : vector<1x1x1024xf32> to vector<1x1024xf32>
    %get3A_110 = arith.constant 0 : index
    %get3A_111 = arith.constant 4 : index
    %get3A_112 = arith.constant 0 : index
    %get3A_113 = vector.load %arg1[%get3A_110, %get3A_111, %get3A_112] : memref<1x8x2048xf32, #tpu.memory_space<vmem>>, vector<1x1x1024xf32>
    %get3A_114 = vector.shape_cast %get3A_113 : vector<1x1x1024xf32> to vector<1x1024xf32>
    %scan3A = arith.constant 0 : i32
    %scan3A_115 = arith.constant 8 : i32
    %scan3A_116 = arith.addi %scan3A, %scan3A_115 : i32
    %scan3A_117 = arith.constant 1 : i32
    scf.for %scan3A_1611 = %scan3A to %scan3A_116 step %scan3A_117  : i32 {
      %mul3A_1612 = arith.constant 128 : i32
      %mul3A_1613 = arith.muli %scan3A_1611, %mul3A_1612 : i32
      %get3A_1614 = arith.constant 0 : index
      %get3A_1615 = arith.index_cast %mul3A_1613 : i32 to index
      %get3A_1616 = arith.constant 0 : index
      %get3A_1617 = vector.load %arg2[%get3A_1614, %get3A_1615, %get3A_1616] : memref<1x2048x8xf32, #tpu.memory_space<vmem>>, vector<1x128x1xf32>
      %get3A_1618 = vector.shape_cast %get3A_1617 : vector<1x128x1xf32> to vector<128x1xf32>
      %get3A_1619 = arith.constant 0 : index
      %get3A_1620 = arith.index_cast %mul3A_1613 : i32 to index
      %get3A_1621 = arith.constant 1 : index
      %get3A_1622 = vector.load %arg2[%get3A_1619, %get3A_1620, %get3A_1621] : memref<1x2048x8xf32, #tpu.memory_space<vmem>>, vector<1x128x1xf32>
      %get3A_1623 = vector.shape_cast %get3A_1622 : vector<1x128x1xf32> to vector<128x1xf32>
      %get3A_1624 = arith.constant 0 : index
      %get3A_1625 = arith.index_cast %mul3A_1613 : i32 to index
      %get3A_1626 = arith.constant 2 : index
      %get3A_1627 = vector.load %arg2[%get3A_1624, %get3A_1625, %get3A_1626] : memref<1x2048x8xf32, #tpu.memory_space<vmem>>, vector<1x128x1xf32>
      %get3A_1628 = vector.shape_cast %get3A_1627 : vector<1x128x1xf32> to vector<128x1xf32>
      %get3A_1629 = arith.constant 0 : index
      %get3A_1630 = arith.index_cast %mul3A_1613 : i32 to index
      %get3A_1631 = arith.constant 3 : index
      %get3A_1632 = vector.load %arg2[%get3A_1629, %get3A_1630, %get3A_1631] : memref<1x2048x8xf32, #tpu.memory_space<vmem>>, vector<1x128x1xf32>
      %get3A_1633 = vector.shape_cast %get3A_1632 : vector<1x128x1xf32> to vector<128x1xf32>
      %get3A_1634 = arith.constant 0 : index
      %get3A_1635 = arith.index_cast %mul3A_1613 : i32 to index
      %get3A_1636 = arith.constant 4 : index
      %get3A_1637 = vector.load %arg2[%get3A_1634, %get3A_1635, %get3A_1636] : memref<1x2048x8xf32, #tpu.memory_space<vmem>>, vector<1x128x1xf32>
      %get3A_1638 = vector.shape_cast %get3A_1637 : vector<1x128x1xf32> to vector<128x1xf32>
      %max3A = vector.broadcast %get3A_1618 : vector<128x1xf32> to vector<128x1024xf32>
      %max3A_1639 = vector.broadcast %get3A_94 : vector<1x1024xf32> to vector<128x1024xf32>
      %max3A_1640 = arith.maximumf %max3A, %max3A_1639 : vector<128x1024xf32>
      %min3A_1641 = vector.broadcast %get3A_1623 : vector<128x1xf32> to vector<128x1024xf32>
      %min3A_1642 = vector.broadcast %get3A_99 : vector<1x1024xf32> to vector<128x1024xf32>
      %min3A_1643 = arith.minimumf %min3A_1641, %min3A_1642 : vector<128x1024xf32>
      %max3A_1644 = vector.broadcast %get3A_1628 : vector<128x1xf32> to vector<128x1024xf32>
      %max3A_1645 = vector.broadcast %get3A_104 : vector<1x1024xf32> to vector<128x1024xf32>
      %max3A_1646 = arith.maximumf %max3A_1644, %max3A_1645 : vector<128x1024xf32>
      %min3A_1647 = vector.broadcast %get3A_1633 : vector<128x1xf32> to vector<128x1024xf32>
      %min3A_1648 = vector.broadcast %get3A_109 : vector<1x1024xf32> to vector<128x1024xf32>
      %min3A_1649 = arith.minimumf %min3A_1647, %min3A_1648 : vector<128x1024xf32>
      %sub3A_1650 = arith.subf %min3A_1643, %max3A_1640 : vector<128x1024xf32>
      %max3A_1651 = arith.constant 0.000000e+00 : f32
      %max3A_1652 = vector.broadcast %max3A_1651 : f32 to vector<128x1024xf32>
      %max3A_1653 = arith.maximumf %sub3A_1650, %max3A_1652 : vector<128x1024xf32>
      %sub3A_1654 = arith.subf %min3A_1649, %max3A_1646 : vector<128x1024xf32>
      %max3A_1655 = arith.constant 0.000000e+00 : f32
      %max3A_1656 = vector.broadcast %max3A_1655 : f32 to vector<128x1024xf32>
      %max3A_1657 = arith.maximumf %sub3A_1654, %max3A_1656 : vector<128x1024xf32>
      %mul3A_1658 = arith.mulf %max3A_1653, %max3A_1657 : vector<128x1024xf32>
      %add3A_1659 = vector.broadcast %get3A_1638 : vector<128x1xf32> to vector<128x1024xf32>
      %add3A_1660 = vector.broadcast %get3A_114 : vector<1x1024xf32> to vector<128x1024xf32>
      %add3A_1661 = arith.addf %add3A_1659, %add3A_1660 : vector<128x1024xf32>
      %sub3A_1662 = arith.subf %add3A_1661, %mul3A_1658 : vector<128x1024xf32>
      %mul3A_1663 = arith.constant 0.699999988 : f32
      %mul3A_1664 = vector.broadcast %mul3A_1663 : f32 to vector<128x1024xf32>
      %mul3A_1665 = arith.mulf %mul3A_1664, %sub3A_1662 : vector<128x1024xf32>
      %gt3A = arith.cmpf ogt, %mul3A_1658, %mul3A_1665 : vector<128x1024xf32>
      %convert_element_type3A_1666 = arith.extui %gt3A : vector<128x1024xi1> to vector<128x1024xi32>
      %convert_element_type3A_1667 = arith.sitofp %convert_element_type3A_1666 : vector<128x1024xi32> to vector<128x1024xf32>
      %convert_element_type3A_1668 = arith.truncf %convert_element_type3A_1667 : vector<128x1024xf32> to vector<128x1024xbf16>
      %swap3A_1669 = arith.index_cast %mul3A_1613 : i32 to index
      %swap3A_1670 = arith.constant 0 : index
      %swap3A_1671 = vector.load %arg7[%swap3A_1669, %swap3A_1670] : memref<2048x2048xbf16, #tpu.memory_space<vmem>>, vector<128x1024xbf16>
      tpu.vector_store %arg7[%swap3A_1669, %swap3A_1670], %convert_element_type3A_1668 {strides = array<i32>} : memref<2048x2048xbf16, #tpu.memory_space<vmem>>, vector<128x1024xbf16>,
    }
    %scan3A_118 = arith.constant 8 : i32
    %get3A_119 = arith.constant 0 : index
    %get3A_120 = arith.constant 0 : index
    %get3A_121 = arith.constant 1024 : index
    %get3A_122 = vector.load %arg1[%get3A_119, %get3A_120, %get3A_121] : memref<1x8x2048xf32, #tpu.memory_space<vmem>>, vector<1x1x1024xf32>
    %get3A_123 = vector.shape_cast %get3A_122 : vector<1x1x1024xf32> to vector<1x1024xf32>
    %get3A_124 = arith.constant 0 : index
    %get3A_125 = arith.constant 1 : index
    %get3A_126 = arith.constant 1024 : index
    %get3A_127 = vector.load %arg1[%get3A_124, %get3A_125, %get3A_126] : memref<1x8x2048xf32, #tpu.memory_space<vmem>>, vector<1x1x1024xf32>
    %get3A_128 = vector.shape_cast %get3A_127 : vector<1x1x1024xf32> to vector<1x1024xf32>
    %get3A_129 = arith.constant 0 : index
    %get3A_130 = arith.constant 2 : index
    %get3A_131 = arith.constant 1024 : index
    %get3A_132 = vector.load %arg1[%get3A_129, %get3A_130, %get3A_131] : memref<1x8x2048xf32, #tpu.memory_space<vmem>>, vector<1x1x1024xf32>
    %get3A_133 = vector.shape_cast %get3A_132 : vector<1x1x1024xf32> to vector<1x1024xf32>
    %get3A_134 = arith.constant 0 : index
    %get3A_135 = arith.constant 3 : index
    %get3A_136 = arith.constant 1024 : index
    %get3A_137 = vector.load %arg1[%get3A_134, %get3A_135, %get3A_136] : memref<1x8x2048xf32, #tpu.memory_space<vmem>>, vector<1x1x1024xf32>
    %get3A_138 = vector.shape_cast %get3A_137 : vector<1x1x1024xf32> to vector<1x1024xf32>
    %get3A_139 = arith.constant 0 : index
    %get3A_140 = arith.constant 4 : index
    %get3A_141 = arith.constant 1024 : index
    %get3A_142 = vector.load %arg1[%get3A_139, %get3A_140, %get3A_141] : memref<1x8x2048xf32, #tpu.memory_space<vmem>>, vector<1x1x1024xf32>
    %get3A_143 = vector.shape_cast %get3A_142 : vector<1x1x1024xf32> to vector<1x1024xf32>
    %scan3A_144 = arith.constant 0 : i32
    %scan3A_145 = arith.constant 16 : i32
    %scan3A_146 = arith.addi %scan3A_144, %scan3A_145 : i32
    %scan3A_147 = arith.constant 1 : i32
    scf.for %scan3A_1611 = %scan3A_144 to %scan3A_146 step %scan3A_147  : i32 {
      %mul3A_1612 = arith.constant 128 : i32
      %mul3A_1613 = arith.muli %scan3A_1611, %mul3A_1612 : i32
      %get3A_1614 = arith.constant 0 : index
      %get3A_1615 = arith.index_cast %mul3A_1613 : i32 to index
      %get3A_1616 = arith.constant 0 : index
      %get3A_1617 = vector.load %arg2[%get3A_1614, %get3A_1615, %get3A_1616] : memref<1x2048x8xf32, #tpu.memory_space<vmem>>, vector<1x128x1xf32>
      %get3A_1618 = vector.shape_cast %get3A_1617 : vector<1x128x1xf32> to vector<128x1xf32>
      %get3A_1619 = arith.constant 0 : index
      %get3A_1620 = arith.index_cast %mul3A_1613 : i32 to index
      %get3A_1621 = arith.constant 1 : index
      %get3A_1622 = vector.load %arg2[%get3A_1619, %get3A_1620, %get3A_1621] : memref<1x2048x8xf32, #tpu.memory_space<vmem>>, vector<1x128x1xf32>
      %get3A_1623 = vector.shape_cast %get3A_1622 : vector<1x128x1xf32> to vector<128x1xf32>
      %get3A_1624 = arith.constant 0 : index
      %get3A_1625 = arith.index_cast %mul3A_1613 : i32 to index
      %get3A_1626 = arith.constant 2 : index
      %get3A_1627 = vector.load %arg2[%get3A_1624, %get3A_1625, %get3A_1626] : memref<1x2048x8xf32, #tpu.memory_space<vmem>>, vector<1x128x1xf32>
      %get3A_1628 = vector.shape_cast %get3A_1627 : vector<1x128x1xf32> to vector<128x1xf32>
      %get3A_1629 = arith.constant 0 : index
      %get3A_1630 = arith.index_cast %mul3A_1613 : i32 to index
      %get3A_1631 = arith.constant 3 : index
      %get3A_1632 = vector.load %arg2[%get3A_1629, %get3A_1630, %get3A_1631] : memref<1x2048x8xf32, #tpu.memory_space<vmem>>, vector<1x128x1xf32>
      %get3A_1633 = vector.shape_cast %get3A_1632 : vector<1x128x1xf32> to vector<128x1xf32>
      %get3A_1634 = arith.constant 0 : index
      %get3A_1635 = arith.index_cast %mul3A_1613 : i32 to index
      %get3A_1636 = arith.constant 4 : index
      %get3A_1637 = vector.load %arg2[%get3A_1634, %get3A_1635, %get3A_1636] : memref<1x2048x8xf32, #tpu.memory_space<vmem>>, vector<1x128x1xf32>
      %get3A_1638 = vector.shape_cast %get3A_1637 : vector<1x128x1xf32> to vector<128x1xf32>
      %max3A = vector.broadcast %get3A_1618 : vector<128x1xf32> to vector<128x1024xf32>
      %max3A_1639 = vector.broadcast %get3A_123 : vector<1x1024xf32> to vector<128x1024xf32>
      %max3A_1640 = arith.maximumf %max3A, %max3A_1639 : vector<128x1024xf32>
      %min3A_1641 = vector.broadcast %get3A_1623 : vector<128x1xf32> to vector<128x1024xf32>
      %min3A_1642 = vector.broadcast %get3A_128 : vector<1x1024xf32> to vector<128x1024xf32>
      %min3A_1643 = arith.minimumf %min3A_1641, %min3A_1642 : vector<128x1024xf32>
      %max3A_1644 = vector.broadcast %get3A_1628 : vector<128x1xf32> to vector<128x1024xf32>
      %max3A_1645 = vector.broadcast %get3A_133 : vector<1x1024xf32> to vector<128x1024xf32>
      %max3A_1646 = arith.maximumf %max3A_1644, %max3A_1645 : vector<128x1024xf32>
      %min3A_1647 = vector.broadcast %get3A_1633 : vector<128x1xf32> to vector<128x1024xf32>
      %min3A_1648 = vector.broadcast %get3A_138 : vector<1x1024xf32> to vector<128x1024xf32>
      %min3A_1649 = arith.minimumf %min3A_1647, %min3A_1648 : vector<128x1024xf32>
      %sub3A_1650 = arith.subf %min3A_1643, %max3A_1640 : vector<128x1024xf32>
      %max3A_1651 = arith.constant 0.000000e+00 : f32
      %max3A_1652 = vector.broadcast %max3A_1651 : f32 to vector<128x1024xf32>
      %max3A_1653 = arith.maximumf %sub3A_1650, %max3A_1652 : vector<128x1024xf32>
      %sub3A_1654 = arith.subf %min3A_1649, %max3A_1646 : vector<128x1024xf32>
      %max3A_1655 = arith.constant 0.000000e+00 : f32
      %max3A_1656 = vector.broadcast %max3A_1655 : f32 to vector<128x1024xf32>
      %max3A_1657 = arith.maximumf %sub3A_1654, %max3A_1656 : vector<128x1024xf32>
      %mul3A_1658 = arith.mulf %max3A_1653, %max3A_1657 : vector<128x1024xf32>
      %add3A_1659 = vector.broadcast %get3A_1638 : vector<128x1xf32> to vector<128x1024xf32>
      %add3A_1660 = vector.broadcast %get3A_143 : vector<1x1024xf32> to vector<128x1024xf32>
      %add3A_1661 = arith.addf %add3A_1659, %add3A_1660 : vector<128x1024xf32>
      %sub3A_1662 = arith.subf %add3A_1661, %mul3A_1658 : vector<128x1024xf32>
      %mul3A_1663 = arith.constant 0.699999988 : f32
      %mul3A_1664 = vector.broadcast %mul3A_1663 : f32 to vector<128x1024xf32>
      %mul3A_1665 = arith.mulf %mul3A_1664, %sub3A_1662 : vector<128x1024xf32>
      %gt3A = arith.cmpf ogt, %mul3A_1658, %mul3A_1665 : vector<128x1024xf32>
      %convert_element_type3A_1666 = arith.extui %gt3A : vector<128x1024xi1> to vector<128x1024xi32>
      %convert_element_type3A_1667 = arith.sitofp %convert_element_type3A_1666 : vector<128x1024xi32> to vector<128x1024xf32>
      %convert_element_type3A_1668 = arith.truncf %convert_element_type3A_1667 : vector<128x1024xf32> to vector<128x1024xbf16>
      %swap3A_1669 = arith.index_cast %mul3A_1613 : i32 to index
      %swap3A_1670 = arith.constant 1024 : index
      %swap3A_1671 = vector.load %arg7[%swap3A_1669, %swap3A_1670] : memref<2048x2048xbf16, #tpu.memory_space<vmem>>, vector<128x1024xbf16>
      tpu.vector_store %arg7[%swap3A_1669, %swap3A_1670], %convert_element_type3A_1668 {strides = array<i32>} : memref<2048x2048xbf16, #tpu.memory_space<vmem>>, vector<128x1024xbf16>,
    }
    %scan3A_148 = arith.constant 16 : i32
    %get3A_149 = arith.constant 0 : index
    %get3A_150 = arith.constant 0 : index
    %get3A_151 = vector.load %arg5[%get3A_149, %get3A_150] : memref<1x2048xf32, #tpu.memory_space<vmem>>, vector<1x2048xf32>
    %lt3A_152 = arith.constant 0 : i32
    %lt3A_153 = vector.broadcast %lt3A_152 : i32 to vector<1x2048xi32>
    %lt3A_154 = arith.cmpi slt, %iota3A_7, %lt3A_153 : vector<1x2048xi32>
    %jit3A = arith.constant 0.000000e+00 : f32
    %broadcast_in_dim3A_155 = vector.broadcast %jit3A : f32 to vector<1x2048xf32>
    %select_n3A = arith.select %lt3A_154, %get3A_151, %broadcast_in_dim3A_155 : vector<1x2048xi1>, vector<1x2048xf32>
    %convert_element_type3A_156 = arith.truncf %select_n3A : vector<1x2048xf32> to vector<1x2048xbf16>
    %get3A_157 = arith.constant 0 : index
    %get3A_158 = arith.constant 0 : index
    %get3A_159 = vector.load %arg7[%get3A_157, %get3A_158] : memref<2048x2048xbf16, #tpu.memory_space<vmem>>, vector<2048x128xbf16>
    %dot_general3A = arith.constant dense<0.000000e+00> : vector<1x128xf32>
    %dot_general3A_160 = tpu.matmul %convert_element_type3A_156, %get3A_159, %dot_general3A {dimension_numbers = #tpu.dot_dimension_numbers<[1], [0], [0], [1], [0, 0, 1, 1], [], []>, transpose_lhs_hint = false} : vector<1x2048xbf16>, vector<2048x128xbf16>, vector<1x128xf32> -> vector<1x128xf32>
    %lt3A_161 = arith.constant 5.000000e-01 : f32
    %lt3A_162 = vector.broadcast %lt3A_161 : f32 to vector<1x128xf32>
    %lt3A_163 = arith.cmpf olt, %dot_general3A_160, %lt3A_162 : vector<1x128xf32>
    %convert_element_type3A_164 = arith.extui %lt3A_163 : vector<1x128xi1> to vector<1x128xi32>
    %convert_element_type3A_165 = arith.sitofp %convert_element_type3A_164 : vector<1x128xi32> to vector<1x128xf32>
    %get3A_166 = arith.constant 0 : index
    %get3A_167 = arith.constant 0 : index
    %get3A_168 = vector.load %arg7[%get3A_166, %get3A_167] : memref<2048x2048xbf16, #tpu.memory_space<vmem>>, vector<128x128xbf16>
    %mul3A = arith.mulf %get3A_168, %convert_element_type3A_4 : vector<128x128xbf16>
    %while3A = arith.constant true
    %while3A_169:2 = scf.while (%while3A_1611 = %convert_element_type3A_165, %while3A_1612 = %while3A) : (vector<1x128xf32>, i1) -> (vector<1x128xf32>, i1) {
      scf.condition(%while3A_1612) %while3A_1611, %while3A_1612 : vector<1x128xf32>, i1
    } do {
    ^bb0(%while3A_1611: vector<1x128xf32>, %while3A_1612: i1):
      %convert_element_type3A_1613 = arith.truncf %while3A_1611 : vector<1x128xf32> to vector<1x128xbf16>
      %dot_general3A_1614 = arith.constant dense<0.000000e+00> : vector<1x128xf32>
      %dot_general3A_1615 = tpu.matmul %convert_element_type3A_1613, %mul3A, %dot_general3A_1614 {dimension_numbers = #tpu.dot_dimension_numbers<[1], [0], [0], [1], [0, 0, 1, 1], [], []>, transpose_lhs_hint = false} : vector<1x128xbf16>, vector<128x128xbf16>, vector<1x128xf32> -> vector<1x128xf32>
      %lt3A_1616 = arith.constant 5.000000e-01 : f32
      %lt3A_1617 = vector.broadcast %lt3A_1616 : f32 to vector<1x128xf32>
      %lt3A_1618 = arith.cmpf olt, %dot_general3A_1615, %lt3A_1617 : vector<1x128xf32>
      %convert_element_type3A_1619 = arith.extui %lt3A_1618 : vector<1x128xi1> to vector<1x128xi32>
      %convert_element_type3A_1620 = arith.sitofp %convert_element_type3A_1619 : vector<1x128xi32> to vector<1x128xf32>
      %mul3A_1621 = arith.mulf %convert_element_type3A_165, %convert_element_type3A_1620 : vector<1x128xf32>
      %ne3A_1622 = arith.cmpf one, %mul3A_1621, %while3A_1611 : vector<1x128xf32>
      %reduce_or3A = arith.constant 1.000000e+00 : f32
      %reduce_or3A_1623 = arith.constant 0.000000e+00 : f32
      %reduce_or3A_1624 = vector.broadcast %reduce_or3A : f32 to vector<1x128xf32>
      %reduce_or3A_1625 = vector.broadcast %reduce_or3A_1623 : f32 to vector<1x128xf32>
      %reduce_or3A_1626 = arith.select %ne3A_1622, %reduce_or3A_1624, %reduce_or3A_1625 : vector<1x128xi1>, vector<1x128xf32>
      %reduce_or3A_1627 = vector.shape_cast %reduce_or3A_1626 : vector<1x128xf32> to vector<1x1x128xf32>
      %reduce_or3A_1628 = arith.constant dense<0xFF800000> : vector<1xf32>
      %reduce_or3A_1629 = vector.multi_reduction <maximumf>, %reduce_or3A_1627, %reduce_or3A_1628 [1, 2] : vector<1x1x128xf32> to vector<1xf32>
      %reduce_or3A_1630 = vector.shape_cast %reduce_or3A_1629 : vector<1xf32> to vector<1x1x1xf32>
      %reduce_or3A_1631 = vector.extract %reduce_or3A_1630[0, 0, 0] : f32 from vector<1x1x1xf32>
      %reduce_or3A_1632 = arith.constant 0.000000e+00 : f32
      %reduce_or3A_1633 = arith.cmpf ogt, %reduce_or3A_1631, %reduce_or3A_1632 : f32
      scf.yield %mul3A_1621, %reduce_or3A_1633 : vector<1x128xf32>, i1
    }
    %swap3A_170 = arith.constant 0 : index
    %swap3A_171 = arith.constant 0 : index
    %swap3A_172 = vector.load %arg5[%swap3A_170, %swap3A_171] : memref<1x2048xf32, #tpu.memory_space<vmem>>, vector<1x128xf32>
    tpu.vector_store %arg5[%swap3A_170, %swap3A_171], %while3A_169#0 {strides = array<i32>} : memref<1x2048xf32, #tpu.memory_space<vmem>>, vector<1x128xf32>,
    %convert_element_type3A_173 = arith.truncf %while3A_169#0 : vector<1x128xf32> to vector<1x128xbf16>
    %dot_general3A_174 = arith.constant dense<0.000000e+00> : vector<1x128xf32>
    %dot_general3A_175 = tpu.matmul %convert_element_type3A_173, %convert_element_type3A_4, %dot_general3A_174 {dimension_numbers = #tpu.dot_dimension_numbers<[1], [0], [0], [1], [0, 0, 1, 1], [], []>, transpose_lhs_hint = false} : vector<1x128xbf16>, vector<128x128xbf16>, vector<1x128xf32> -> vector<1x128xf32>
    %jit3A_176 = arith.constant 0 : i32
    %jit3A_177 = arith.constant 8 : i32
    %div3A = arith.divsi %jit3A_176, %jit3A_177 : i32
    %sign3A = arith.constant 0 : i32
    %sign3A_178 = arith.cmpi sgt, %jit3A_176, %sign3A : i32
    %sign3A_179 = arith.extui %sign3A_178 : i1 to i32
    %sign3A_180 = arith.constant 0 : i32
    %sign3A_181 = arith.cmpi slt, %jit3A_176, %sign3A_180 : i32
    %sign3A_182 = arith.extui %sign3A_181 : i1 to i32
    %sign3A_183 = arith.subi %sign3A_179, %sign3A_182 : i32
    %sign3A_184 = arith.constant 0 : i32
    %sign3A_185 = arith.cmpi sgt, %jit3A_177, %sign3A_184 : i32
    %sign3A_186 = arith.extui %sign3A_185 : i1 to i32
    %sign3A_187 = arith.constant 0 : i32
    %sign3A_188 = arith.cmpi slt, %jit3A_177, %sign3A_187 : i32
    %sign3A_189 = arith.extui %sign3A_188 : i1 to i32
    %sign3A_190 = arith.subi %sign3A_186, %sign3A_189 : i32
    %ne3A = arith.cmpi ne, %sign3A_183, %sign3A_190 : i32
    %rem3A = arith.remsi %jit3A_176, %jit3A_177 : i32
    %ne3A_191 = arith.constant 0 : i32
    %ne3A_192 = arith.cmpi ne, %rem3A, %ne3A_191 : i32
    %and3A = arith.andi %ne3A, %ne3A_192 : i1
    %sub3A = arith.constant 1 : i32
    %sub3A_193 = arith.subi %div3A, %sub3A : i32
    %select_n3A_194 = arith.select %and3A, %sub3A_193, %div3A : i32
    %mul3A_195 = arith.constant 8 : i32
    %mul3A_196 = arith.muli %select_n3A_194, %mul3A_195 : i32
    %min3A = arith.constant 512 : i32
    %min3A_197 = arith.minsi %mul3A_196, %min3A : i32
    %sub3A_198 = arith.constant 0 : i32
    %sub3A_199 = arith.subi %sub3A_198, %min3A_197 : i32
    %convert_element_type3A_200 = arith.sitofp %sub3A_199 : i32 to f32
    %add3A = vector.broadcast %convert_element_type3A_200 : f32 to vector<1x128xf32>
    %add3A_201 = arith.addf %dot_general3A_175, %add3A : vector<1x128xf32>
    %eq3A = vector.broadcast %convert_element_type3A_6 : vector<136x1xf32> to vector<136x128xf32>
    %eq3A_202 = vector.broadcast %add3A_201 : vector<1x128xf32> to vector<136x128xf32>
    %eq3A_203 = arith.cmpf oeq, %eq3A, %eq3A_202 : vector<136x128xf32>
    %convert_element_type3A_204 = arith.extui %eq3A_203 : vector<136x128xi1> to vector<136x128xi32>
    %convert_element_type3A_205 = arith.sitofp %convert_element_type3A_204 : vector<136x128xi32> to vector<136x128xf32>
    %mul3A_206 = vector.broadcast %while3A_169#0 : vector<1x128xf32> to vector<136x128xf32>
    %mul3A_207 = arith.mulf %convert_element_type3A_205, %mul3A_206 : vector<136x128xf32>
    %get3A_208 = arith.constant 0 : index
    %get3A_209 = arith.constant 0 : index
    %get3A_210 = arith.constant 0 : index
    %get3A_211 = vector.load %arg3[%get3A_208, %get3A_209, %get3A_210] : memref<1x2048x16xf32, #tpu.memory_space<vmem>>, vector<1x128x16xf32>
    %get3A_212 = vector.shape_cast %get3A_211 : vector<1x128x16xf32> to vector<128x16xf32>
    %dot_general3A_213 = arith.constant dense<0.000000e+00> : vector<136x16xf32>
    %dot_general3A_214 = tpu.matmul %mul3A_207, %get3A_212, %dot_general3A_213 {dimension_numbers = #tpu.dot_dimension_numbers<[1], [0], [0], [1], [0, 0, 1, 1], [], []>, transpose_lhs_hint = false} : vector<136x128xf32>, vector<128x16xf32>, vector<136x16xf32> -> vector<136x16xf32>
    %get3A_215 = arith.index_cast %min3A_197 : i32 to index
    %get3A_216 = arith.constant 0 : index
    %get3A_217 = vector.load %arg6[%get3A_215, %get3A_216] : memref<656x16xf32, #tpu.memory_space<vmem>>, vector<136x16xf32>
    %add3A_218 = arith.addf %get3A_217, %dot_general3A_214 : vector<136x16xf32>
    %swap3A_219 = arith.index_cast %min3A_197 : i32 to index
    %swap3A_220 = arith.constant 0 : index
    %swap3A_221 = vector.load %arg6[%swap3A_219, %swap3A_220] : memref<656x16xf32, #tpu.memory_space<vmem>>, vector<136x16xf32>
    tpu.vector_store %arg6[%swap3A_219, %swap3A_220], %add3A_218 {strides = array<i32>} : memref<656x16xf32, #tpu.memory_space<vmem>>, vector<136x16xf32>,
    %reduce_sum3A = vector.shape_cast %while3A_169#0 : vector<1x128xf32> to vector<1x1x128xf32>
    %reduce_sum3A_222 = arith.constant dense<0.000000e+00> : vector<1xf32>
    %reduce_sum3A_223 = vector.multi_reduction <add>, %reduce_sum3A, %reduce_sum3A_222 [1, 2] : vector<1x1x128xf32> to vector<1xf32>
    %reduce_sum3A_224 = vector.shape_cast %reduce_sum3A_223 : vector<1xf32> to vector<1x1x1xf32>
    %reduce_sum3A_225 = vector.extract %reduce_sum3A_224[0, 0, 0] : f32 from vector<1x1x1xf32>
    %add3A_226 = arith.constant 0.000000e+00 : f32
    %add3A_227 = arith.addf %add3A_226, %reduce_sum3A_225 : f32
    %get3A_228 = arith.constant 0 : index
    %get3A_229 = arith.constant 0 : index
    %get3A_230 = vector.load %arg5[%get3A_228, %get3A_229] : memref<1x2048xf32, #tpu.memory_space<vmem>>, vector<1x2048xf32>
    %lt3A_231 = arith.constant 128 : i32
    %lt3A_232 = vector.broadcast %lt3A_231 : i32 to vector<1x2048xi32>
    %lt3A_233 = arith.cmpi slt, %iota3A_7, %lt3A_232 : vector<1x2048xi32>
    %jit3A_234 = arith.constant 0.000000e+00 : f32
    %broadcast_in_dim3A_235 = vector.broadcast %jit3A_234 : f32 to vector<1x2048xf32>
    %select_n3A_236 = arith.select %lt3A_233, %get3A_230, %broadcast_in_dim3A_235 : vector<1x2048xi1>, vector<1x2048xf32>
    %convert_element_type3A_237 = arith.truncf %select_n3A_236 : vector<1x2048xf32> to vector<1x2048xbf16>
    %get3A_238 = arith.constant 0 : index
    %get3A_239 = arith.constant 128 : index
    %get3A_240 = vector.load %arg7[%get3A_238, %get3A_239] : memref<2048x2048xbf16, #tpu.memory_space<vmem>>, vector<2048x128xbf16>
    %dot_general3A_241 = arith.constant dense<0.000000e+00> : vector<1x128xf32>
    %dot_general3A_242 = tpu.matmul %convert_element_type3A_237, %get3A_240, %dot_general3A_241 {dimension_numbers = #tpu.dot_dimension_numbers<[1], [0], [0], [1], [0, 0, 1, 1], [], []>, transpose_lhs_hint = false} : vector<1x2048xbf16>, vector<2048x128xbf16>, vector<1x128xf32> -> vector<1x128xf32>
    %lt3A_243 = arith.constant 5.000000e-01 : f32
    %lt3A_244 = vector.broadcast %lt3A_243 : f32 to vector<1x128xf32>
    %lt3A_245 = arith.cmpf olt, %dot_general3A_242, %lt3A_244 : vector<1x128xf32>
    %convert_element_type3A_246 = arith.extui %lt3A_245 : vector<1x128xi1> to vector<1x128xi32>
    %convert_element_type3A_247 = arith.sitofp %convert_element_type3A_246 : vector<1x128xi32> to vector<1x128xf32>
    %get3A_248 = arith.constant 128 : index
    %get3A_249 = arith.constant 128 : index
    %get3A_250 = vector.load %arg7[%get3A_248, %get3A_249] : memref<2048x2048xbf16, #tpu.memory_space<vmem>>, vector<128x128xbf16>
    %mul3A_251 = arith.mulf %get3A_250, %convert_element_type3A_4 : vector<128x128xbf16>
    %while3A_252 = arith.constant true
    %while3A_253:2 = scf.while (%while3A_1611 = %convert_element_type3A_247, %while3A_1612 = %while3A_252) : (vector<1x128xf32>, i1) -> (vector<1x128xf32>, i1) {
      scf.condition(%while3A_1612) %while3A_1611, %while3A_1612 : vector<1x128xf32>, i1
    } do {
    ^bb0(%while3A_1611: vector<1x128xf32>, %while3A_1612: i1):
      %convert_element_type3A_1613 = arith.truncf %while3A_1611 : vector<1x128xf32> to vector<1x128xbf16>
      %dot_general3A_1614 = arith.constant dense<0.000000e+00> : vector<1x128xf32>
      %dot_general3A_1615 = tpu.matmul %convert_element_type3A_1613, %mul3A_251, %dot_general3A_1614 {dimension_numbers = #tpu.dot_dimension_numbers<[1], [0], [0], [1], [0, 0, 1, 1], [], []>, transpose_lhs_hint = false} : vector<1x128xbf16>, vector<128x128xbf16>, vector<1x128xf32> -> vector<1x128xf32>
      %lt3A_1616 = arith.constant 5.000000e-01 : f32
      %lt3A_1617 = vector.broadcast %lt3A_1616 : f32 to vector<1x128xf32>
      %lt3A_1618 = arith.cmpf olt, %dot_general3A_1615, %lt3A_1617 : vector<1x128xf32>
      %convert_element_type3A_1619 = arith.extui %lt3A_1618 : vector<1x128xi1> to vector<1x128xi32>
      %convert_element_type3A_1620 = arith.sitofp %convert_element_type3A_1619 : vector<1x128xi32> to vector<1x128xf32>
      %mul3A_1621 = arith.mulf %convert_element_type3A_247, %convert_element_type3A_1620 : vector<1x128xf32>
      %ne3A_1622 = arith.cmpf one, %mul3A_1621, %while3A_1611 : vector<1x128xf32>
      %reduce_or3A = arith.constant 1.000000e+00 : f32
      %reduce_or3A_1623 = arith.constant 0.000000e+00 : f32
      %reduce_or3A_1624 = vector.broadcast %reduce_or3A : f32 to vector<1x128xf32>
      %reduce_or3A_1625 = vector.broadcast %reduce_or3A_1623 : f32 to vector<1x128xf32>
      %reduce_or3A_1626 = arith.select %ne3A_1622, %reduce_or3A_1624, %reduce_or3A_1625 : vector<1x128xi1>, vector<1x128xf32>
      %reduce_or3A_1627 = vector.shape_cast %reduce_or3A_1626 : vector<1x128xf32> to vector<1x1x128xf32>
      %reduce_or3A_1628 = arith.constant dense<0xFF800000> : vector<1xf32>
      %reduce_or3A_1629 = vector.multi_reduction <maximumf>, %reduce_or3A_1627, %reduce_or3A_1628 [1, 2] : vector<1x1x128xf32> to vector<1xf32>
      %reduce_or3A_1630 = vector.shape_cast %reduce_or3A_1629 : vector<1xf32> to vector<1x1x1xf32>
      %reduce_or3A_1631 = vector.extract %reduce_or3A_1630[0, 0, 0] : f32 from vector<1x1x1xf32>
      %reduce_or3A_1632 = arith.constant 0.000000e+00 : f32
      %reduce_or3A_1633 = arith.cmpf ogt, %reduce_or3A_1631, %reduce_or3A_1632 : f32
      scf.yield %mul3A_1621, %reduce_or3A_1633 : vector<1x128xf32>, i1
    }
    %swap3A_254 = arith.constant 0 : index
    %swap3A_255 = arith.constant 128 : index
    %swap3A_256 = vector.load %arg5[%swap3A_254, %swap3A_255] : memref<1x2048xf32, #tpu.memory_space<vmem>>, vector<1x128xf32>
    tpu.vector_store %arg5[%swap3A_254, %swap3A_255], %while3A_253#0 {strides = array<i32>} : memref<1x2048xf32, #tpu.memory_space<vmem>>, vector<1x128xf32>,
    %convert_element_type3A_257 = arith.truncf %while3A_253#0 : vector<1x128xf32> to vector<1x128xbf16>
    %dot_general3A_258 = arith.constant dense<0.000000e+00> : vector<1x128xf32>
    %dot_general3A_259 = tpu.matmul %convert_element_type3A_257, %convert_element_type3A_4, %dot_general3A_258 {dimension_numbers = #tpu.dot_dimension_numbers<[1], [0], [0], [1], [0, 0, 1, 1], [], []>, transpose_lhs_hint = false} : vector<1x128xbf16>, vector<128x128xbf16>, vector<1x128xf32> -> vector<1x128xf32>
    %convert_element_type3A_260 = arith.fptosi %add3A_227 : f32 to i32
    %jit3A_261 = arith.constant 8 : i32
    %div3A_262 = arith.divsi %convert_element_type3A_260, %jit3A_261 : i32
    %sign3A_263 = arith.constant 0 : i32
    %sign3A_264 = arith.cmpi sgt, %convert_element_type3A_260, %sign3A_263 : i32
    %sign3A_265 = arith.extui %sign3A_264 : i1 to i32
    %sign3A_266 = arith.constant 0 : i32
    %sign3A_267 = arith.cmpi slt, %convert_element_type3A_260, %sign3A_266 : i32
    %sign3A_268 = arith.extui %sign3A_267 : i1 to i32
    %sign3A_269 = arith.subi %sign3A_265, %sign3A_268 : i32
    %sign3A_270 = arith.constant 0 : i32
    %sign3A_271 = arith.cmpi sgt, %jit3A_261, %sign3A_270 : i32
    %sign3A_272 = arith.extui %sign3A_271 : i1 to i32
    %sign3A_273 = arith.constant 0 : i32
    %sign3A_274 = arith.cmpi slt, %jit3A_261, %sign3A_273 : i32
    %sign3A_275 = arith.extui %sign3A_274 : i1 to i32
    %sign3A_276 = arith.subi %sign3A_272, %sign3A_275 : i32
    %ne3A_277 = arith.cmpi ne, %sign3A_269, %sign3A_276 : i32
    %rem3A_278 = arith.remsi %convert_element_type3A_260, %jit3A_261 : i32
    %ne3A_279 = arith.constant 0 : i32
    %ne3A_280 = arith.cmpi ne, %rem3A_278, %ne3A_279 : i32
    %and3A_281 = arith.andi %ne3A_277, %ne3A_280 : i1
    %sub3A_282 = arith.constant 1 : i32
    %sub3A_283 = arith.subi %div3A_262, %sub3A_282 : i32
    %select_n3A_284 = arith.select %and3A_281, %sub3A_283, %div3A_262 : i32
    %mul3A_285 = arith.constant 8 : i32
    %mul3A_286 = arith.muli %select_n3A_284, %mul3A_285 : i32
    %min3A_287 = arith.constant 512 : i32
    %min3A_288 = arith.minsi %mul3A_286, %min3A_287 : i32
    %sub3A_289 = arith.subi %convert_element_type3A_260, %min3A_288 : i32
    %convert_element_type3A_290 = arith.sitofp %sub3A_289 : i32 to f32
    %add3A_291 = vector.broadcast %convert_element_type3A_290 : f32 to vector<1x128xf32>
    %add3A_292 = arith.addf %dot_general3A_259, %add3A_291 : vector<1x128xf32>
    %eq3A_293 = vector.broadcast %convert_element_type3A_6 : vector<136x1xf32> to vector<136x128xf32>
    %eq3A_294 = vector.broadcast %add3A_292 : vector<1x128xf32> to vector<136x128xf32>
    %eq3A_295 = arith.cmpf oeq, %eq3A_293, %eq3A_294 : vector<136x128xf32>
    %convert_element_type3A_296 = arith.extui %eq3A_295 : vector<136x128xi1> to vector<136x128xi32>
    %convert_element_type3A_297 = arith.sitofp %convert_element_type3A_296 : vector<136x128xi32> to vector<136x128xf32>
    %mul3A_298 = vector.broadcast %while3A_253#0 : vector<1x128xf32> to vector<136x128xf32>
    %mul3A_299 = arith.mulf %convert_element_type3A_297, %mul3A_298 : vector<136x128xf32>
    %get3A_300 = arith.constant 0 : index
    %get3A_301 = arith.constant 128 : index
    %get3A_302 = arith.constant 0 : index
    %get3A_303 = vector.load %arg3[%get3A_300, %get3A_301, %get3A_302] : memref<1x2048x16xf32, #tpu.memory_space<vmem>>, vector<1x128x16xf32>
    %get3A_304 = vector.shape_cast %get3A_303 : vector<1x128x16xf32> to vector<128x16xf32>
    %dot_general3A_305 = arith.constant dense<0.000000e+00> : vector<136x16xf32>
    %dot_general3A_306 = tpu.matmul %mul3A_299, %get3A_304, %dot_general3A_305 {dimension_numbers = #tpu.dot_dimension_numbers<[1], [0], [0], [1], [0, 0, 1, 1], [], []>, transpose_lhs_hint = false} : vector<136x128xf32>, vector<128x16xf32>, vector<136x16xf32> -> vector<136x16xf32>
    %get3A_307 = arith.index_cast %min3A_288 : i32 to index
    %get3A_308 = arith.constant 0 : index
    %get3A_309 = vector.load %arg6[%get3A_307, %get3A_308] : memref<656x16xf32, #tpu.memory_space<vmem>>, vector<136x16xf32>
    %add3A_310 = arith.addf %get3A_309, %dot_general3A_306 : vector<136x16xf32>
    %swap3A_311 = arith.index_cast %min3A_288 : i32 to index
    %swap3A_312 = arith.constant 0 : index
    %swap3A_313 = vector.load %arg6[%swap3A_311, %swap3A_312] : memref<656x16xf32, #tpu.memory_space<vmem>>, vector<136x16xf32>
    tpu.vector_store %arg6[%swap3A_311, %swap3A_312], %add3A_310 {strides = array<i32>} : memref<656x16xf32, #tpu.memory_space<vmem>>, vector<136x16xf32>,
    %reduce_sum3A_314 = vector.shape_cast %while3A_253#0 : vector<1x128xf32> to vector<1x1x128xf32>
    %reduce_sum3A_315 = arith.constant dense<0.000000e+00> : vector<1xf32>
    %reduce_sum3A_316 = vector.multi_reduction <add>, %reduce_sum3A_314, %reduce_sum3A_315 [1, 2] : vector<1x1x128xf32> to vector<1xf32>
    %reduce_sum3A_317 = vector.shape_cast %reduce_sum3A_316 : vector<1xf32> to vector<1x1x1xf32>
    %reduce_sum3A_318 = vector.extract %reduce_sum3A_317[0, 0, 0] : f32 from vector<1x1x1xf32>
    %add3A_319 = arith.addf %add3A_227, %reduce_sum3A_318 : f32
    %get3A_320 = arith.constant 0 : index
    %get3A_321 = arith.constant 0 : index
    %get3A_322 = vector.load %arg5[%get3A_320, %get3A_321] : memref<1x2048xf32, #tpu.memory_space<vmem>>, vector<1x2048xf32>
    %lt3A_323 = arith.constant 256 : i32
    %lt3A_324 = vector.broadcast %lt3A_323 : i32 to vector<1x2048xi32>
    %lt3A_325 = arith.cmpi slt, %iota3A_7, %lt3A_324 : vector<1x2048xi32>
    %jit3A_326 = arith.constant 0.000000e+00 : f32
    %broadcast_in_dim3A_327 = vector.broadcast %jit3A_326 : f32 to vector<1x2048xf32>
    %select_n3A_328 = arith.select %lt3A_325, %get3A_322, %broadcast_in_dim3A_327 : vector<1x2048xi1>, vector<1x2048xf32>
    %convert_element_type3A_329 = arith.truncf %select_n3A_328 : vector<1x2048xf32> to vector<1x2048xbf16>
    %get3A_330 = arith.constant 0 : index
    %get3A_331 = arith.constant 256 : index
    %get3A_332 = vector.load %arg7[%get3A_330, %get3A_331] : memref<2048x2048xbf16, #tpu.memory_space<vmem>>, vector<2048x128xbf16>
    %dot_general3A_333 = arith.constant dense<0.000000e+00> : vector<1x128xf32>
    %dot_general3A_334 = tpu.matmul %convert_element_type3A_329, %get3A_332, %dot_general3A_333 {dimension_numbers = #tpu.dot_dimension_numbers<[1], [0], [0], [1], [0, 0, 1, 1], [], []>, transpose_lhs_hint = false} : vector<1x2048xbf16>, vector<2048x128xbf16>, vector<1x128xf32> -> vector<1x128xf32>
    %lt3A_335 = arith.constant 5.000000e-01 : f32
    %lt3A_336 = vector.broadcast %lt3A_335 : f32 to vector<1x128xf32>
    %lt3A_337 = arith.cmpf olt, %dot_general3A_334, %lt3A_336 : vector<1x128xf32>
    %convert_element_type3A_338 = arith.extui %lt3A_337 : vector<1x128xi1> to vector<1x128xi32>
    %convert_element_type3A_339 = arith.sitofp %convert_element_type3A_338 : vector<1x128xi32> to vector<1x128xf32>
    %get3A_340 = arith.constant 256 : index
    %get3A_341 = arith.constant 256 : index
    %get3A_342 = vector.load %arg7[%get3A_340, %get3A_341] : memref<2048x2048xbf16, #tpu.memory_space<vmem>>, vector<128x128xbf16>
    %mul3A_343 = arith.mulf %get3A_342, %convert_element_type3A_4 : vector<128x128xbf16>
    %while3A_344 = arith.constant true
    %while3A_345:2 = scf.while (%while3A_1611 = %convert_element_type3A_339, %while3A_1612 = %while3A_344) : (vector<1x128xf32>, i1) -> (vector<1x128xf32>, i1) {
      scf.condition(%while3A_1612) %while3A_1611, %while3A_1612 : vector<1x128xf32>, i1
    } do {
    ^bb0(%while3A_1611: vector<1x128xf32>, %while3A_1612: i1):
      %convert_element_type3A_1613 = arith.truncf %while3A_1611 : vector<1x128xf32> to vector<1x128xbf16>
      %dot_general3A_1614 = arith.constant dense<0.000000e+00> : vector<1x128xf32>
      %dot_general3A_1615 = tpu.matmul %convert_element_type3A_1613, %mul3A_343, %dot_general3A_1614 {dimension_numbers = #tpu.dot_dimension_numbers<[1], [0], [0], [1], [0, 0, 1, 1], [], []>, transpose_lhs_hint = false} : vector<1x128xbf16>, vector<128x128xbf16>, vector<1x128xf32> -> vector<1x128xf32>
      %lt3A_1616 = arith.constant 5.000000e-01 : f32
      %lt3A_1617 = vector.broadcast %lt3A_1616 : f32 to vector<1x128xf32>
      %lt3A_1618 = arith.cmpf olt, %dot_general3A_1615, %lt3A_1617 : vector<1x128xf32>
      %convert_element_type3A_1619 = arith.extui %lt3A_1618 : vector<1x128xi1> to vector<1x128xi32>
      %convert_element_type3A_1620 = arith.sitofp %convert_element_type3A_1619 : vector<1x128xi32> to vector<1x128xf32>
      %mul3A_1621 = arith.mulf %convert_element_type3A_339, %convert_element_type3A_1620 : vector<1x128xf32>
      %ne3A_1622 = arith.cmpf one, %mul3A_1621, %while3A_1611 : vector<1x128xf32>
      %reduce_or3A = arith.constant 1.000000e+00 : f32
      %reduce_or3A_1623 = arith.constant 0.000000e+00 : f32
      %reduce_or3A_1624 = vector.broadcast %reduce_or3A : f32 to vector<1x128xf32>
      %reduce_or3A_1625 = vector.broadcast %reduce_or3A_1623 : f32 to vector<1x128xf32>
      %reduce_or3A_1626 = arith.select %ne3A_1622, %reduce_or3A_1624, %reduce_or3A_1625 : vector<1x128xi1>, vector<1x128xf32>
      %reduce_or3A_1627 = vector.shape_cast %reduce_or3A_1626 : vector<1x128xf32> to vector<1x1x128xf32>
      %reduce_or3A_1628 = arith.constant dense<0xFF800000> : vector<1xf32>
      %reduce_or3A_1629 = vector.multi_reduction <maximumf>, %reduce_or3A_1627, %reduce_or3A_1628 [1, 2] : vector<1x1x128xf32> to vector<1xf32>
      %reduce_or3A_1630 = vector.shape_cast %reduce_or3A_1629 : vector<1xf32> to vector<1x1x1xf32>
      %reduce_or3A_1631 = vector.extract %reduce_or3A_1630[0, 0, 0] : f32 from vector<1x1x1xf32>
      %reduce_or3A_1632 = arith.constant 0.000000e+00 : f32
      %reduce_or3A_1633 = arith.cmpf ogt, %reduce_or3A_1631, %reduce_or3A_1632 : f32
      scf.yield %mul3A_1621, %reduce_or3A_1633 : vector<1x128xf32>, i1
    }
    %swap3A_346 = arith.constant 0 : index
    %swap3A_347 = arith.constant 256 : index
    %swap3A_348 = vector.load %arg5[%swap3A_346, %swap3A_347] : memref<1x2048xf32, #tpu.memory_space<vmem>>, vector<1x128xf32>
    tpu.vector_store %arg5[%swap3A_346, %swap3A_347], %while3A_345#0 {strides = array<i32>} : memref<1x2048xf32, #tpu.memory_space<vmem>>, vector<1x128xf32>,
    %convert_element_type3A_349 = arith.truncf %while3A_345#0 : vector<1x128xf32> to vector<1x128xbf16>
    %dot_general3A_350 = arith.constant dense<0.000000e+00> : vector<1x128xf32>
    %dot_general3A_351 = tpu.matmul %convert_element_type3A_349, %convert_element_type3A_4, %dot_general3A_350 {dimension_numbers = #tpu.dot_dimension_numbers<[1], [0], [0], [1], [0, 0, 1, 1], [], []>, transpose_lhs_hint = false} : vector<1x128xbf16>, vector<128x128xbf16>, vector<1x128xf32> -> vector<1x128xf32>
    %convert_element_type3A_352 = arith.fptosi %add3A_319 : f32 to i32
    %jit3A_353 = arith.constant 8 : i32
    %div3A_354 = arith.divsi %convert_element_type3A_352, %jit3A_353 : i32
    %sign3A_355 = arith.constant 0 : i32
    %sign3A_356 = arith.cmpi sgt, %convert_element_type3A_352, %sign3A_355 : i32
    %sign3A_357 = arith.extui %sign3A_356 : i1 to i32
    %sign3A_358 = arith.constant 0 : i32
    %sign3A_359 = arith.cmpi slt, %convert_element_type3A_352, %sign3A_358 : i32
    %sign3A_360 = arith.extui %sign3A_359 : i1 to i32
    %sign3A_361 = arith.subi %sign3A_357, %sign3A_360 : i32
    %sign3A_362 = arith.constant 0 : i32
    %sign3A_363 = arith.cmpi sgt, %jit3A_353, %sign3A_362 : i32
    %sign3A_364 = arith.extui %sign3A_363 : i1 to i32
    %sign3A_365 = arith.constant 0 : i32
    %sign3A_366 = arith.cmpi slt, %jit3A_353, %sign3A_365 : i32
    %sign3A_367 = arith.extui %sign3A_366 : i1 to i32
    %sign3A_368 = arith.subi %sign3A_364, %sign3A_367 : i32
    %ne3A_369 = arith.cmpi ne, %sign3A_361, %sign3A_368 : i32
    %rem3A_370 = arith.remsi %convert_element_type3A_352, %jit3A_353 : i32
    %ne3A_371 = arith.constant 0 : i32
    %ne3A_372 = arith.cmpi ne, %rem3A_370, %ne3A_371 : i32
    %and3A_373 = arith.andi %ne3A_369, %ne3A_372 : i1
    %sub3A_374 = arith.constant 1 : i32
    %sub3A_375 = arith.subi %div3A_354, %sub3A_374 : i32
    %select_n3A_376 = arith.select %and3A_373, %sub3A_375, %div3A_354 : i32
    %mul3A_377 = arith.constant 8 : i32
    %mul3A_378 = arith.muli %select_n3A_376, %mul3A_377 : i32
    %min3A_379 = arith.constant 512 : i32
    %min3A_380 = arith.minsi %mul3A_378, %min3A_379 : i32
    %sub3A_381 = arith.subi %convert_element_type3A_352, %min3A_380 : i32
    %convert_element_type3A_382 = arith.sitofp %sub3A_381 : i32 to f32
    %add3A_383 = vector.broadcast %convert_element_type3A_382 : f32 to vector<1x128xf32>
    %add3A_384 = arith.addf %dot_general3A_351, %add3A_383 : vector<1x128xf32>
    %eq3A_385 = vector.broadcast %convert_element_type3A_6 : vector<136x1xf32> to vector<136x128xf32>
    %eq3A_386 = vector.broadcast %add3A_384 : vector<1x128xf32> to vector<136x128xf32>
    %eq3A_387 = arith.cmpf oeq, %eq3A_385, %eq3A_386 : vector<136x128xf32>
    %convert_element_type3A_388 = arith.extui %eq3A_387 : vector<136x128xi1> to vector<136x128xi32>
    %convert_element_type3A_389 = arith.sitofp %convert_element_type3A_388 : vector<136x128xi32> to vector<136x128xf32>
    %mul3A_390 = vector.broadcast %while3A_345#0 : vector<1x128xf32> to vector<136x128xf32>
    %mul3A_391 = arith.mulf %convert_element_type3A_389, %mul3A_390 : vector<136x128xf32>
    %get3A_392 = arith.constant 0 : index
    %get3A_393 = arith.constant 256 : index
    %get3A_394 = arith.constant 0 : index
    %get3A_395 = vector.load %arg3[%get3A_392, %get3A_393, %get3A_394] : memref<1x2048x16xf32, #tpu.memory_space<vmem>>, vector<1x128x16xf32>
    %get3A_396 = vector.shape_cast %get3A_395 : vector<1x128x16xf32> to vector<128x16xf32>
    %dot_general3A_397 = arith.constant dense<0.000000e+00> : vector<136x16xf32>
    %dot_general3A_398 = tpu.matmul %mul3A_391, %get3A_396, %dot_general3A_397 {dimension_numbers = #tpu.dot_dimension_numbers<[1], [0], [0], [1], [0, 0, 1, 1], [], []>, transpose_lhs_hint = false} : vector<136x128xf32>, vector<128x16xf32>, vector<136x16xf32> -> vector<136x16xf32>
    %get3A_399 = arith.index_cast %min3A_380 : i32 to index
    %get3A_400 = arith.constant 0 : index
    %get3A_401 = vector.load %arg6[%get3A_399, %get3A_400] : memref<656x16xf32, #tpu.memory_space<vmem>>, vector<136x16xf32>
    %add3A_402 = arith.addf %get3A_401, %dot_general3A_398 : vector<136x16xf32>
    %swap3A_403 = arith.index_cast %min3A_380 : i32 to index
    %swap3A_404 = arith.constant 0 : index
    %swap3A_405 = vector.load %arg6[%swap3A_403, %swap3A_404] : memref<656x16xf32, #tpu.memory_space<vmem>>, vector<136x16xf32>
    tpu.vector_store %arg6[%swap3A_403, %swap3A_404], %add3A_402 {strides = array<i32>} : memref<656x16xf32, #tpu.memory_space<vmem>>, vector<136x16xf32>,
    %reduce_sum3A_406 = vector.shape_cast %while3A_345#0 : vector<1x128xf32> to vector<1x1x128xf32>
    %reduce_sum3A_407 = arith.constant dense<0.000000e+00> : vector<1xf32>
    %reduce_sum3A_408 = vector.multi_reduction <add>, %reduce_sum3A_406, %reduce_sum3A_407 [1, 2] : vector<1x1x128xf32> to vector<1xf32>
    %reduce_sum3A_409 = vector.shape_cast %reduce_sum3A_408 : vector<1xf32> to vector<1x1x1xf32>
    %reduce_sum3A_410 = vector.extract %reduce_sum3A_409[0, 0, 0] : f32 from vector<1x1x1xf32>
    %add3A_411 = arith.addf %add3A_319, %reduce_sum3A_410 : f32
    %get3A_412 = arith.constant 0 : index
    %get3A_413 = arith.constant 0 : index
    %get3A_414 = vector.load %arg5[%get3A_412, %get3A_413] : memref<1x2048xf32, #tpu.memory_space<vmem>>, vector<1x2048xf32>
    %lt3A_415 = arith.constant 384 : i32
    %lt3A_416 = vector.broadcast %lt3A_415 : i32 to vector<1x2048xi32>
    %lt3A_417 = arith.cmpi slt, %iota3A_7, %lt3A_416 : vector<1x2048xi32>
    %jit3A_418 = arith.constant 0.000000e+00 : f32
    %broadcast_in_dim3A_419 = vector.broadcast %jit3A_418 : f32 to vector<1x2048xf32>
    %select_n3A_420 = arith.select %lt3A_417, %get3A_414, %broadcast_in_dim3A_419 : vector<1x2048xi1>, vector<1x2048xf32>
    %convert_element_type3A_421 = arith.truncf %select_n3A_420 : vector<1x2048xf32> to vector<1x2048xbf16>
    %get3A_422 = arith.constant 0 : index
    %get3A_423 = arith.constant 384 : index
    %get3A_424 = vector.load %arg7[%get3A_422, %get3A_423] : memref<2048x2048xbf16, #tpu.memory_space<vmem>>, vector<2048x128xbf16>
    %dot_general3A_425 = arith.constant dense<0.000000e+00> : vector<1x128xf32>
    %dot_general3A_426 = tpu.matmul %convert_element_type3A_421, %get3A_424, %dot_general3A_425 {dimension_numbers = #tpu.dot_dimension_numbers<[1], [0], [0], [1], [0, 0, 1, 1], [], []>, transpose_lhs_hint = false} : vector<1x2048xbf16>, vector<2048x128xbf16>, vector<1x128xf32> -> vector<1x128xf32>
    %lt3A_427 = arith.constant 5.000000e-01 : f32
    %lt3A_428 = vector.broadcast %lt3A_427 : f32 to vector<1x128xf32>
    %lt3A_429 = arith.cmpf olt, %dot_general3A_426, %lt3A_428 : vector<1x128xf32>
    %convert_element_type3A_430 = arith.extui %lt3A_429 : vector<1x128xi1> to vector<1x128xi32>
    %convert_element_type3A_431 = arith.sitofp %convert_element_type3A_430 : vector<1x128xi32> to vector<1x128xf32>
    %get3A_432 = arith.constant 384 : index
    %get3A_433 = arith.constant 384 : index
    %get3A_434 = vector.load %arg7[%get3A_432, %get3A_433] : memref<2048x2048xbf16, #tpu.memory_space<vmem>>, vector<128x128xbf16>
    %mul3A_435 = arith.mulf %get3A_434, %convert_element_type3A_4 : vector<128x128xbf16>
    %while3A_436 = arith.constant true
    %while3A_437:2 = scf.while (%while3A_1611 = %convert_element_type3A_431, %while3A_1612 = %while3A_436) : (vector<1x128xf32>, i1) -> (vector<1x128xf32>, i1) {
      scf.condition(%while3A_1612) %while3A_1611, %while3A_1612 : vector<1x128xf32>, i1
    } do {
    ^bb0(%while3A_1611: vector<1x128xf32>, %while3A_1612: i1):
      %convert_element_type3A_1613 = arith.truncf %while3A_1611 : vector<1x128xf32> to vector<1x128xbf16>
      %dot_general3A_1614 = arith.constant dense<0.000000e+00> : vector<1x128xf32>
      %dot_general3A_1615 = tpu.matmul %convert_element_type3A_1613, %mul3A_435, %dot_general3A_1614 {dimension_numbers = #tpu.dot_dimension_numbers<[1], [0], [0], [1], [0, 0, 1, 1], [], []>, transpose_lhs_hint = false} : vector<1x128xbf16>, vector<128x128xbf16>, vector<1x128xf32> -> vector<1x128xf32>
      %lt3A_1616 = arith.constant 5.000000e-01 : f32
      %lt3A_1617 = vector.broadcast %lt3A_1616 : f32 to vector<1x128xf32>
      %lt3A_1618 = arith.cmpf olt, %dot_general3A_1615, %lt3A_1617 : vector<1x128xf32>
      %convert_element_type3A_1619 = arith.extui %lt3A_1618 : vector<1x128xi1> to vector<1x128xi32>
      %convert_element_type3A_1620 = arith.sitofp %convert_element_type3A_1619 : vector<1x128xi32> to vector<1x128xf32>
      %mul3A_1621 = arith.mulf %convert_element_type3A_431, %convert_element_type3A_1620 : vector<1x128xf32>
      %ne3A_1622 = arith.cmpf one, %mul3A_1621, %while3A_1611 : vector<1x128xf32>
      %reduce_or3A = arith.constant 1.000000e+00 : f32
      %reduce_or3A_1623 = arith.constant 0.000000e+00 : f32
      %reduce_or3A_1624 = vector.broadcast %reduce_or3A : f32 to vector<1x128xf32>
      %reduce_or3A_1625 = vector.broadcast %reduce_or3A_1623 : f32 to vector<1x128xf32>
      %reduce_or3A_1626 = arith.select %ne3A_1622, %reduce_or3A_1624, %reduce_or3A_1625 : vector<1x128xi1>, vector<1x128xf32>
      %reduce_or3A_1627 = vector.shape_cast %reduce_or3A_1626 : vector<1x128xf32> to vector<1x1x128xf32>
      %reduce_or3A_1628 = arith.constant dense<0xFF800000> : vector<1xf32>
      %reduce_or3A_1629 = vector.multi_reduction <maximumf>, %reduce_or3A_1627, %reduce_or3A_1628 [1, 2] : vector<1x1x128xf32> to vector<1xf32>
      %reduce_or3A_1630 = vector.shape_cast %reduce_or3A_1629 : vector<1xf32> to vector<1x1x1xf32>
      %reduce_or3A_1631 = vector.extract %reduce_or3A_1630[0, 0, 0] : f32 from vector<1x1x1xf32>
      %reduce_or3A_1632 = arith.constant 0.000000e+00 : f32
      %reduce_or3A_1633 = arith.cmpf ogt, %reduce_or3A_1631, %reduce_or3A_1632 : f32
      scf.yield %mul3A_1621, %reduce_or3A_1633 : vector<1x128xf32>, i1
    }
    %swap3A_438 = arith.constant 0 : index
    %swap3A_439 = arith.constant 384 : index
    %swap3A_440 = vector.load %arg5[%swap3A_438, %swap3A_439] : memref<1x2048xf32, #tpu.memory_space<vmem>>, vector<1x128xf32>
    tpu.vector_store %arg5[%swap3A_438, %swap3A_439], %while3A_437#0 {strides = array<i32>} : memref<1x2048xf32, #tpu.memory_space<vmem>>, vector<1x128xf32>,
    %convert_element_type3A_441 = arith.truncf %while3A_437#0 : vector<1x128xf32> to vector<1x128xbf16>
    %dot_general3A_442 = arith.constant dense<0.000000e+00> : vector<1x128xf32>
    %dot_general3A_443 = tpu.matmul %convert_element_type3A_441, %convert_element_type3A_4, %dot_general3A_442 {dimension_numbers = #tpu.dot_dimension_numbers<[1], [0], [0], [1], [0, 0, 1, 1], [], []>, transpose_lhs_hint = false} : vector<1x128xbf16>, vector<128x128xbf16>, vector<1x128xf32> -> vector<1x128xf32>
    %convert_element_type3A_444 = arith.fptosi %add3A_411 : f32 to i32
    %jit3A_445 = arith.constant 8 : i32
    %div3A_446 = arith.divsi %convert_element_type3A_444, %jit3A_445 : i32
    %sign3A_447 = arith.constant 0 : i32
    %sign3A_448 = arith.cmpi sgt, %convert_element_type3A_444, %sign3A_447 : i32
    %sign3A_449 = arith.extui %sign3A_448 : i1 to i32
    %sign3A_450 = arith.constant 0 : i32
    %sign3A_451 = arith.cmpi slt, %convert_element_type3A_444, %sign3A_450 : i32
    %sign3A_452 = arith.extui %sign3A_451 : i1 to i32
    %sign3A_453 = arith.subi %sign3A_449, %sign3A_452 : i32
    %sign3A_454 = arith.constant 0 : i32
    %sign3A_455 = arith.cmpi sgt, %jit3A_445, %sign3A_454 : i32
    %sign3A_456 = arith.extui %sign3A_455 : i1 to i32
    %sign3A_457 = arith.constant 0 : i32
    %sign3A_458 = arith.cmpi slt, %jit3A_445, %sign3A_457 : i32
    %sign3A_459 = arith.extui %sign3A_458 : i1 to i32
    %sign3A_460 = arith.subi %sign3A_456, %sign3A_459 : i32
    %ne3A_461 = arith.cmpi ne, %sign3A_453, %sign3A_460 : i32
    %rem3A_462 = arith.remsi %convert_element_type3A_444, %jit3A_445 : i32
    %ne3A_463 = arith.constant 0 : i32
    %ne3A_464 = arith.cmpi ne, %rem3A_462, %ne3A_463 : i32
    %and3A_465 = arith.andi %ne3A_461, %ne3A_464 : i1
    %sub3A_466 = arith.constant 1 : i32
    %sub3A_467 = arith.subi %div3A_446, %sub3A_466 : i32
    %select_n3A_468 = arith.select %and3A_465, %sub3A_467, %div3A_446 : i32
    %mul3A_469 = arith.constant 8 : i32
    %mul3A_470 = arith.muli %select_n3A_468, %mul3A_469 : i32
    %min3A_471 = arith.constant 512 : i32
    %min3A_472 = arith.minsi %mul3A_470, %min3A_471 : i32
    %sub3A_473 = arith.subi %convert_element_type3A_444, %min3A_472 : i32
    %convert_element_type3A_474 = arith.sitofp %sub3A_473 : i32 to f32
    %add3A_475 = vector.broadcast %convert_element_type3A_474 : f32 to vector<1x128xf32>
    %add3A_476 = arith.addf %dot_general3A_443, %add3A_475 : vector<1x128xf32>
    %eq3A_477 = vector.broadcast %convert_element_type3A_6 : vector<136x1xf32> to vector<136x128xf32>
    %eq3A_478 = vector.broadcast %add3A_476 : vector<1x128xf32> to vector<136x128xf32>
    %eq3A_479 = arith.cmpf oeq, %eq3A_477, %eq3A_478 : vector<136x128xf32>
    %convert_element_type3A_480 = arith.extui %eq3A_479 : vector<136x128xi1> to vector<136x128xi32>
    %convert_element_type3A_481 = arith.sitofp %convert_element_type3A_480 : vector<136x128xi32> to vector<136x128xf32>
    %mul3A_482 = vector.broadcast %while3A_437#0 : vector<1x128xf32> to vector<136x128xf32>
    %mul3A_483 = arith.mulf %convert_element_type3A_481, %mul3A_482 : vector<136x128xf32>
    %get3A_484 = arith.constant 0 : index
    %get3A_485 = arith.constant 384 : index
    %get3A_486 = arith.constant 0 : index
    %get3A_487 = vector.load %arg3[%get3A_484, %get3A_485, %get3A_486] : memref<1x2048x16xf32, #tpu.memory_space<vmem>>, vector<1x128x16xf32>
    %get3A_488 = vector.shape_cast %get3A_487 : vector<1x128x16xf32> to vector<128x16xf32>
    %dot_general3A_489 = arith.constant dense<0.000000e+00> : vector<136x16xf32>
    %dot_general3A_490 = tpu.matmul %mul3A_483, %get3A_488, %dot_general3A_489 {dimension_numbers = #tpu.dot_dimension_numbers<[1], [0], [0], [1], [0, 0, 1, 1], [], []>, transpose_lhs_hint = false} : vector<136x128xf32>, vector<128x16xf32>, vector<136x16xf32> -> vector<136x16xf32>
    %get3A_491 = arith.index_cast %min3A_472 : i32 to index
    %get3A_492 = arith.constant 0 : index
    %get3A_493 = vector.load %arg6[%get3A_491, %get3A_492] : memref<656x16xf32, #tpu.memory_space<vmem>>, vector<136x16xf32>
    %add3A_494 = arith.addf %get3A_493, %dot_general3A_490 : vector<136x16xf32>
    %swap3A_495 = arith.index_cast %min3A_472 : i32 to index
    %swap3A_496 = arith.constant 0 : index
    %swap3A_497 = vector.load %arg6[%swap3A_495, %swap3A_496] : memref<656x16xf32, #tpu.memory_space<vmem>>, vector<136x16xf32>
    tpu.vector_store %arg6[%swap3A_495, %swap3A_496], %add3A_494 {strides = array<i32>} : memref<656x16xf32, #tpu.memory_space<vmem>>, vector<136x16xf32>,
    %reduce_sum3A_498 = vector.shape_cast %while3A_437#0 : vector<1x128xf32> to vector<1x1x128xf32>
    %reduce_sum3A_499 = arith.constant dense<0.000000e+00> : vector<1xf32>
    %reduce_sum3A_500 = vector.multi_reduction <add>, %reduce_sum3A_498, %reduce_sum3A_499 [1, 2] : vector<1x1x128xf32> to vector<1xf32>
    %reduce_sum3A_501 = vector.shape_cast %reduce_sum3A_500 : vector<1xf32> to vector<1x1x1xf32>
    %reduce_sum3A_502 = vector.extract %reduce_sum3A_501[0, 0, 0] : f32 from vector<1x1x1xf32>
    %add3A_503 = arith.addf %add3A_411, %reduce_sum3A_502 : f32
    %get3A_504 = arith.constant 0 : index
    %get3A_505 = arith.constant 0 : index
    %get3A_506 = vector.load %arg5[%get3A_504, %get3A_505] : memref<1x2048xf32, #tpu.memory_space<vmem>>, vector<1x2048xf32>
    %lt3A_507 = arith.constant 512 : i32
    %lt3A_508 = vector.broadcast %lt3A_507 : i32 to vector<1x2048xi32>
    %lt3A_509 = arith.cmpi slt, %iota3A_7, %lt3A_508 : vector<1x2048xi32>
    %jit3A_510 = arith.constant 0.000000e+00 : f32
    %broadcast_in_dim3A_511 = vector.broadcast %jit3A_510 : f32 to vector<1x2048xf32>
    %select_n3A_512 = arith.select %lt3A_509, %get3A_506, %broadcast_in_dim3A_511 : vector<1x2048xi1>, vector<1x2048xf32>
    %convert_element_type3A_513 = arith.truncf %select_n3A_512 : vector<1x2048xf32> to vector<1x2048xbf16>
    %get3A_514 = arith.constant 0 : index
    %get3A_515 = arith.constant 512 : index
    %get3A_516 = vector.load %arg7[%get3A_514, %get3A_515] : memref<2048x2048xbf16, #tpu.memory_space<vmem>>, vector<2048x128xbf16>
    %dot_general3A_517 = arith.constant dense<0.000000e+00> : vector<1x128xf32>
    %dot_general3A_518 = tpu.matmul %convert_element_type3A_513, %get3A_516, %dot_general3A_517 {dimension_numbers = #tpu.dot_dimension_numbers<[1], [0], [0], [1], [0, 0, 1, 1], [], []>, transpose_lhs_hint = false} : vector<1x2048xbf16>, vector<2048x128xbf16>, vector<1x128xf32> -> vector<1x128xf32>
    %lt3A_519 = arith.constant 5.000000e-01 : f32
    %lt3A_520 = vector.broadcast %lt3A_519 : f32 to vector<1x128xf32>
    %lt3A_521 = arith.cmpf olt, %dot_general3A_518, %lt3A_520 : vector<1x128xf32>
    %convert_element_type3A_522 = arith.extui %lt3A_521 : vector<1x128xi1> to vector<1x128xi32>
    %convert_element_type3A_523 = arith.sitofp %convert_element_type3A_522 : vector<1x128xi32> to vector<1x128xf32>
    %get3A_524 = arith.constant 512 : index
    %get3A_525 = arith.constant 512 : index
    %get3A_526 = vector.load %arg7[%get3A_524, %get3A_525] : memref<2048x2048xbf16, #tpu.memory_space<vmem>>, vector<128x128xbf16>
    %mul3A_527 = arith.mulf %get3A_526, %convert_element_type3A_4 : vector<128x128xbf16>
    %while3A_528 = arith.constant true
    %while3A_529:2 = scf.while (%while3A_1611 = %convert_element_type3A_523, %while3A_1612 = %while3A_528) : (vector<1x128xf32>, i1) -> (vector<1x128xf32>, i1) {
      scf.condition(%while3A_1612) %while3A_1611, %while3A_1612 : vector<1x128xf32>, i1
    } do {
    ^bb0(%while3A_1611: vector<1x128xf32>, %while3A_1612: i1):
      %convert_element_type3A_1613 = arith.truncf %while3A_1611 : vector<1x128xf32> to vector<1x128xbf16>
      %dot_general3A_1614 = arith.constant dense<0.000000e+00> : vector<1x128xf32>
      %dot_general3A_1615 = tpu.matmul %convert_element_type3A_1613, %mul3A_527, %dot_general3A_1614 {dimension_numbers = #tpu.dot_dimension_numbers<[1], [0], [0], [1], [0, 0, 1, 1], [], []>, transpose_lhs_hint = false} : vector<1x128xbf16>, vector<128x128xbf16>, vector<1x128xf32> -> vector<1x128xf32>
      %lt3A_1616 = arith.constant 5.000000e-01 : f32
      %lt3A_1617 = vector.broadcast %lt3A_1616 : f32 to vector<1x128xf32>
      %lt3A_1618 = arith.cmpf olt, %dot_general3A_1615, %lt3A_1617 : vector<1x128xf32>
      %convert_element_type3A_1619 = arith.extui %lt3A_1618 : vector<1x128xi1> to vector<1x128xi32>
      %convert_element_type3A_1620 = arith.sitofp %convert_element_type3A_1619 : vector<1x128xi32> to vector<1x128xf32>
      %mul3A_1621 = arith.mulf %convert_element_type3A_523, %convert_element_type3A_1620 : vector<1x128xf32>
      %ne3A_1622 = arith.cmpf one, %mul3A_1621, %while3A_1611 : vector<1x128xf32>
      %reduce_or3A = arith.constant 1.000000e+00 : f32
      %reduce_or3A_1623 = arith.constant 0.000000e+00 : f32
      %reduce_or3A_1624 = vector.broadcast %reduce_or3A : f32 to vector<1x128xf32>
      %reduce_or3A_1625 = vector.broadcast %reduce_or3A_1623 : f32 to vector<1x128xf32>
      %reduce_or3A_1626 = arith.select %ne3A_1622, %reduce_or3A_1624, %reduce_or3A_1625 : vector<1x128xi1>, vector<1x128xf32>
      %reduce_or3A_1627 = vector.shape_cast %reduce_or3A_1626 : vector<1x128xf32> to vector<1x1x128xf32>
      %reduce_or3A_1628 = arith.constant dense<0xFF800000> : vector<1xf32>
      %reduce_or3A_1629 = vector.multi_reduction <maximumf>, %reduce_or3A_1627, %reduce_or3A_1628 [1, 2] : vector<1x1x128xf32> to vector<1xf32>
      %reduce_or3A_1630 = vector.shape_cast %reduce_or3A_1629 : vector<1xf32> to vector<1x1x1xf32>
      %reduce_or3A_1631 = vector.extract %reduce_or3A_1630[0, 0, 0] : f32 from vector<1x1x1xf32>
      %reduce_or3A_1632 = arith.constant 0.000000e+00 : f32
      %reduce_or3A_1633 = arith.cmpf ogt, %reduce_or3A_1631, %reduce_or3A_1632 : f32
      scf.yield %mul3A_1621, %reduce_or3A_1633 : vector<1x128xf32>, i1
    }
    %swap3A_530 = arith.constant 0 : index
    %swap3A_531 = arith.constant 512 : index
    %swap3A_532 = vector.load %arg5[%swap3A_530, %swap3A_531] : memref<1x2048xf32, #tpu.memory_space<vmem>>, vector<1x128xf32>
    tpu.vector_store %arg5[%swap3A_530, %swap3A_531], %while3A_529#0 {strides = array<i32>} : memref<1x2048xf32, #tpu.memory_space<vmem>>, vector<1x128xf32>,
    %convert_element_type3A_533 = arith.truncf %while3A_529#0 : vector<1x128xf32> to vector<1x128xbf16>
    %dot_general3A_534 = arith.constant dense<0.000000e+00> : vector<1x128xf32>
    %dot_general3A_535 = tpu.matmul %convert_element_type3A_533, %convert_element_type3A_4, %dot_general3A_534 {dimension_numbers = #tpu.dot_dimension_numbers<[1], [0], [0], [1], [0, 0, 1, 1], [], []>, transpose_lhs_hint = false} : vector<1x128xbf16>, vector<128x128xbf16>, vector<1x128xf32> -> vector<1x128xf32>
    %convert_element_type3A_536 = arith.fptosi %add3A_503 : f32 to i32
    %jit3A_537 = arith.constant 8 : i32
    %div3A_538 = arith.divsi %convert_element_type3A_536, %jit3A_537 : i32
    %sign3A_539 = arith.constant 0 : i32
    %sign3A_540 = arith.cmpi sgt, %convert_element_type3A_536, %sign3A_539 : i32
    %sign3A_541 = arith.extui %sign3A_540 : i1 to i32
    %sign3A_542 = arith.constant 0 : i32
    %sign3A_543 = arith.cmpi slt, %convert_element_type3A_536, %sign3A_542 : i32
    %sign3A_544 = arith.extui %sign3A_543 : i1 to i32
    %sign3A_545 = arith.subi %sign3A_541, %sign3A_544 : i32
    %sign3A_546 = arith.constant 0 : i32
    %sign3A_547 = arith.cmpi sgt, %jit3A_537, %sign3A_546 : i32
    %sign3A_548 = arith.extui %sign3A_547 : i1 to i32
    %sign3A_549 = arith.constant 0 : i32
    %sign3A_550 = arith.cmpi slt, %jit3A_537, %sign3A_549 : i32
    %sign3A_551 = arith.extui %sign3A_550 : i1 to i32
    %sign3A_552 = arith.subi %sign3A_548, %sign3A_551 : i32
    %ne3A_553 = arith.cmpi ne, %sign3A_545, %sign3A_552 : i32
    %rem3A_554 = arith.remsi %convert_element_type3A_536, %jit3A_537 : i32
    %ne3A_555 = arith.constant 0 : i32
    %ne3A_556 = arith.cmpi ne, %rem3A_554, %ne3A_555 : i32
    %and3A_557 = arith.andi %ne3A_553, %ne3A_556 : i1
    %sub3A_558 = arith.constant 1 : i32
    %sub3A_559 = arith.subi %div3A_538, %sub3A_558 : i32
    %select_n3A_560 = arith.select %and3A_557, %sub3A_559, %div3A_538 : i32
    %mul3A_561 = arith.constant 8 : i32
    %mul3A_562 = arith.muli %select_n3A_560, %mul3A_561 : i32
    %min3A_563 = arith.constant 512 : i32
    %min3A_564 = arith.minsi %mul3A_562, %min3A_563 : i32
    %sub3A_565 = arith.subi %convert_element_type3A_536, %min3A_564 : i32
    %convert_element_type3A_566 = arith.sitofp %sub3A_565 : i32 to f32
    %add3A_567 = vector.broadcast %convert_element_type3A_566 : f32 to vector<1x128xf32>
    %add3A_568 = arith.addf %dot_general3A_535, %add3A_567 : vector<1x128xf32>
    %eq3A_569 = vector.broadcast %convert_element_type3A_6 : vector<136x1xf32> to vector<136x128xf32>
    %eq3A_570 = vector.broadcast %add3A_568 : vector<1x128xf32> to vector<136x128xf32>
    %eq3A_571 = arith.cmpf oeq, %eq3A_569, %eq3A_570 : vector<136x128xf32>
    %convert_element_type3A_572 = arith.extui %eq3A_571 : vector<136x128xi1> to vector<136x128xi32>
    %convert_element_type3A_573 = arith.sitofp %convert_element_type3A_572 : vector<136x128xi32> to vector<136x128xf32>
    %mul3A_574 = vector.broadcast %while3A_529#0 : vector<1x128xf32> to vector<136x128xf32>
    %mul3A_575 = arith.mulf %convert_element_type3A_573, %mul3A_574 : vector<136x128xf32>
    %get3A_576 = arith.constant 0 : index
    %get3A_577 = arith.constant 512 : index
    %get3A_578 = arith.constant 0 : index
    %get3A_579 = vector.load %arg3[%get3A_576, %get3A_577, %get3A_578] : memref<1x2048x16xf32, #tpu.memory_space<vmem>>, vector<1x128x16xf32>
    %get3A_580 = vector.shape_cast %get3A_579 : vector<1x128x16xf32> to vector<128x16xf32>
    %dot_general3A_581 = arith.constant dense<0.000000e+00> : vector<136x16xf32>
    %dot_general3A_582 = tpu.matmul %mul3A_575, %get3A_580, %dot_general3A_581 {dimension_numbers = #tpu.dot_dimension_numbers<[1], [0], [0], [1], [0, 0, 1, 1], [], []>, transpose_lhs_hint = false} : vector<136x128xf32>, vector<128x16xf32>, vector<136x16xf32> -> vector<136x16xf32>
    %get3A_583 = arith.index_cast %min3A_564 : i32 to index
    %get3A_584 = arith.constant 0 : index
    %get3A_585 = vector.load %arg6[%get3A_583, %get3A_584] : memref<656x16xf32, #tpu.memory_space<vmem>>, vector<136x16xf32>
    %add3A_586 = arith.addf %get3A_585, %dot_general3A_582 : vector<136x16xf32>
    %swap3A_587 = arith.index_cast %min3A_564 : i32 to index
    %swap3A_588 = arith.constant 0 : index
    %swap3A_589 = vector.load %arg6[%swap3A_587, %swap3A_588] : memref<656x16xf32, #tpu.memory_space<vmem>>, vector<136x16xf32>
    tpu.vector_store %arg6[%swap3A_587, %swap3A_588], %add3A_586 {strides = array<i32>} : memref<656x16xf32, #tpu.memory_space<vmem>>, vector<136x16xf32>,
    %reduce_sum3A_590 = vector.shape_cast %while3A_529#0 : vector<1x128xf32> to vector<1x1x128xf32>
    %reduce_sum3A_591 = arith.constant dense<0.000000e+00> : vector<1xf32>
    %reduce_sum3A_592 = vector.multi_reduction <add>, %reduce_sum3A_590, %reduce_sum3A_591 [1, 2] : vector<1x1x128xf32> to vector<1xf32>
    %reduce_sum3A_593 = vector.shape_cast %reduce_sum3A_592 : vector<1xf32> to vector<1x1x1xf32>
    %reduce_sum3A_594 = vector.extract %reduce_sum3A_593[0, 0, 0] : f32 from vector<1x1x1xf32>
    %add3A_595 = arith.addf %add3A_503, %reduce_sum3A_594 : f32
    %get3A_596 = arith.constant 0 : index
    %get3A_597 = arith.constant 0 : index
    %get3A_598 = vector.load %arg5[%get3A_596, %get3A_597] : memref<1x2048xf32, #tpu.memory_space<vmem>>, vector<1x2048xf32>
    %lt3A_599 = arith.constant 640 : i32
    %lt3A_600 = vector.broadcast %lt3A_599 : i32 to vector<1x2048xi32>
    %lt3A_601 = arith.cmpi slt, %iota3A_7, %lt3A_600 : vector<1x2048xi32>
    %jit3A_602 = arith.constant 0.000000e+00 : f32
    %broadcast_in_dim3A_603 = vector.broadcast %jit3A_602 : f32 to vector<1x2048xf32>
    %select_n3A_604 = arith.select %lt3A_601, %get3A_598, %broadcast_in_dim3A_603 : vector<1x2048xi1>, vector<1x2048xf32>
    %convert_element_type3A_605 = arith.truncf %select_n3A_604 : vector<1x2048xf32> to vector<1x2048xbf16>
    %get3A_606 = arith.constant 0 : index
    %get3A_607 = arith.constant 640 : index
    %get3A_608 = vector.load %arg7[%get3A_606, %get3A_607] : memref<2048x2048xbf16, #tpu.memory_space<vmem>>, vector<2048x128xbf16>
    %dot_general3A_609 = arith.constant dense<0.000000e+00> : vector<1x128xf32>
    %dot_general3A_610 = tpu.matmul %convert_element_type3A_605, %get3A_608, %dot_general3A_609 {dimension_numbers = #tpu.dot_dimension_numbers<[1], [0], [0], [1], [0, 0, 1, 1], [], []>, transpose_lhs_hint = false} : vector<1x2048xbf16>, vector<2048x128xbf16>, vector<1x128xf32> -> vector<1x128xf32>
    %lt3A_611 = arith.constant 5.000000e-01 : f32
    %lt3A_612 = vector.broadcast %lt3A_611 : f32 to vector<1x128xf32>
    %lt3A_613 = arith.cmpf olt, %dot_general3A_610, %lt3A_612 : vector<1x128xf32>
    %convert_element_type3A_614 = arith.extui %lt3A_613 : vector<1x128xi1> to vector<1x128xi32>
    %convert_element_type3A_615 = arith.sitofp %convert_element_type3A_614 : vector<1x128xi32> to vector<1x128xf32>
    %get3A_616 = arith.constant 640 : index
    %get3A_617 = arith.constant 640 : index
    %get3A_618 = vector.load %arg7[%get3A_616, %get3A_617] : memref<2048x2048xbf16, #tpu.memory_space<vmem>>, vector<128x128xbf16>
    %mul3A_619 = arith.mulf %get3A_618, %convert_element_type3A_4 : vector<128x128xbf16>
    %while3A_620 = arith.constant true
    %while3A_621:2 = scf.while (%while3A_1611 = %convert_element_type3A_615, %while3A_1612 = %while3A_620) : (vector<1x128xf32>, i1) -> (vector<1x128xf32>, i1) {
      scf.condition(%while3A_1612) %while3A_1611, %while3A_1612 : vector<1x128xf32>, i1
    } do {
    ^bb0(%while3A_1611: vector<1x128xf32>, %while3A_1612: i1):
      %convert_element_type3A_1613 = arith.truncf %while3A_1611 : vector<1x128xf32> to vector<1x128xbf16>
      %dot_general3A_1614 = arith.constant dense<0.000000e+00> : vector<1x128xf32>
      %dot_general3A_1615 = tpu.matmul %convert_element_type3A_1613, %mul3A_619, %dot_general3A_1614 {dimension_numbers = #tpu.dot_dimension_numbers<[1], [0], [0], [1], [0, 0, 1, 1], [], []>, transpose_lhs_hint = false} : vector<1x128xbf16>, vector<128x128xbf16>, vector<1x128xf32> -> vector<1x128xf32>
      %lt3A_1616 = arith.constant 5.000000e-01 : f32
      %lt3A_1617 = vector.broadcast %lt3A_1616 : f32 to vector<1x128xf32>
      %lt3A_1618 = arith.cmpf olt, %dot_general3A_1615, %lt3A_1617 : vector<1x128xf32>
      %convert_element_type3A_1619 = arith.extui %lt3A_1618 : vector<1x128xi1> to vector<1x128xi32>
      %convert_element_type3A_1620 = arith.sitofp %convert_element_type3A_1619 : vector<1x128xi32> to vector<1x128xf32>
      %mul3A_1621 = arith.mulf %convert_element_type3A_615, %convert_element_type3A_1620 : vector<1x128xf32>
      %ne3A_1622 = arith.cmpf one, %mul3A_1621, %while3A_1611 : vector<1x128xf32>
      %reduce_or3A = arith.constant 1.000000e+00 : f32
      %reduce_or3A_1623 = arith.constant 0.000000e+00 : f32
      %reduce_or3A_1624 = vector.broadcast %reduce_or3A : f32 to vector<1x128xf32>
      %reduce_or3A_1625 = vector.broadcast %reduce_or3A_1623 : f32 to vector<1x128xf32>
      %reduce_or3A_1626 = arith.select %ne3A_1622, %reduce_or3A_1624, %reduce_or3A_1625 : vector<1x128xi1>, vector<1x128xf32>
      %reduce_or3A_1627 = vector.shape_cast %reduce_or3A_1626 : vector<1x128xf32> to vector<1x1x128xf32>
      %reduce_or3A_1628 = arith.constant dense<0xFF800000> : vector<1xf32>
      %reduce_or3A_1629 = vector.multi_reduction <maximumf>, %reduce_or3A_1627, %reduce_or3A_1628 [1, 2] : vector<1x1x128xf32> to vector<1xf32>
      %reduce_or3A_1630 = vector.shape_cast %reduce_or3A_1629 : vector<1xf32> to vector<1x1x1xf32>
      %reduce_or3A_1631 = vector.extract %reduce_or3A_1630[0, 0, 0] : f32 from vector<1x1x1xf32>
      %reduce_or3A_1632 = arith.constant 0.000000e+00 : f32
      %reduce_or3A_1633 = arith.cmpf ogt, %reduce_or3A_1631, %reduce_or3A_1632 : f32
      scf.yield %mul3A_1621, %reduce_or3A_1633 : vector<1x128xf32>, i1
    }
    %swap3A_622 = arith.constant 0 : index
    %swap3A_623 = arith.constant 640 : index
    %swap3A_624 = vector.load %arg5[%swap3A_622, %swap3A_623] : memref<1x2048xf32, #tpu.memory_space<vmem>>, vector<1x128xf32>
    tpu.vector_store %arg5[%swap3A_622, %swap3A_623], %while3A_621#0 {strides = array<i32>} : memref<1x2048xf32, #tpu.memory_space<vmem>>, vector<1x128xf32>,
    %convert_element_type3A_625 = arith.truncf %while3A_621#0 : vector<1x128xf32> to vector<1x128xbf16>
    %dot_general3A_626 = arith.constant dense<0.000000e+00> : vector<1x128xf32>
    %dot_general3A_627 = tpu.matmul %convert_element_type3A_625, %convert_element_type3A_4, %dot_general3A_626 {dimension_numbers = #tpu.dot_dimension_numbers<[1], [0], [0], [1], [0, 0, 1, 1], [], []>, transpose_lhs_hint = false} : vector<1x128xbf16>, vector<128x128xbf16>, vector<1x128xf32> -> vector<1x128xf32>
    %convert_element_type3A_628 = arith.fptosi %add3A_595 : f32 to i32
    %jit3A_629 = arith.constant 8 : i32
    %div3A_630 = arith.divsi %convert_element_type3A_628, %jit3A_629 : i32
    %sign3A_631 = arith.constant 0 : i32
    %sign3A_632 = arith.cmpi sgt, %convert_element_type3A_628, %sign3A_631 : i32
    %sign3A_633 = arith.extui %sign3A_632 : i1 to i32
    %sign3A_634 = arith.constant 0 : i32
    %sign3A_635 = arith.cmpi slt, %convert_element_type3A_628, %sign3A_634 : i32
    %sign3A_636 = arith.extui %sign3A_635 : i1 to i32
    %sign3A_637 = arith.subi %sign3A_633, %sign3A_636 : i32
    %sign3A_638 = arith.constant 0 : i32
    %sign3A_639 = arith.cmpi sgt, %jit3A_629, %sign3A_638 : i32
    %sign3A_640 = arith.extui %sign3A_639 : i1 to i32
    %sign3A_641 = arith.constant 0 : i32
    %sign3A_642 = arith.cmpi slt, %jit3A_629, %sign3A_641 : i32
    %sign3A_643 = arith.extui %sign3A_642 : i1 to i32
    %sign3A_644 = arith.subi %sign3A_640, %sign3A_643 : i32
    %ne3A_645 = arith.cmpi ne, %sign3A_637, %sign3A_644 : i32
    %rem3A_646 = arith.remsi %convert_element_type3A_628, %jit3A_629 : i32
    %ne3A_647 = arith.constant 0 : i32
    %ne3A_648 = arith.cmpi ne, %rem3A_646, %ne3A_647 : i32
    %and3A_649 = arith.andi %ne3A_645, %ne3A_648 : i1
    %sub3A_650 = arith.constant 1 : i32
    %sub3A_651 = arith.subi %div3A_630, %sub3A_650 : i32
    %select_n3A_652 = arith.select %and3A_649, %sub3A_651, %div3A_630 : i32
    %mul3A_653 = arith.constant 8 : i32
    %mul3A_654 = arith.muli %select_n3A_652, %mul3A_653 : i32
    %min3A_655 = arith.constant 512 : i32
    %min3A_656 = arith.minsi %mul3A_654, %min3A_655 : i32
    %sub3A_657 = arith.subi %convert_element_type3A_628, %min3A_656 : i32
    %convert_element_type3A_658 = arith.sitofp %sub3A_657 : i32 to f32
    %add3A_659 = vector.broadcast %convert_element_type3A_658 : f32 to vector<1x128xf32>
    %add3A_660 = arith.addf %dot_general3A_627, %add3A_659 : vector<1x128xf32>
    %eq3A_661 = vector.broadcast %convert_element_type3A_6 : vector<136x1xf32> to vector<136x128xf32>
    %eq3A_662 = vector.broadcast %add3A_660 : vector<1x128xf32> to vector<136x128xf32>
    %eq3A_663 = arith.cmpf oeq, %eq3A_661, %eq3A_662 : vector<136x128xf32>
    %convert_element_type3A_664 = arith.extui %eq3A_663 : vector<136x128xi1> to vector<136x128xi32>
    %convert_element_type3A_665 = arith.sitofp %convert_element_type3A_664 : vector<136x128xi32> to vector<136x128xf32>
    %mul3A_666 = vector.broadcast %while3A_621#0 : vector<1x128xf32> to vector<136x128xf32>
    %mul3A_667 = arith.mulf %convert_element_type3A_665, %mul3A_666 : vector<136x128xf32>
    %get3A_668 = arith.constant 0 : index
    %get3A_669 = arith.constant 640 : index
    %get3A_670 = arith.constant 0 : index
    %get3A_671 = vector.load %arg3[%get3A_668, %get3A_669, %get3A_670] : memref<1x2048x16xf32, #tpu.memory_space<vmem>>, vector<1x128x16xf32>
    %get3A_672 = vector.shape_cast %get3A_671 : vector<1x128x16xf32> to vector<128x16xf32>
    %dot_general3A_673 = arith.constant dense<0.000000e+00> : vector<136x16xf32>
    %dot_general3A_674 = tpu.matmul %mul3A_667, %get3A_672, %dot_general3A_673 {dimension_numbers = #tpu.dot_dimension_numbers<[1], [0], [0], [1], [0, 0, 1, 1], [], []>, transpose_lhs_hint = false} : vector<136x128xf32>, vector<128x16xf32>, vector<136x16xf32> -> vector<136x16xf32>
    %get3A_675 = arith.index_cast %min3A_656 : i32 to index
    %get3A_676 = arith.constant 0 : index
    %get3A_677 = vector.load %arg6[%get3A_675, %get3A_676] : memref<656x16xf32, #tpu.memory_space<vmem>>, vector<136x16xf32>
    %add3A_678 = arith.addf %get3A_677, %dot_general3A_674 : vector<136x16xf32>
    %swap3A_679 = arith.index_cast %min3A_656 : i32 to index
    %swap3A_680 = arith.constant 0 : index
    %swap3A_681 = vector.load %arg6[%swap3A_679, %swap3A_680] : memref<656x16xf32, #tpu.memory_space<vmem>>, vector<136x16xf32>
    tpu.vector_store %arg6[%swap3A_679, %swap3A_680], %add3A_678 {strides = array<i32>} : memref<656x16xf32, #tpu.memory_space<vmem>>, vector<136x16xf32>,
    %reduce_sum3A_682 = vector.shape_cast %while3A_621#0 : vector<1x128xf32> to vector<1x1x128xf32>
    %reduce_sum3A_683 = arith.constant dense<0.000000e+00> : vector<1xf32>
    %reduce_sum3A_684 = vector.multi_reduction <add>, %reduce_sum3A_682, %reduce_sum3A_683 [1, 2] : vector<1x1x128xf32> to vector<1xf32>
    %reduce_sum3A_685 = vector.shape_cast %reduce_sum3A_684 : vector<1xf32> to vector<1x1x1xf32>
    %reduce_sum3A_686 = vector.extract %reduce_sum3A_685[0, 0, 0] : f32 from vector<1x1x1xf32>
    %add3A_687 = arith.addf %add3A_595, %reduce_sum3A_686 : f32
    %get3A_688 = arith.constant 0 : index
    %get3A_689 = arith.constant 0 : index
    %get3A_690 = vector.load %arg5[%get3A_688, %get3A_689] : memref<1x2048xf32, #tpu.memory_space<vmem>>, vector<1x2048xf32>
    %lt3A_691 = arith.constant 768 : i32
    %lt3A_692 = vector.broadcast %lt3A_691 : i32 to vector<1x2048xi32>
    %lt3A_693 = arith.cmpi slt, %iota3A_7, %lt3A_692 : vector<1x2048xi32>
    %jit3A_694 = arith.constant 0.000000e+00 : f32
    %broadcast_in_dim3A_695 = vector.broadcast %jit3A_694 : f32 to vector<1x2048xf32>
    %select_n3A_696 = arith.select %lt3A_693, %get3A_690, %broadcast_in_dim3A_695 : vector<1x2048xi1>, vector<1x2048xf32>
    %convert_element_type3A_697 = arith.truncf %select_n3A_696 : vector<1x2048xf32> to vector<1x2048xbf16>
    %get3A_698 = arith.constant 0 : index
    %get3A_699 = arith.constant 768 : index
    %get3A_700 = vector.load %arg7[%get3A_698, %get3A_699] : memref<2048x2048xbf16, #tpu.memory_space<vmem>>, vector<2048x128xbf16>
    %dot_general3A_701 = arith.constant dense<0.000000e+00> : vector<1x128xf32>
    %dot_general3A_702 = tpu.matmul %convert_element_type3A_697, %get3A_700, %dot_general3A_701 {dimension_numbers = #tpu.dot_dimension_numbers<[1], [0], [0], [1], [0, 0, 1, 1], [], []>, transpose_lhs_hint = false} : vector<1x2048xbf16>, vector<2048x128xbf16>, vector<1x128xf32> -> vector<1x128xf32>
    %lt3A_703 = arith.constant 5.000000e-01 : f32
    %lt3A_704 = vector.broadcast %lt3A_703 : f32 to vector<1x128xf32>
    %lt3A_705 = arith.cmpf olt, %dot_general3A_702, %lt3A_704 : vector<1x128xf32>
    %convert_element_type3A_706 = arith.extui %lt3A_705 : vector<1x128xi1> to vector<1x128xi32>
    %convert_element_type3A_707 = arith.sitofp %convert_element_type3A_706 : vector<1x128xi32> to vector<1x128xf32>
    %get3A_708 = arith.constant 768 : index
    %get3A_709 = arith.constant 768 : index
    %get3A_710 = vector.load %arg7[%get3A_708, %get3A_709] : memref<2048x2048xbf16, #tpu.memory_space<vmem>>, vector<128x128xbf16>
    %mul3A_711 = arith.mulf %get3A_710, %convert_element_type3A_4 : vector<128x128xbf16>
    %while3A_712 = arith.constant true
    %while3A_713:2 = scf.while (%while3A_1611 = %convert_element_type3A_707, %while3A_1612 = %while3A_712) : (vector<1x128xf32>, i1) -> (vector<1x128xf32>, i1) {
      scf.condition(%while3A_1612) %while3A_1611, %while3A_1612 : vector<1x128xf32>, i1
    } do {
    ^bb0(%while3A_1611: vector<1x128xf32>, %while3A_1612: i1):
      %convert_element_type3A_1613 = arith.truncf %while3A_1611 : vector<1x128xf32> to vector<1x128xbf16>
      %dot_general3A_1614 = arith.constant dense<0.000000e+00> : vector<1x128xf32>
      %dot_general3A_1615 = tpu.matmul %convert_element_type3A_1613, %mul3A_711, %dot_general3A_1614 {dimension_numbers = #tpu.dot_dimension_numbers<[1], [0], [0], [1], [0, 0, 1, 1], [], []>, transpose_lhs_hint = false} : vector<1x128xbf16>, vector<128x128xbf16>, vector<1x128xf32> -> vector<1x128xf32>
      %lt3A_1616 = arith.constant 5.000000e-01 : f32
      %lt3A_1617 = vector.broadcast %lt3A_1616 : f32 to vector<1x128xf32>
      %lt3A_1618 = arith.cmpf olt, %dot_general3A_1615, %lt3A_1617 : vector<1x128xf32>
      %convert_element_type3A_1619 = arith.extui %lt3A_1618 : vector<1x128xi1> to vector<1x128xi32>
      %convert_element_type3A_1620 = arith.sitofp %convert_element_type3A_1619 : vector<1x128xi32> to vector<1x128xf32>
      %mul3A_1621 = arith.mulf %convert_element_type3A_707, %convert_element_type3A_1620 : vector<1x128xf32>
      %ne3A_1622 = arith.cmpf one, %mul3A_1621, %while3A_1611 : vector<1x128xf32>
      %reduce_or3A = arith.constant 1.000000e+00 : f32
      %reduce_or3A_1623 = arith.constant 0.000000e+00 : f32
      %reduce_or3A_1624 = vector.broadcast %reduce_or3A : f32 to vector<1x128xf32>
      %reduce_or3A_1625 = vector.broadcast %reduce_or3A_1623 : f32 to vector<1x128xf32>
      %reduce_or3A_1626 = arith.select %ne3A_1622, %reduce_or3A_1624, %reduce_or3A_1625 : vector<1x128xi1>, vector<1x128xf32>
      %reduce_or3A_1627 = vector.shape_cast %reduce_or3A_1626 : vector<1x128xf32> to vector<1x1x128xf32>
      %reduce_or3A_1628 = arith.constant dense<0xFF800000> : vector<1xf32>
      %reduce_or3A_1629 = vector.multi_reduction <maximumf>, %reduce_or3A_1627, %reduce_or3A_1628 [1, 2] : vector<1x1x128xf32> to vector<1xf32>
      %reduce_or3A_1630 = vector.shape_cast %reduce_or3A_1629 : vector<1xf32> to vector<1x1x1xf32>
      %reduce_or3A_1631 = vector.extract %reduce_or3A_1630[0, 0, 0] : f32 from vector<1x1x1xf32>
      %reduce_or3A_1632 = arith.constant 0.000000e+00 : f32
      %reduce_or3A_1633 = arith.cmpf ogt, %reduce_or3A_1631, %reduce_or3A_1632 : f32
      scf.yield %mul3A_1621, %reduce_or3A_1633 : vector<1x128xf32>, i1
    }
    %swap3A_714 = arith.constant 0 : index
    %swap3A_715 = arith.constant 768 : index
    %swap3A_716 = vector.load %arg5[%swap3A_714, %swap3A_715] : memref<1x2048xf32, #tpu.memory_space<vmem>>, vector<1x128xf32>
    tpu.vector_store %arg5[%swap3A_714, %swap3A_715], %while3A_713#0 {strides = array<i32>} : memref<1x2048xf32, #tpu.memory_space<vmem>>, vector<1x128xf32>,
    %convert_element_type3A_717 = arith.truncf %while3A_713#0 : vector<1x128xf32> to vector<1x128xbf16>
    %dot_general3A_718 = arith.constant dense<0.000000e+00> : vector<1x128xf32>
    %dot_general3A_719 = tpu.matmul %convert_element_type3A_717, %convert_element_type3A_4, %dot_general3A_718 {dimension_numbers = #tpu.dot_dimension_numbers<[1], [0], [0], [1], [0, 0, 1, 1], [], []>, transpose_lhs_hint = false} : vector<1x128xbf16>, vector<128x128xbf16>, vector<1x128xf32> -> vector<1x128xf32>
    %convert_element_type3A_720 = arith.fptosi %add3A_687 : f32 to i32
    %jit3A_721 = arith.constant 8 : i32
    %div3A_722 = arith.divsi %convert_element_type3A_720, %jit3A_721 : i32
    %sign3A_723 = arith.constant 0 : i32
    %sign3A_724 = arith.cmpi sgt, %convert_element_type3A_720, %sign3A_723 : i32
    %sign3A_725 = arith.extui %sign3A_724 : i1 to i32
    %sign3A_726 = arith.constant 0 : i32
    %sign3A_727 = arith.cmpi slt, %convert_element_type3A_720, %sign3A_726 : i32
    %sign3A_728 = arith.extui %sign3A_727 : i1 to i32
    %sign3A_729 = arith.subi %sign3A_725, %sign3A_728 : i32
    %sign3A_730 = arith.constant 0 : i32
    %sign3A_731 = arith.cmpi sgt, %jit3A_721, %sign3A_730 : i32
    %sign3A_732 = arith.extui %sign3A_731 : i1 to i32
    %sign3A_733 = arith.constant 0 : i32
    %sign3A_734 = arith.cmpi slt, %jit3A_721, %sign3A_733 : i32
    %sign3A_735 = arith.extui %sign3A_734 : i1 to i32
    %sign3A_736 = arith.subi %sign3A_732, %sign3A_735 : i32
    %ne3A_737 = arith.cmpi ne, %sign3A_729, %sign3A_736 : i32
    %rem3A_738 = arith.remsi %convert_element_type3A_720, %jit3A_721 : i32
    %ne3A_739 = arith.constant 0 : i32
    %ne3A_740 = arith.cmpi ne, %rem3A_738, %ne3A_739 : i32
    %and3A_741 = arith.andi %ne3A_737, %ne3A_740 : i1
    %sub3A_742 = arith.constant 1 : i32
    %sub3A_743 = arith.subi %div3A_722, %sub3A_742 : i32
    %select_n3A_744 = arith.select %and3A_741, %sub3A_743, %div3A_722 : i32
    %mul3A_745 = arith.constant 8 : i32
    %mul3A_746 = arith.muli %select_n3A_744, %mul3A_745 : i32
    %min3A_747 = arith.constant 512 : i32
    %min3A_748 = arith.minsi %mul3A_746, %min3A_747 : i32
    %sub3A_749 = arith.subi %convert_element_type3A_720, %min3A_748 : i32
    %convert_element_type3A_750 = arith.sitofp %sub3A_749 : i32 to f32
    %add3A_751 = vector.broadcast %convert_element_type3A_750 : f32 to vector<1x128xf32>
    %add3A_752 = arith.addf %dot_general3A_719, %add3A_751 : vector<1x128xf32>
    %eq3A_753 = vector.broadcast %convert_element_type3A_6 : vector<136x1xf32> to vector<136x128xf32>
    %eq3A_754 = vector.broadcast %add3A_752 : vector<1x128xf32> to vector<136x128xf32>
    %eq3A_755 = arith.cmpf oeq, %eq3A_753, %eq3A_754 : vector<136x128xf32>
    %convert_element_type3A_756 = arith.extui %eq3A_755 : vector<136x128xi1> to vector<136x128xi32>
    %convert_element_type3A_757 = arith.sitofp %convert_element_type3A_756 : vector<136x128xi32> to vector<136x128xf32>
    %mul3A_758 = vector.broadcast %while3A_713#0 : vector<1x128xf32> to vector<136x128xf32>
    %mul3A_759 = arith.mulf %convert_element_type3A_757, %mul3A_758 : vector<136x128xf32>
    %get3A_760 = arith.constant 0 : index
    %get3A_761 = arith.constant 768 : index
    %get3A_762 = arith.constant 0 : index
    %get3A_763 = vector.load %arg3[%get3A_760, %get3A_761, %get3A_762] : memref<1x2048x16xf32, #tpu.memory_space<vmem>>, vector<1x128x16xf32>
    %get3A_764 = vector.shape_cast %get3A_763 : vector<1x128x16xf32> to vector<128x16xf32>
    %dot_general3A_765 = arith.constant dense<0.000000e+00> : vector<136x16xf32>
    %dot_general3A_766 = tpu.matmul %mul3A_759, %get3A_764, %dot_general3A_765 {dimension_numbers = #tpu.dot_dimension_numbers<[1], [0], [0], [1], [0, 0, 1, 1], [], []>, transpose_lhs_hint = false} : vector<136x128xf32>, vector<128x16xf32>, vector<136x16xf32> -> vector<136x16xf32>
    %get3A_767 = arith.index_cast %min3A_748 : i32 to index
    %get3A_768 = arith.constant 0 : index
    %get3A_769 = vector.load %arg6[%get3A_767, %get3A_768] : memref<656x16xf32, #tpu.memory_space<vmem>>, vector<136x16xf32>
    %add3A_770 = arith.addf %get3A_769, %dot_general3A_766 : vector<136x16xf32>
    %swap3A_771 = arith.index_cast %min3A_748 : i32 to index
    %swap3A_772 = arith.constant 0 : index
    %swap3A_773 = vector.load %arg6[%swap3A_771, %swap3A_772] : memref<656x16xf32, #tpu.memory_space<vmem>>, vector<136x16xf32>
    tpu.vector_store %arg6[%swap3A_771, %swap3A_772], %add3A_770 {strides = array<i32>} : memref<656x16xf32, #tpu.memory_space<vmem>>, vector<136x16xf32>,
    %reduce_sum3A_774 = vector.shape_cast %while3A_713#0 : vector<1x128xf32> to vector<1x1x128xf32>
    %reduce_sum3A_775 = arith.constant dense<0.000000e+00> : vector<1xf32>
    %reduce_sum3A_776 = vector.multi_reduction <add>, %reduce_sum3A_774, %reduce_sum3A_775 [1, 2] : vector<1x1x128xf32> to vector<1xf32>
    %reduce_sum3A_777 = vector.shape_cast %reduce_sum3A_776 : vector<1xf32> to vector<1x1x1xf32>
    %reduce_sum3A_778 = vector.extract %reduce_sum3A_777[0, 0, 0] : f32 from vector<1x1x1xf32>
    %add3A_779 = arith.addf %add3A_687, %reduce_sum3A_778 : f32
    %get3A_780 = arith.constant 0 : index
    %get3A_781 = arith.constant 0 : index
    %get3A_782 = vector.load %arg5[%get3A_780, %get3A_781] : memref<1x2048xf32, #tpu.memory_space<vmem>>, vector<1x2048xf32>
    %lt3A_783 = arith.constant 896 : i32
    %lt3A_784 = vector.broadcast %lt3A_783 : i32 to vector<1x2048xi32>
    %lt3A_785 = arith.cmpi slt, %iota3A_7, %lt3A_784 : vector<1x2048xi32>
    %jit3A_786 = arith.constant 0.000000e+00 : f32
    %broadcast_in_dim3A_787 = vector.broadcast %jit3A_786 : f32 to vector<1x2048xf32>
    %select_n3A_788 = arith.select %lt3A_785, %get3A_782, %broadcast_in_dim3A_787 : vector<1x2048xi1>, vector<1x2048xf32>
    %convert_element_type3A_789 = arith.truncf %select_n3A_788 : vector<1x2048xf32> to vector<1x2048xbf16>
    %get3A_790 = arith.constant 0 : index
    %get3A_791 = arith.constant 896 : index
    %get3A_792 = vector.load %arg7[%get3A_790, %get3A_791] : memref<2048x2048xbf16, #tpu.memory_space<vmem>>, vector<2048x128xbf16>
    %dot_general3A_793 = arith.constant dense<0.000000e+00> : vector<1x128xf32>
    %dot_general3A_794 = tpu.matmul %convert_element_type3A_789, %get3A_792, %dot_general3A_793 {dimension_numbers = #tpu.dot_dimension_numbers<[1], [0], [0], [1], [0, 0, 1, 1], [], []>, transpose_lhs_hint = false} : vector<1x2048xbf16>, vector<2048x128xbf16>, vector<1x128xf32> -> vector<1x128xf32>
    %lt3A_795 = arith.constant 5.000000e-01 : f32
    %lt3A_796 = vector.broadcast %lt3A_795 : f32 to vector<1x128xf32>
    %lt3A_797 = arith.cmpf olt, %dot_general3A_794, %lt3A_796 : vector<1x128xf32>
    %convert_element_type3A_798 = arith.extui %lt3A_797 : vector<1x128xi1> to vector<1x128xi32>
    %convert_element_type3A_799 = arith.sitofp %convert_element_type3A_798 : vector<1x128xi32> to vector<1x128xf32>
    %get3A_800 = arith.constant 896 : index
    %get3A_801 = arith.constant 896 : index
    %get3A_802 = vector.load %arg7[%get3A_800, %get3A_801] : memref<2048x2048xbf16, #tpu.memory_space<vmem>>, vector<128x128xbf16>
    %mul3A_803 = arith.mulf %get3A_802, %convert_element_type3A_4 : vector<128x128xbf16>
    %while3A_804 = arith.constant true
    %while3A_805:2 = scf.while (%while3A_1611 = %convert_element_type3A_799, %while3A_1612 = %while3A_804) : (vector<1x128xf32>, i1) -> (vector<1x128xf32>, i1) {
      scf.condition(%while3A_1612) %while3A_1611, %while3A_1612 : vector<1x128xf32>, i1
    } do {
    ^bb0(%while3A_1611: vector<1x128xf32>, %while3A_1612: i1):
      %convert_element_type3A_1613 = arith.truncf %while3A_1611 : vector<1x128xf32> to vector<1x128xbf16>
      %dot_general3A_1614 = arith.constant dense<0.000000e+00> : vector<1x128xf32>
      %dot_general3A_1615 = tpu.matmul %convert_element_type3A_1613, %mul3A_803, %dot_general3A_1614 {dimension_numbers = #tpu.dot_dimension_numbers<[1], [0], [0], [1], [0, 0, 1, 1], [], []>, transpose_lhs_hint = false} : vector<1x128xbf16>, vector<128x128xbf16>, vector<1x128xf32> -> vector<1x128xf32>
      %lt3A_1616 = arith.constant 5.000000e-01 : f32
      %lt3A_1617 = vector.broadcast %lt3A_1616 : f32 to vector<1x128xf32>
      %lt3A_1618 = arith.cmpf olt, %dot_general3A_1615, %lt3A_1617 : vector<1x128xf32>
      %convert_element_type3A_1619 = arith.extui %lt3A_1618 : vector<1x128xi1> to vector<1x128xi32>
      %convert_element_type3A_1620 = arith.sitofp %convert_element_type3A_1619 : vector<1x128xi32> to vector<1x128xf32>
      %mul3A_1621 = arith.mulf %convert_element_type3A_799, %convert_element_type3A_1620 : vector<1x128xf32>
      %ne3A_1622 = arith.cmpf one, %mul3A_1621, %while3A_1611 : vector<1x128xf32>
      %reduce_or3A = arith.constant 1.000000e+00 : f32
      %reduce_or3A_1623 = arith.constant 0.000000e+00 : f32
      %reduce_or3A_1624 = vector.broadcast %reduce_or3A : f32 to vector<1x128xf32>
      %reduce_or3A_1625 = vector.broadcast %reduce_or3A_1623 : f32 to vector<1x128xf32>
      %reduce_or3A_1626 = arith.select %ne3A_1622, %reduce_or3A_1624, %reduce_or3A_1625 : vector<1x128xi1>, vector<1x128xf32>
      %reduce_or3A_1627 = vector.shape_cast %reduce_or3A_1626 : vector<1x128xf32> to vector<1x1x128xf32>
      %reduce_or3A_1628 = arith.constant dense<0xFF800000> : vector<1xf32>
      %reduce_or3A_1629 = vector.multi_reduction <maximumf>, %reduce_or3A_1627, %reduce_or3A_1628 [1, 2] : vector<1x1x128xf32> to vector<1xf32>
      %reduce_or3A_1630 = vector.shape_cast %reduce_or3A_1629 : vector<1xf32> to vector<1x1x1xf32>
      %reduce_or3A_1631 = vector.extract %reduce_or3A_1630[0, 0, 0] : f32 from vector<1x1x1xf32>
      %reduce_or3A_1632 = arith.constant 0.000000e+00 : f32
      %reduce_or3A_1633 = arith.cmpf ogt, %reduce_or3A_1631, %reduce_or3A_1632 : f32
      scf.yield %mul3A_1621, %reduce_or3A_1633 : vector<1x128xf32>, i1
    }
    %swap3A_806 = arith.constant 0 : index
    %swap3A_807 = arith.constant 896 : index
    %swap3A_808 = vector.load %arg5[%swap3A_806, %swap3A_807] : memref<1x2048xf32, #tpu.memory_space<vmem>>, vector<1x128xf32>
    tpu.vector_store %arg5[%swap3A_806, %swap3A_807], %while3A_805#0 {strides = array<i32>} : memref<1x2048xf32, #tpu.memory_space<vmem>>, vector<1x128xf32>,
    %convert_element_type3A_809 = arith.truncf %while3A_805#0 : vector<1x128xf32> to vector<1x128xbf16>
    %dot_general3A_810 = arith.constant dense<0.000000e+00> : vector<1x128xf32>
    %dot_general3A_811 = tpu.matmul %convert_element_type3A_809, %convert_element_type3A_4, %dot_general3A_810 {dimension_numbers = #tpu.dot_dimension_numbers<[1], [0], [0], [1], [0, 0, 1, 1], [], []>, transpose_lhs_hint = false} : vector<1x128xbf16>, vector<128x128xbf16>, vector<1x128xf32> -> vector<1x128xf32>
    %convert_element_type3A_812 = arith.fptosi %add3A_779 : f32 to i32
    %jit3A_813 = arith.constant 8 : i32
    %div3A_814 = arith.divsi %convert_element_type3A_812, %jit3A_813 : i32
    %sign3A_815 = arith.constant 0 : i32
    %sign3A_816 = arith.cmpi sgt, %convert_element_type3A_812, %sign3A_815 : i32
    %sign3A_817 = arith.extui %sign3A_816 : i1 to i32
    %sign3A_818 = arith.constant 0 : i32
    %sign3A_819 = arith.cmpi slt, %convert_element_type3A_812, %sign3A_818 : i32
    %sign3A_820 = arith.extui %sign3A_819 : i1 to i32
    %sign3A_821 = arith.subi %sign3A_817, %sign3A_820 : i32
    %sign3A_822 = arith.constant 0 : i32
    %sign3A_823 = arith.cmpi sgt, %jit3A_813, %sign3A_822 : i32
    %sign3A_824 = arith.extui %sign3A_823 : i1 to i32
    %sign3A_825 = arith.constant 0 : i32
    %sign3A_826 = arith.cmpi slt, %jit3A_813, %sign3A_825 : i32
    %sign3A_827 = arith.extui %sign3A_826 : i1 to i32
    %sign3A_828 = arith.subi %sign3A_824, %sign3A_827 : i32
    %ne3A_829 = arith.cmpi ne, %sign3A_821, %sign3A_828 : i32
    %rem3A_830 = arith.remsi %convert_element_type3A_812, %jit3A_813 : i32
    %ne3A_831 = arith.constant 0 : i32
    %ne3A_832 = arith.cmpi ne, %rem3A_830, %ne3A_831 : i32
    %and3A_833 = arith.andi %ne3A_829, %ne3A_832 : i1
    %sub3A_834 = arith.constant 1 : i32
    %sub3A_835 = arith.subi %div3A_814, %sub3A_834 : i32
    %select_n3A_836 = arith.select %and3A_833, %sub3A_835, %div3A_814 : i32
    %mul3A_837 = arith.constant 8 : i32
    %mul3A_838 = arith.muli %select_n3A_836, %mul3A_837 : i32
    %min3A_839 = arith.constant 512 : i32
    %min3A_840 = arith.minsi %mul3A_838, %min3A_839 : i32
    %sub3A_841 = arith.subi %convert_element_type3A_812, %min3A_840 : i32
    %convert_element_type3A_842 = arith.sitofp %sub3A_841 : i32 to f32
    %add3A_843 = vector.broadcast %convert_element_type3A_842 : f32 to vector<1x128xf32>
    %add3A_844 = arith.addf %dot_general3A_811, %add3A_843 : vector<1x128xf32>
    %eq3A_845 = vector.broadcast %convert_element_type3A_6 : vector<136x1xf32> to vector<136x128xf32>
    %eq3A_846 = vector.broadcast %add3A_844 : vector<1x128xf32> to vector<136x128xf32>
    %eq3A_847 = arith.cmpf oeq, %eq3A_845, %eq3A_846 : vector<136x128xf32>
    %convert_element_type3A_848 = arith.extui %eq3A_847 : vector<136x128xi1> to vector<136x128xi32>
    %convert_element_type3A_849 = arith.sitofp %convert_element_type3A_848 : vector<136x128xi32> to vector<136x128xf32>
    %mul3A_850 = vector.broadcast %while3A_805#0 : vector<1x128xf32> to vector<136x128xf32>
    %mul3A_851 = arith.mulf %convert_element_type3A_849, %mul3A_850 : vector<136x128xf32>
    %get3A_852 = arith.constant 0 : index
    %get3A_853 = arith.constant 896 : index
    %get3A_854 = arith.constant 0 : index
    %get3A_855 = vector.load %arg3[%get3A_852, %get3A_853, %get3A_854] : memref<1x2048x16xf32, #tpu.memory_space<vmem>>, vector<1x128x16xf32>
    %get3A_856 = vector.shape_cast %get3A_855 : vector<1x128x16xf32> to vector<128x16xf32>
    %dot_general3A_857 = arith.constant dense<0.000000e+00> : vector<136x16xf32>
    %dot_general3A_858 = tpu.matmul %mul3A_851, %get3A_856, %dot_general3A_857 {dimension_numbers = #tpu.dot_dimension_numbers<[1], [0], [0], [1], [0, 0, 1, 1], [], []>, transpose_lhs_hint = false} : vector<136x128xf32>, vector<128x16xf32>, vector<136x16xf32> -> vector<136x16xf32>
    %get3A_859 = arith.index_cast %min3A_840 : i32 to index
    %get3A_860 = arith.constant 0 : index
    %get3A_861 = vector.load %arg6[%get3A_859, %get3A_860] : memref<656x16xf32, #tpu.memory_space<vmem>>, vector<136x16xf32>
    %add3A_862 = arith.addf %get3A_861, %dot_general3A_858 : vector<136x16xf32>
    %swap3A_863 = arith.index_cast %min3A_840 : i32 to index
    %swap3A_864 = arith.constant 0 : index
    %swap3A_865 = vector.load %arg6[%swap3A_863, %swap3A_864] : memref<656x16xf32, #tpu.memory_space<vmem>>, vector<136x16xf32>
    tpu.vector_store %arg6[%swap3A_863, %swap3A_864], %add3A_862 {strides = array<i32>} : memref<656x16xf32, #tpu.memory_space<vmem>>, vector<136x16xf32>,
    %reduce_sum3A_866 = vector.shape_cast %while3A_805#0 : vector<1x128xf32> to vector<1x1x128xf32>
    %reduce_sum3A_867 = arith.constant dense<0.000000e+00> : vector<1xf32>
    %reduce_sum3A_868 = vector.multi_reduction <add>, %reduce_sum3A_866, %reduce_sum3A_867 [1, 2] : vector<1x1x128xf32> to vector<1xf32>
    %reduce_sum3A_869 = vector.shape_cast %reduce_sum3A_868 : vector<1xf32> to vector<1x1x1xf32>
    %reduce_sum3A_870 = vector.extract %reduce_sum3A_869[0, 0, 0] : f32 from vector<1x1x1xf32>
    %add3A_871 = arith.addf %add3A_779, %reduce_sum3A_870 : f32
    %get3A_872 = arith.constant 0 : index
    %get3A_873 = arith.constant 0 : index
    %get3A_874 = vector.load %arg5[%get3A_872, %get3A_873] : memref<1x2048xf32, #tpu.memory_space<vmem>>, vector<1x2048xf32>
    %lt3A_875 = arith.constant 1024 : i32
    %lt3A_876 = vector.broadcast %lt3A_875 : i32 to vector<1x2048xi32>
    %lt3A_877 = arith.cmpi slt, %iota3A_7, %lt3A_876 : vector<1x2048xi32>
    %jit3A_878 = arith.constant 0.000000e+00 : f32
    %broadcast_in_dim3A_879 = vector.broadcast %jit3A_878 : f32 to vector<1x2048xf32>
    %select_n3A_880 = arith.select %lt3A_877, %get3A_874, %broadcast_in_dim3A_879 : vector<1x2048xi1>, vector<1x2048xf32>
    %convert_element_type3A_881 = arith.truncf %select_n3A_880 : vector<1x2048xf32> to vector<1x2048xbf16>
    %get3A_882 = arith.constant 0 : index
    %get3A_883 = arith.constant 1024 : index
    %get3A_884 = vector.load %arg7[%get3A_882, %get3A_883] : memref<2048x2048xbf16, #tpu.memory_space<vmem>>, vector<2048x128xbf16>
    %dot_general3A_885 = arith.constant dense<0.000000e+00> : vector<1x128xf32>
    %dot_general3A_886 = tpu.matmul %convert_element_type3A_881, %get3A_884, %dot_general3A_885 {dimension_numbers = #tpu.dot_dimension_numbers<[1], [0], [0], [1], [0, 0, 1, 1], [], []>, transpose_lhs_hint = false} : vector<1x2048xbf16>, vector<2048x128xbf16>, vector<1x128xf32> -> vector<1x128xf32>
    %lt3A_887 = arith.constant 5.000000e-01 : f32
    %lt3A_888 = vector.broadcast %lt3A_887 : f32 to vector<1x128xf32>
    %lt3A_889 = arith.cmpf olt, %dot_general3A_886, %lt3A_888 : vector<1x128xf32>
    %convert_element_type3A_890 = arith.extui %lt3A_889 : vector<1x128xi1> to vector<1x128xi32>
    %convert_element_type3A_891 = arith.sitofp %convert_element_type3A_890 : vector<1x128xi32> to vector<1x128xf32>
    %get3A_892 = arith.constant 1024 : index
    %get3A_893 = arith.constant 1024 : index
    %get3A_894 = vector.load %arg7[%get3A_892, %get3A_893] : memref<2048x2048xbf16, #tpu.memory_space<vmem>>, vector<128x128xbf16>
    %mul3A_895 = arith.mulf %get3A_894, %convert_element_type3A_4 : vector<128x128xbf16>
    %while3A_896 = arith.constant true
    %while3A_897:2 = scf.while (%while3A_1611 = %convert_element_type3A_891, %while3A_1612 = %while3A_896) : (vector<1x128xf32>, i1) -> (vector<1x128xf32>, i1) {
      scf.condition(%while3A_1612) %while3A_1611, %while3A_1612 : vector<1x128xf32>, i1
    } do {
    ^bb0(%while3A_1611: vector<1x128xf32>, %while3A_1612: i1):
      %convert_element_type3A_1613 = arith.truncf %while3A_1611 : vector<1x128xf32> to vector<1x128xbf16>
      %dot_general3A_1614 = arith.constant dense<0.000000e+00> : vector<1x128xf32>
      %dot_general3A_1615 = tpu.matmul %convert_element_type3A_1613, %mul3A_895, %dot_general3A_1614 {dimension_numbers = #tpu.dot_dimension_numbers<[1], [0], [0], [1], [0, 0, 1, 1], [], []>, transpose_lhs_hint = false} : vector<1x128xbf16>, vector<128x128xbf16>, vector<1x128xf32> -> vector<1x128xf32>
      %lt3A_1616 = arith.constant 5.000000e-01 : f32
      %lt3A_1617 = vector.broadcast %lt3A_1616 : f32 to vector<1x128xf32>
      %lt3A_1618 = arith.cmpf olt, %dot_general3A_1615, %lt3A_1617 : vector<1x128xf32>
      %convert_element_type3A_1619 = arith.extui %lt3A_1618 : vector<1x128xi1> to vector<1x128xi32>
      %convert_element_type3A_1620 = arith.sitofp %convert_element_type3A_1619 : vector<1x128xi32> to vector<1x128xf32>
      %mul3A_1621 = arith.mulf %convert_element_type3A_891, %convert_element_type3A_1620 : vector<1x128xf32>
      %ne3A_1622 = arith.cmpf one, %mul3A_1621, %while3A_1611 : vector<1x128xf32>
      %reduce_or3A = arith.constant 1.000000e+00 : f32
      %reduce_or3A_1623 = arith.constant 0.000000e+00 : f32
      %reduce_or3A_1624 = vector.broadcast %reduce_or3A : f32 to vector<1x128xf32>
      %reduce_or3A_1625 = vector.broadcast %reduce_or3A_1623 : f32 to vector<1x128xf32>
      %reduce_or3A_1626 = arith.select %ne3A_1622, %reduce_or3A_1624, %reduce_or3A_1625 : vector<1x128xi1>, vector<1x128xf32>
      %reduce_or3A_1627 = vector.shape_cast %reduce_or3A_1626 : vector<1x128xf32> to vector<1x1x128xf32>
      %reduce_or3A_1628 = arith.constant dense<0xFF800000> : vector<1xf32>
      %reduce_or3A_1629 = vector.multi_reduction <maximumf>, %reduce_or3A_1627, %reduce_or3A_1628 [1, 2] : vector<1x1x128xf32> to vector<1xf32>
      %reduce_or3A_1630 = vector.shape_cast %reduce_or3A_1629 : vector<1xf32> to vector<1x1x1xf32>
      %reduce_or3A_1631 = vector.extract %reduce_or3A_1630[0, 0, 0] : f32 from vector<1x1x1xf32>
      %reduce_or3A_1632 = arith.constant 0.000000e+00 : f32
      %reduce_or3A_1633 = arith.cmpf ogt, %reduce_or3A_1631, %reduce_or3A_1632 : f32
      scf.yield %mul3A_1621, %reduce_or3A_1633 : vector<1x128xf32>, i1
    }
    %swap3A_898 = arith.constant 0 : index
    %swap3A_899 = arith.constant 1024 : index
    %swap3A_900 = vector.load %arg5[%swap3A_898, %swap3A_899] : memref<1x2048xf32, #tpu.memory_space<vmem>>, vector<1x128xf32>
    tpu.vector_store %arg5[%swap3A_898, %swap3A_899], %while3A_897#0 {strides = array<i32>} : memref<1x2048xf32, #tpu.memory_space<vmem>>, vector<1x128xf32>,
    %convert_element_type3A_901 = arith.truncf %while3A_897#0 : vector<1x128xf32> to vector<1x128xbf16>
    %dot_general3A_902 = arith.constant dense<0.000000e+00> : vector<1x128xf32>
    %dot_general3A_903 = tpu.matmul %convert_element_type3A_901, %convert_element_type3A_4, %dot_general3A_902 {dimension_numbers = #tpu.dot_dimension_numbers<[1], [0], [0], [1], [0, 0, 1, 1], [], []>, transpose_lhs_hint = false} : vector<1x128xbf16>, vector<128x128xbf16>, vector<1x128xf32> -> vector<1x128xf32>
    %convert_element_type3A_904 = arith.fptosi %add3A_871 : f32 to i32
    %jit3A_905 = arith.constant 8 : i32
    %div3A_906 = arith.divsi %convert_element_type3A_904, %jit3A_905 : i32
    %sign3A_907 = arith.constant 0 : i32
    %sign3A_908 = arith.cmpi sgt, %convert_element_type3A_904, %sign3A_907 : i32
    %sign3A_909 = arith.extui %sign3A_908 : i1 to i32
    %sign3A_910 = arith.constant 0 : i32
    %sign3A_911 = arith.cmpi slt, %convert_element_type3A_904, %sign3A_910 : i32
    %sign3A_912 = arith.extui %sign3A_911 : i1 to i32
    %sign3A_913 = arith.subi %sign3A_909, %sign3A_912 : i32
    %sign3A_914 = arith.constant 0 : i32
    %sign3A_915 = arith.cmpi sgt, %jit3A_905, %sign3A_914 : i32
    %sign3A_916 = arith.extui %sign3A_915 : i1 to i32
    %sign3A_917 = arith.constant 0 : i32
    %sign3A_918 = arith.cmpi slt, %jit3A_905, %sign3A_917 : i32
    %sign3A_919 = arith.extui %sign3A_918 : i1 to i32
    %sign3A_920 = arith.subi %sign3A_916, %sign3A_919 : i32
    %ne3A_921 = arith.cmpi ne, %sign3A_913, %sign3A_920 : i32
    %rem3A_922 = arith.remsi %convert_element_type3A_904, %jit3A_905 : i32
    %ne3A_923 = arith.constant 0 : i32
    %ne3A_924 = arith.cmpi ne, %rem3A_922, %ne3A_923 : i32
    %and3A_925 = arith.andi %ne3A_921, %ne3A_924 : i1
    %sub3A_926 = arith.constant 1 : i32
    %sub3A_927 = arith.subi %div3A_906, %sub3A_926 : i32
    %select_n3A_928 = arith.select %and3A_925, %sub3A_927, %div3A_906 : i32
    %mul3A_929 = arith.constant 8 : i32
    %mul3A_930 = arith.muli %select_n3A_928, %mul3A_929 : i32
    %min3A_931 = arith.constant 512 : i32
    %min3A_932 = arith.minsi %mul3A_930, %min3A_931 : i32
    %sub3A_933 = arith.subi %convert_element_type3A_904, %min3A_932 : i32
    %convert_element_type3A_934 = arith.sitofp %sub3A_933 : i32 to f32
    %add3A_935 = vector.broadcast %convert_element_type3A_934 : f32 to vector<1x128xf32>
    %add3A_936 = arith.addf %dot_general3A_903, %add3A_935 : vector<1x128xf32>
    %eq3A_937 = vector.broadcast %convert_element_type3A_6 : vector<136x1xf32> to vector<136x128xf32>
    %eq3A_938 = vector.broadcast %add3A_936 : vector<1x128xf32> to vector<136x128xf32>
    %eq3A_939 = arith.cmpf oeq, %eq3A_937, %eq3A_938 : vector<136x128xf32>
    %convert_element_type3A_940 = arith.extui %eq3A_939 : vector<136x128xi1> to vector<136x128xi32>
    %convert_element_type3A_941 = arith.sitofp %convert_element_type3A_940 : vector<136x128xi32> to vector<136x128xf32>
    %mul3A_942 = vector.broadcast %while3A_897#0 : vector<1x128xf32> to vector<136x128xf32>
    %mul3A_943 = arith.mulf %convert_element_type3A_941, %mul3A_942 : vector<136x128xf32>
    %get3A_944 = arith.constant 0 : index
    %get3A_945 = arith.constant 1024 : index
    %get3A_946 = arith.constant 0 : index
    %get3A_947 = vector.load %arg3[%get3A_944, %get3A_945, %get3A_946] : memref<1x2048x16xf32, #tpu.memory_space<vmem>>, vector<1x128x16xf32>
    %get3A_948 = vector.shape_cast %get3A_947 : vector<1x128x16xf32> to vector<128x16xf32>
    %dot_general3A_949 = arith.constant dense<0.000000e+00> : vector<136x16xf32>
    %dot_general3A_950 = tpu.matmul %mul3A_943, %get3A_948, %dot_general3A_949 {dimension_numbers = #tpu.dot_dimension_numbers<[1], [0], [0], [1], [0, 0, 1, 1], [], []>, transpose_lhs_hint = false} : vector<136x128xf32>, vector<128x16xf32>, vector<136x16xf32> -> vector<136x16xf32>
    %get3A_951 = arith.index_cast %min3A_932 : i32 to index
    %get3A_952 = arith.constant 0 : index
    %get3A_953 = vector.load %arg6[%get3A_951, %get3A_952] : memref<656x16xf32, #tpu.memory_space<vmem>>, vector<136x16xf32>
    %add3A_954 = arith.addf %get3A_953, %dot_general3A_950 : vector<136x16xf32>
    %swap3A_955 = arith.index_cast %min3A_932 : i32 to index
    %swap3A_956 = arith.constant 0 : index
    %swap3A_957 = vector.load %arg6[%swap3A_955, %swap3A_956] : memref<656x16xf32, #tpu.memory_space<vmem>>, vector<136x16xf32>
    tpu.vector_store %arg6[%swap3A_955, %swap3A_956], %add3A_954 {strides = array<i32>} : memref<656x16xf32, #tpu.memory_space<vmem>>, vector<136x16xf32>,
    %reduce_sum3A_958 = vector.shape_cast %while3A_897#0 : vector<1x128xf32> to vector<1x1x128xf32>
    %reduce_sum3A_959 = arith.constant dense<0.000000e+00> : vector<1xf32>
    %reduce_sum3A_960 = vector.multi_reduction <add>, %reduce_sum3A_958, %reduce_sum3A_959 [1, 2] : vector<1x1x128xf32> to vector<1xf32>
    %reduce_sum3A_961 = vector.shape_cast %reduce_sum3A_960 : vector<1xf32> to vector<1x1x1xf32>
    %reduce_sum3A_962 = vector.extract %reduce_sum3A_961[0, 0, 0] : f32 from vector<1x1x1xf32>
    %add3A_963 = arith.addf %add3A_871, %reduce_sum3A_962 : f32
    %get3A_964 = arith.constant 0 : index
    %get3A_965 = arith.constant 0 : index
    %get3A_966 = vector.load %arg5[%get3A_964, %get3A_965] : memref<1x2048xf32, #tpu.memory_space<vmem>>, vector<1x2048xf32>
    %lt3A_967 = arith.constant 1152 : i32
    %lt3A_968 = vector.broadcast %lt3A_967 : i32 to vector<1x2048xi32>
    %lt3A_969 = arith.cmpi slt, %iota3A_7, %lt3A_968 : vector<1x2048xi32>
    %jit3A_970 = arith.constant 0.000000e+00 : f32
    %broadcast_in_dim3A_971 = vector.broadcast %jit3A_970 : f32 to vector<1x2048xf32>
    %select_n3A_972 = arith.select %lt3A_969, %get3A_966, %broadcast_in_dim3A_971 : vector<1x2048xi1>, vector<1x2048xf32>
    %convert_element_type3A_973 = arith.truncf %select_n3A_972 : vector<1x2048xf32> to vector<1x2048xbf16>
    %get3A_974 = arith.constant 0 : index
    %get3A_975 = arith.constant 1152 : index
    %get3A_976 = vector.load %arg7[%get3A_974, %get3A_975] : memref<2048x2048xbf16, #tpu.memory_space<vmem>>, vector<2048x128xbf16>
    %dot_general3A_977 = arith.constant dense<0.000000e+00> : vector<1x128xf32>
    %dot_general3A_978 = tpu.matmul %convert_element_type3A_973, %get3A_976, %dot_general3A_977 {dimension_numbers = #tpu.dot_dimension_numbers<[1], [0], [0], [1], [0, 0, 1, 1], [], []>, transpose_lhs_hint = false} : vector<1x2048xbf16>, vector<2048x128xbf16>, vector<1x128xf32> -> vector<1x128xf32>
    %lt3A_979 = arith.constant 5.000000e-01 : f32
    %lt3A_980 = vector.broadcast %lt3A_979 : f32 to vector<1x128xf32>
    %lt3A_981 = arith.cmpf olt, %dot_general3A_978, %lt3A_980 : vector<1x128xf32>
    %convert_element_type3A_982 = arith.extui %lt3A_981 : vector<1x128xi1> to vector<1x128xi32>
    %convert_element_type3A_983 = arith.sitofp %convert_element_type3A_982 : vector<1x128xi32> to vector<1x128xf32>
    %get3A_984 = arith.constant 1152 : index
    %get3A_985 = arith.constant 1152 : index
    %get3A_986 = vector.load %arg7[%get3A_984, %get3A_985] : memref<2048x2048xbf16, #tpu.memory_space<vmem>>, vector<128x128xbf16>
    %mul3A_987 = arith.mulf %get3A_986, %convert_element_type3A_4 : vector<128x128xbf16>
    %while3A_988 = arith.constant true
    %while3A_989:2 = scf.while (%while3A_1611 = %convert_element_type3A_983, %while3A_1612 = %while3A_988) : (vector<1x128xf32>, i1) -> (vector<1x128xf32>, i1) {
      scf.condition(%while3A_1612) %while3A_1611, %while3A_1612 : vector<1x128xf32>, i1
    } do {
    ^bb0(%while3A_1611: vector<1x128xf32>, %while3A_1612: i1):
      %convert_element_type3A_1613 = arith.truncf %while3A_1611 : vector<1x128xf32> to vector<1x128xbf16>
      %dot_general3A_1614 = arith.constant dense<0.000000e+00> : vector<1x128xf32>
      %dot_general3A_1615 = tpu.matmul %convert_element_type3A_1613, %mul3A_987, %dot_general3A_1614 {dimension_numbers = #tpu.dot_dimension_numbers<[1], [0], [0], [1], [0, 0, 1, 1], [], []>, transpose_lhs_hint = false} : vector<1x128xbf16>, vector<128x128xbf16>, vector<1x128xf32> -> vector<1x128xf32>
      %lt3A_1616 = arith.constant 5.000000e-01 : f32
      %lt3A_1617 = vector.broadcast %lt3A_1616 : f32 to vector<1x128xf32>
      %lt3A_1618 = arith.cmpf olt, %dot_general3A_1615, %lt3A_1617 : vector<1x128xf32>
      %convert_element_type3A_1619 = arith.extui %lt3A_1618 : vector<1x128xi1> to vector<1x128xi32>
      %convert_element_type3A_1620 = arith.sitofp %convert_element_type3A_1619 : vector<1x128xi32> to vector<1x128xf32>
      %mul3A_1621 = arith.mulf %convert_element_type3A_983, %convert_element_type3A_1620 : vector<1x128xf32>
      %ne3A_1622 = arith.cmpf one, %mul3A_1621, %while3A_1611 : vector<1x128xf32>
      %reduce_or3A = arith.constant 1.000000e+00 : f32
      %reduce_or3A_1623 = arith.constant 0.000000e+00 : f32
      %reduce_or3A_1624 = vector.broadcast %reduce_or3A : f32 to vector<1x128xf32>
      %reduce_or3A_1625 = vector.broadcast %reduce_or3A_1623 : f32 to vector<1x128xf32>
      %reduce_or3A_1626 = arith.select %ne3A_1622, %reduce_or3A_1624, %reduce_or3A_1625 : vector<1x128xi1>, vector<1x128xf32>
      %reduce_or3A_1627 = vector.shape_cast %reduce_or3A_1626 : vector<1x128xf32> to vector<1x1x128xf32>
      %reduce_or3A_1628 = arith.constant dense<0xFF800000> : vector<1xf32>
      %reduce_or3A_1629 = vector.multi_reduction <maximumf>, %reduce_or3A_1627, %reduce_or3A_1628 [1, 2] : vector<1x1x128xf32> to vector<1xf32>
      %reduce_or3A_1630 = vector.shape_cast %reduce_or3A_1629 : vector<1xf32> to vector<1x1x1xf32>
      %reduce_or3A_1631 = vector.extract %reduce_or3A_1630[0, 0, 0] : f32 from vector<1x1x1xf32>
      %reduce_or3A_1632 = arith.constant 0.000000e+00 : f32
      %reduce_or3A_1633 = arith.cmpf ogt, %reduce_or3A_1631, %reduce_or3A_1632 : f32
      scf.yield %mul3A_1621, %reduce_or3A_1633 : vector<1x128xf32>, i1
    }
    %swap3A_990 = arith.constant 0 : index
    %swap3A_991 = arith.constant 1152 : index
    %swap3A_992 = vector.load %arg5[%swap3A_990, %swap3A_991] : memref<1x2048xf32, #tpu.memory_space<vmem>>, vector<1x128xf32>
    tpu.vector_store %arg5[%swap3A_990, %swap3A_991], %while3A_989#0 {strides = array<i32>} : memref<1x2048xf32, #tpu.memory_space<vmem>>, vector<1x128xf32>,
    %convert_element_type3A_993 = arith.truncf %while3A_989#0 : vector<1x128xf32> to vector<1x128xbf16>
    %dot_general3A_994 = arith.constant dense<0.000000e+00> : vector<1x128xf32>
    %dot_general3A_995 = tpu.matmul %convert_element_type3A_993, %convert_element_type3A_4, %dot_general3A_994 {dimension_numbers = #tpu.dot_dimension_numbers<[1], [0], [0], [1], [0, 0, 1, 1], [], []>, transpose_lhs_hint = false} : vector<1x128xbf16>, vector<128x128xbf16>, vector<1x128xf32> -> vector<1x128xf32>
    %convert_element_type3A_996 = arith.fptosi %add3A_963 : f32 to i32
    %jit3A_997 = arith.constant 8 : i32
    %div3A_998 = arith.divsi %convert_element_type3A_996, %jit3A_997 : i32
    %sign3A_999 = arith.constant 0 : i32
    %sign3A_1000 = arith.cmpi sgt, %convert_element_type3A_996, %sign3A_999 : i32
    %sign3A_1001 = arith.extui %sign3A_1000 : i1 to i32
    %sign3A_1002 = arith.constant 0 : i32
    %sign3A_1003 = arith.cmpi slt, %convert_element_type3A_996, %sign3A_1002 : i32
    %sign3A_1004 = arith.extui %sign3A_1003 : i1 to i32
    %sign3A_1005 = arith.subi %sign3A_1001, %sign3A_1004 : i32
    %sign3A_1006 = arith.constant 0 : i32
    %sign3A_1007 = arith.cmpi sgt, %jit3A_997, %sign3A_1006 : i32
    %sign3A_1008 = arith.extui %sign3A_1007 : i1 to i32
    %sign3A_1009 = arith.constant 0 : i32
    %sign3A_1010 = arith.cmpi slt, %jit3A_997, %sign3A_1009 : i32
    %sign3A_1011 = arith.extui %sign3A_1010 : i1 to i32
    %sign3A_1012 = arith.subi %sign3A_1008, %sign3A_1011 : i32
    %ne3A_1013 = arith.cmpi ne, %sign3A_1005, %sign3A_1012 : i32
    %rem3A_1014 = arith.remsi %convert_element_type3A_996, %jit3A_997 : i32
    %ne3A_1015 = arith.constant 0 : i32
    %ne3A_1016 = arith.cmpi ne, %rem3A_1014, %ne3A_1015 : i32
    %and3A_1017 = arith.andi %ne3A_1013, %ne3A_1016 : i1
    %sub3A_1018 = arith.constant 1 : i32
    %sub3A_1019 = arith.subi %div3A_998, %sub3A_1018 : i32
    %select_n3A_1020 = arith.select %and3A_1017, %sub3A_1019, %div3A_998 : i32
    %mul3A_1021 = arith.constant 8 : i32
    %mul3A_1022 = arith.muli %select_n3A_1020, %mul3A_1021 : i32
    %min3A_1023 = arith.constant 512 : i32
    %min3A_1024 = arith.minsi %mul3A_1022, %min3A_1023 : i32
    %sub3A_1025 = arith.subi %convert_element_type3A_996, %min3A_1024 : i32
    %convert_element_type3A_1026 = arith.sitofp %sub3A_1025 : i32 to f32
    %add3A_1027 = vector.broadcast %convert_element_type3A_1026 : f32 to vector<1x128xf32>
    %add3A_1028 = arith.addf %dot_general3A_995, %add3A_1027 : vector<1x128xf32>
    %eq3A_1029 = vector.broadcast %convert_element_type3A_6 : vector<136x1xf32> to vector<136x128xf32>
    %eq3A_1030 = vector.broadcast %add3A_1028 : vector<1x128xf32> to vector<136x128xf32>
    %eq3A_1031 = arith.cmpf oeq, %eq3A_1029, %eq3A_1030 : vector<136x128xf32>
    %convert_element_type3A_1032 = arith.extui %eq3A_1031 : vector<136x128xi1> to vector<136x128xi32>
    %convert_element_type3A_1033 = arith.sitofp %convert_element_type3A_1032 : vector<136x128xi32> to vector<136x128xf32>
    %mul3A_1034 = vector.broadcast %while3A_989#0 : vector<1x128xf32> to vector<136x128xf32>
    %mul3A_1035 = arith.mulf %convert_element_type3A_1033, %mul3A_1034 : vector<136x128xf32>
    %get3A_1036 = arith.constant 0 : index
    %get3A_1037 = arith.constant 1152 : index
    %get3A_1038 = arith.constant 0 : index
    %get3A_1039 = vector.load %arg3[%get3A_1036, %get3A_1037, %get3A_1038] : memref<1x2048x16xf32, #tpu.memory_space<vmem>>, vector<1x128x16xf32>
    %get3A_1040 = vector.shape_cast %get3A_1039 : vector<1x128x16xf32> to vector<128x16xf32>
    %dot_general3A_1041 = arith.constant dense<0.000000e+00> : vector<136x16xf32>
    %dot_general3A_1042 = tpu.matmul %mul3A_1035, %get3A_1040, %dot_general3A_1041 {dimension_numbers = #tpu.dot_dimension_numbers<[1], [0], [0], [1], [0, 0, 1, 1], [], []>, transpose_lhs_hint = false} : vector<136x128xf32>, vector<128x16xf32>, vector<136x16xf32> -> vector<136x16xf32>
    %get3A_1043 = arith.index_cast %min3A_1024 : i32 to index
    %get3A_1044 = arith.constant 0 : index
    %get3A_1045 = vector.load %arg6[%get3A_1043, %get3A_1044] : memref<656x16xf32, #tpu.memory_space<vmem>>, vector<136x16xf32>
    %add3A_1046 = arith.addf %get3A_1045, %dot_general3A_1042 : vector<136x16xf32>
    %swap3A_1047 = arith.index_cast %min3A_1024 : i32 to index
    %swap3A_1048 = arith.constant 0 : index
    %swap3A_1049 = vector.load %arg6[%swap3A_1047, %swap3A_1048] : memref<656x16xf32, #tpu.memory_space<vmem>>, vector<136x16xf32>
    tpu.vector_store %arg6[%swap3A_1047, %swap3A_1048], %add3A_1046 {strides = array<i32>} : memref<656x16xf32, #tpu.memory_space<vmem>>, vector<136x16xf32>,
    %reduce_sum3A_1050 = vector.shape_cast %while3A_989#0 : vector<1x128xf32> to vector<1x1x128xf32>
    %reduce_sum3A_1051 = arith.constant dense<0.000000e+00> : vector<1xf32>
    %reduce_sum3A_1052 = vector.multi_reduction <add>, %reduce_sum3A_1050, %reduce_sum3A_1051 [1, 2] : vector<1x1x128xf32> to vector<1xf32>
    %reduce_sum3A_1053 = vector.shape_cast %reduce_sum3A_1052 : vector<1xf32> to vector<1x1x1xf32>
    %reduce_sum3A_1054 = vector.extract %reduce_sum3A_1053[0, 0, 0] : f32 from vector<1x1x1xf32>
    %add3A_1055 = arith.addf %add3A_963, %reduce_sum3A_1054 : f32
    %get3A_1056 = arith.constant 0 : index
    %get3A_1057 = arith.constant 0 : index
    %get3A_1058 = vector.load %arg5[%get3A_1056, %get3A_1057] : memref<1x2048xf32, #tpu.memory_space<vmem>>, vector<1x2048xf32>
    %lt3A_1059 = arith.constant 1280 : i32
    %lt3A_1060 = vector.broadcast %lt3A_1059 : i32 to vector<1x2048xi32>
    %lt3A_1061 = arith.cmpi slt, %iota3A_7, %lt3A_1060 : vector<1x2048xi32>
    %jit3A_1062 = arith.constant 0.000000e+00 : f32
    %broadcast_in_dim3A_1063 = vector.broadcast %jit3A_1062 : f32 to vector<1x2048xf32>
    %select_n3A_1064 = arith.select %lt3A_1061, %get3A_1058, %broadcast_in_dim3A_1063 : vector<1x2048xi1>, vector<1x2048xf32>
    %convert_element_type3A_1065 = arith.truncf %select_n3A_1064 : vector<1x2048xf32> to vector<1x2048xbf16>
    %get3A_1066 = arith.constant 0 : index
    %get3A_1067 = arith.constant 1280 : index
    %get3A_1068 = vector.load %arg7[%get3A_1066, %get3A_1067] : memref<2048x2048xbf16, #tpu.memory_space<vmem>>, vector<2048x128xbf16>
    %dot_general3A_1069 = arith.constant dense<0.000000e+00> : vector<1x128xf32>
    %dot_general3A_1070 = tpu.matmul %convert_element_type3A_1065, %get3A_1068, %dot_general3A_1069 {dimension_numbers = #tpu.dot_dimension_numbers<[1], [0], [0], [1], [0, 0, 1, 1], [], []>, transpose_lhs_hint = false} : vector<1x2048xbf16>, vector<2048x128xbf16>, vector<1x128xf32> -> vector<1x128xf32>
    %lt3A_1071 = arith.constant 5.000000e-01 : f32
    %lt3A_1072 = vector.broadcast %lt3A_1071 : f32 to vector<1x128xf32>
    %lt3A_1073 = arith.cmpf olt, %dot_general3A_1070, %lt3A_1072 : vector<1x128xf32>
    %convert_element_type3A_1074 = arith.extui %lt3A_1073 : vector<1x128xi1> to vector<1x128xi32>
    %convert_element_type3A_1075 = arith.sitofp %convert_element_type3A_1074 : vector<1x128xi32> to vector<1x128xf32>
    %get3A_1076 = arith.constant 1280 : index
    %get3A_1077 = arith.constant 1280 : index
    %get3A_1078 = vector.load %arg7[%get3A_1076, %get3A_1077] : memref<2048x2048xbf16, #tpu.memory_space<vmem>>, vector<128x128xbf16>
    %mul3A_1079 = arith.mulf %get3A_1078, %convert_element_type3A_4 : vector<128x128xbf16>
    %while3A_1080 = arith.constant true
    %while3A_1081:2 = scf.while (%while3A_1611 = %convert_element_type3A_1075, %while3A_1612 = %while3A_1080) : (vector<1x128xf32>, i1) -> (vector<1x128xf32>, i1) {
      scf.condition(%while3A_1612) %while3A_1611, %while3A_1612 : vector<1x128xf32>, i1
    } do {
    ^bb0(%while3A_1611: vector<1x128xf32>, %while3A_1612: i1):
      %convert_element_type3A_1613 = arith.truncf %while3A_1611 : vector<1x128xf32> to vector<1x128xbf16>
      %dot_general3A_1614 = arith.constant dense<0.000000e+00> : vector<1x128xf32>
      %dot_general3A_1615 = tpu.matmul %convert_element_type3A_1613, %mul3A_1079, %dot_general3A_1614 {dimension_numbers = #tpu.dot_dimension_numbers<[1], [0], [0], [1], [0, 0, 1, 1], [], []>, transpose_lhs_hint = false} : vector<1x128xbf16>, vector<128x128xbf16>, vector<1x128xf32> -> vector<1x128xf32>
      %lt3A_1616 = arith.constant 5.000000e-01 : f32
      %lt3A_1617 = vector.broadcast %lt3A_1616 : f32 to vector<1x128xf32>
      %lt3A_1618 = arith.cmpf olt, %dot_general3A_1615, %lt3A_1617 : vector<1x128xf32>
      %convert_element_type3A_1619 = arith.extui %lt3A_1618 : vector<1x128xi1> to vector<1x128xi32>
      %convert_element_type3A_1620 = arith.sitofp %convert_element_type3A_1619 : vector<1x128xi32> to vector<1x128xf32>
      %mul3A_1621 = arith.mulf %convert_element_type3A_1075, %convert_element_type3A_1620 : vector<1x128xf32>
      %ne3A_1622 = arith.cmpf one, %mul3A_1621, %while3A_1611 : vector<1x128xf32>
      %reduce_or3A = arith.constant 1.000000e+00 : f32
      %reduce_or3A_1623 = arith.constant 0.000000e+00 : f32
      %reduce_or3A_1624 = vector.broadcast %reduce_or3A : f32 to vector<1x128xf32>
      %reduce_or3A_1625 = vector.broadcast %reduce_or3A_1623 : f32 to vector<1x128xf32>
      %reduce_or3A_1626 = arith.select %ne3A_1622, %reduce_or3A_1624, %reduce_or3A_1625 : vector<1x128xi1>, vector<1x128xf32>
      %reduce_or3A_1627 = vector.shape_cast %reduce_or3A_1626 : vector<1x128xf32> to vector<1x1x128xf32>
      %reduce_or3A_1628 = arith.constant dense<0xFF800000> : vector<1xf32>
      %reduce_or3A_1629 = vector.multi_reduction <maximumf>, %reduce_or3A_1627, %reduce_or3A_1628 [1, 2] : vector<1x1x128xf32> to vector<1xf32>
      %reduce_or3A_1630 = vector.shape_cast %reduce_or3A_1629 : vector<1xf32> to vector<1x1x1xf32>
      %reduce_or3A_1631 = vector.extract %reduce_or3A_1630[0, 0, 0] : f32 from vector<1x1x1xf32>
      %reduce_or3A_1632 = arith.constant 0.000000e+00 : f32
      %reduce_or3A_1633 = arith.cmpf ogt, %reduce_or3A_1631, %reduce_or3A_1632 : f32
      scf.yield %mul3A_1621, %reduce_or3A_1633 : vector<1x128xf32>, i1
    }
    %swap3A_1082 = arith.constant 0 : index
    %swap3A_1083 = arith.constant 1280 : index
    %swap3A_1084 = vector.load %arg5[%swap3A_1082, %swap3A_1083] : memref<1x2048xf32, #tpu.memory_space<vmem>>, vector<1x128xf32>
    tpu.vector_store %arg5[%swap3A_1082, %swap3A_1083], %while3A_1081#0 {strides = array<i32>} : memref<1x2048xf32, #tpu.memory_space<vmem>>, vector<1x128xf32>,
    %convert_element_type3A_1085 = arith.truncf %while3A_1081#0 : vector<1x128xf32> to vector<1x128xbf16>
    %dot_general3A_1086 = arith.constant dense<0.000000e+00> : vector<1x128xf32>
    %dot_general3A_1087 = tpu.matmul %convert_element_type3A_1085, %convert_element_type3A_4, %dot_general3A_1086 {dimension_numbers = #tpu.dot_dimension_numbers<[1], [0], [0], [1], [0, 0, 1, 1], [], []>, transpose_lhs_hint = false} : vector<1x128xbf16>, vector<128x128xbf16>, vector<1x128xf32> -> vector<1x128xf32>
    %convert_element_type3A_1088 = arith.fptosi %add3A_1055 : f32 to i32
    %jit3A_1089 = arith.constant 8 : i32
    %div3A_1090 = arith.divsi %convert_element_type3A_1088, %jit3A_1089 : i32
    %sign3A_1091 = arith.constant 0 : i32
    %sign3A_1092 = arith.cmpi sgt, %convert_element_type3A_1088, %sign3A_1091 : i32
    %sign3A_1093 = arith.extui %sign3A_1092 : i1 to i32
    %sign3A_1094 = arith.constant 0 : i32
    %sign3A_1095 = arith.cmpi slt, %convert_element_type3A_1088, %sign3A_1094 : i32
    %sign3A_1096 = arith.extui %sign3A_1095 : i1 to i32
    %sign3A_1097 = arith.subi %sign3A_1093, %sign3A_1096 : i32
    %sign3A_1098 = arith.constant 0 : i32
    %sign3A_1099 = arith.cmpi sgt, %jit3A_1089, %sign3A_1098 : i32
    %sign3A_1100 = arith.extui %sign3A_1099 : i1 to i32
    %sign3A_1101 = arith.constant 0 : i32
    %sign3A_1102 = arith.cmpi slt, %jit3A_1089, %sign3A_1101 : i32
    %sign3A_1103 = arith.extui %sign3A_1102 : i1 to i32
    %sign3A_1104 = arith.subi %sign3A_1100, %sign3A_1103 : i32
    %ne3A_1105 = arith.cmpi ne, %sign3A_1097, %sign3A_1104 : i32
    %rem3A_1106 = arith.remsi %convert_element_type3A_1088, %jit3A_1089 : i32
    %ne3A_1107 = arith.constant 0 : i32
    %ne3A_1108 = arith.cmpi ne, %rem3A_1106, %ne3A_1107 : i32
    %and3A_1109 = arith.andi %ne3A_1105, %ne3A_1108 : i1
    %sub3A_1110 = arith.constant 1 : i32
    %sub3A_1111 = arith.subi %div3A_1090, %sub3A_1110 : i32
    %select_n3A_1112 = arith.select %and3A_1109, %sub3A_1111, %div3A_1090 : i32
    %mul3A_1113 = arith.constant 8 : i32
    %mul3A_1114 = arith.muli %select_n3A_1112, %mul3A_1113 : i32
    %min3A_1115 = arith.constant 512 : i32
    %min3A_1116 = arith.minsi %mul3A_1114, %min3A_1115 : i32
    %sub3A_1117 = arith.subi %convert_element_type3A_1088, %min3A_1116 : i32
    %convert_element_type3A_1118 = arith.sitofp %sub3A_1117 : i32 to f32
    %add3A_1119 = vector.broadcast %convert_element_type3A_1118 : f32 to vector<1x128xf32>
    %add3A_1120 = arith.addf %dot_general3A_1087, %add3A_1119 : vector<1x128xf32>
    %eq3A_1121 = vector.broadcast %convert_element_type3A_6 : vector<136x1xf32> to vector<136x128xf32>
    %eq3A_1122 = vector.broadcast %add3A_1120 : vector<1x128xf32> to vector<136x128xf32>
    %eq3A_1123 = arith.cmpf oeq, %eq3A_1121, %eq3A_1122 : vector<136x128xf32>
    %convert_element_type3A_1124 = arith.extui %eq3A_1123 : vector<136x128xi1> to vector<136x128xi32>
    %convert_element_type3A_1125 = arith.sitofp %convert_element_type3A_1124 : vector<136x128xi32> to vector<136x128xf32>
    %mul3A_1126 = vector.broadcast %while3A_1081#0 : vector<1x128xf32> to vector<136x128xf32>
    %mul3A_1127 = arith.mulf %convert_element_type3A_1125, %mul3A_1126 : vector<136x128xf32>
    %get3A_1128 = arith.constant 0 : index
    %get3A_1129 = arith.constant 1280 : index
    %get3A_1130 = arith.constant 0 : index
    %get3A_1131 = vector.load %arg3[%get3A_1128, %get3A_1129, %get3A_1130] : memref<1x2048x16xf32, #tpu.memory_space<vmem>>, vector<1x128x16xf32>
    %get3A_1132 = vector.shape_cast %get3A_1131 : vector<1x128x16xf32> to vector<128x16xf32>
    %dot_general3A_1133 = arith.constant dense<0.000000e+00> : vector<136x16xf32>
    %dot_general3A_1134 = tpu.matmul %mul3A_1127, %get3A_1132, %dot_general3A_1133 {dimension_numbers = #tpu.dot_dimension_numbers<[1], [0], [0], [1], [0, 0, 1, 1], [], []>, transpose_lhs_hint = false} : vector<136x128xf32>, vector<128x16xf32>, vector<136x16xf32> -> vector<136x16xf32>
    %get3A_1135 = arith.index_cast %min3A_1116 : i32 to index
    %get3A_1136 = arith.constant 0 : index
    %get3A_1137 = vector.load %arg6[%get3A_1135, %get3A_1136] : memref<656x16xf32, #tpu.memory_space<vmem>>, vector<136x16xf32>
    %add3A_1138 = arith.addf %get3A_1137, %dot_general3A_1134 : vector<136x16xf32>
    %swap3A_1139 = arith.index_cast %min3A_1116 : i32 to index
    %swap3A_1140 = arith.constant 0 : index
    %swap3A_1141 = vector.load %arg6[%swap3A_1139, %swap3A_1140] : memref<656x16xf32, #tpu.memory_space<vmem>>, vector<136x16xf32>
    tpu.vector_store %arg6[%swap3A_1139, %swap3A_1140], %add3A_1138 {strides = array<i32>} : memref<656x16xf32, #tpu.memory_space<vmem>>, vector<136x16xf32>,
    %reduce_sum3A_1142 = vector.shape_cast %while3A_1081#0 : vector<1x128xf32> to vector<1x1x128xf32>
    %reduce_sum3A_1143 = arith.constant dense<0.000000e+00> : vector<1xf32>
    %reduce_sum3A_1144 = vector.multi_reduction <add>, %reduce_sum3A_1142, %reduce_sum3A_1143 [1, 2] : vector<1x1x128xf32> to vector<1xf32>
    %reduce_sum3A_1145 = vector.shape_cast %reduce_sum3A_1144 : vector<1xf32> to vector<1x1x1xf32>
    %reduce_sum3A_1146 = vector.extract %reduce_sum3A_1145[0, 0, 0] : f32 from vector<1x1x1xf32>
    %add3A_1147 = arith.addf %add3A_1055, %reduce_sum3A_1146 : f32
    %get3A_1148 = arith.constant 0 : index
    %get3A_1149 = arith.constant 0 : index
    %get3A_1150 = vector.load %arg5[%get3A_1148, %get3A_1149] : memref<1x2048xf32, #tpu.memory_space<vmem>>, vector<1x2048xf32>
    %lt3A_1151 = arith.constant 1408 : i32
    %lt3A_1152 = vector.broadcast %lt3A_1151 : i32 to vector<1x2048xi32>
    %lt3A_1153 = arith.cmpi slt, %iota3A_7, %lt3A_1152 : vector<1x2048xi32>
    %jit3A_1154 = arith.constant 0.000000e+00 : f32
    %broadcast_in_dim3A_1155 = vector.broadcast %jit3A_1154 : f32 to vector<1x2048xf32>
    %select_n3A_1156 = arith.select %lt3A_1153, %get3A_1150, %broadcast_in_dim3A_1155 : vector<1x2048xi1>, vector<1x2048xf32>
    %convert_element_type3A_1157 = arith.truncf %select_n3A_1156 : vector<1x2048xf32> to vector<1x2048xbf16>
    %get3A_1158 = arith.constant 0 : index
    %get3A_1159 = arith.constant 1408 : index
    %get3A_1160 = vector.load %arg7[%get3A_1158, %get3A_1159] : memref<2048x2048xbf16, #tpu.memory_space<vmem>>, vector<2048x128xbf16>
    %dot_general3A_1161 = arith.constant dense<0.000000e+00> : vector<1x128xf32>
    %dot_general3A_1162 = tpu.matmul %convert_element_type3A_1157, %get3A_1160, %dot_general3A_1161 {dimension_numbers = #tpu.dot_dimension_numbers<[1], [0], [0], [1], [0, 0, 1, 1], [], []>, transpose_lhs_hint = false} : vector<1x2048xbf16>, vector<2048x128xbf16>, vector<1x128xf32> -> vector<1x128xf32>
    %lt3A_1163 = arith.constant 5.000000e-01 : f32
    %lt3A_1164 = vector.broadcast %lt3A_1163 : f32 to vector<1x128xf32>
    %lt3A_1165 = arith.cmpf olt, %dot_general3A_1162, %lt3A_1164 : vector<1x128xf32>
    %convert_element_type3A_1166 = arith.extui %lt3A_1165 : vector<1x128xi1> to vector<1x128xi32>
    %convert_element_type3A_1167 = arith.sitofp %convert_element_type3A_1166 : vector<1x128xi32> to vector<1x128xf32>
    %get3A_1168 = arith.constant 1408 : index
    %get3A_1169 = arith.constant 1408 : index
    %get3A_1170 = vector.load %arg7[%get3A_1168, %get3A_1169] : memref<2048x2048xbf16, #tpu.memory_space<vmem>>, vector<128x128xbf16>
    %mul3A_1171 = arith.mulf %get3A_1170, %convert_element_type3A_4 : vector<128x128xbf16>
    %while3A_1172 = arith.constant true
    %while3A_1173:2 = scf.while (%while3A_1611 = %convert_element_type3A_1167, %while3A_1612 = %while3A_1172) : (vector<1x128xf32>, i1) -> (vector<1x128xf32>, i1) {
      scf.condition(%while3A_1612) %while3A_1611, %while3A_1612 : vector<1x128xf32>, i1
    } do {
    ^bb0(%while3A_1611: vector<1x128xf32>, %while3A_1612: i1):
      %convert_element_type3A_1613 = arith.truncf %while3A_1611 : vector<1x128xf32> to vector<1x128xbf16>
      %dot_general3A_1614 = arith.constant dense<0.000000e+00> : vector<1x128xf32>
      %dot_general3A_1615 = tpu.matmul %convert_element_type3A_1613, %mul3A_1171, %dot_general3A_1614 {dimension_numbers = #tpu.dot_dimension_numbers<[1], [0], [0], [1], [0, 0, 1, 1], [], []>, transpose_lhs_hint = false} : vector<1x128xbf16>, vector<128x128xbf16>, vector<1x128xf32> -> vector<1x128xf32>
      %lt3A_1616 = arith.constant 5.000000e-01 : f32
      %lt3A_1617 = vector.broadcast %lt3A_1616 : f32 to vector<1x128xf32>
      %lt3A_1618 = arith.cmpf olt, %dot_general3A_1615, %lt3A_1617 : vector<1x128xf32>
      %convert_element_type3A_1619 = arith.extui %lt3A_1618 : vector<1x128xi1> to vector<1x128xi32>
      %convert_element_type3A_1620 = arith.sitofp %convert_element_type3A_1619 : vector<1x128xi32> to vector<1x128xf32>
      %mul3A_1621 = arith.mulf %convert_element_type3A_1167, %convert_element_type3A_1620 : vector<1x128xf32>
      %ne3A_1622 = arith.cmpf one, %mul3A_1621, %while3A_1611 : vector<1x128xf32>
      %reduce_or3A = arith.constant 1.000000e+00 : f32
      %reduce_or3A_1623 = arith.constant 0.000000e+00 : f32
      %reduce_or3A_1624 = vector.broadcast %reduce_or3A : f32 to vector<1x128xf32>
      %reduce_or3A_1625 = vector.broadcast %reduce_or3A_1623 : f32 to vector<1x128xf32>
      %reduce_or3A_1626 = arith.select %ne3A_1622, %reduce_or3A_1624, %reduce_or3A_1625 : vector<1x128xi1>, vector<1x128xf32>
      %reduce_or3A_1627 = vector.shape_cast %reduce_or3A_1626 : vector<1x128xf32> to vector<1x1x128xf32>
      %reduce_or3A_1628 = arith.constant dense<0xFF800000> : vector<1xf32>
      %reduce_or3A_1629 = vector.multi_reduction <maximumf>, %reduce_or3A_1627, %reduce_or3A_1628 [1, 2] : vector<1x1x128xf32> to vector<1xf32>
      %reduce_or3A_1630 = vector.shape_cast %reduce_or3A_1629 : vector<1xf32> to vector<1x1x1xf32>
      %reduce_or3A_1631 = vector.extract %reduce_or3A_1630[0, 0, 0] : f32 from vector<1x1x1xf32>
      %reduce_or3A_1632 = arith.constant 0.000000e+00 : f32
      %reduce_or3A_1633 = arith.cmpf ogt, %reduce_or3A_1631, %reduce_or3A_1632 : f32
      scf.yield %mul3A_1621, %reduce_or3A_1633 : vector<1x128xf32>, i1
    }
    %swap3A_1174 = arith.constant 0 : index
    %swap3A_1175 = arith.constant 1408 : index
    %swap3A_1176 = vector.load %arg5[%swap3A_1174, %swap3A_1175] : memref<1x2048xf32, #tpu.memory_space<vmem>>, vector<1x128xf32>
    tpu.vector_store %arg5[%swap3A_1174, %swap3A_1175], %while3A_1173#0 {strides = array<i32>} : memref<1x2048xf32, #tpu.memory_space<vmem>>, vector<1x128xf32>,
    %convert_element_type3A_1177 = arith.truncf %while3A_1173#0 : vector<1x128xf32> to vector<1x128xbf16>
    %dot_general3A_1178 = arith.constant dense<0.000000e+00> : vector<1x128xf32>
    %dot_general3A_1179 = tpu.matmul %convert_element_type3A_1177, %convert_element_type3A_4, %dot_general3A_1178 {dimension_numbers = #tpu.dot_dimension_numbers<[1], [0], [0], [1], [0, 0, 1, 1], [], []>, transpose_lhs_hint = false} : vector<1x128xbf16>, vector<128x128xbf16>, vector<1x128xf32> -> vector<1x128xf32>
    %convert_element_type3A_1180 = arith.fptosi %add3A_1147 : f32 to i32
    %jit3A_1181 = arith.constant 8 : i32
    %div3A_1182 = arith.divsi %convert_element_type3A_1180, %jit3A_1181 : i32
    %sign3A_1183 = arith.constant 0 : i32
    %sign3A_1184 = arith.cmpi sgt, %convert_element_type3A_1180, %sign3A_1183 : i32
    %sign3A_1185 = arith.extui %sign3A_1184 : i1 to i32
    %sign3A_1186 = arith.constant 0 : i32
    %sign3A_1187 = arith.cmpi slt, %convert_element_type3A_1180, %sign3A_1186 : i32
    %sign3A_1188 = arith.extui %sign3A_1187 : i1 to i32
    %sign3A_1189 = arith.subi %sign3A_1185, %sign3A_1188 : i32
    %sign3A_1190 = arith.constant 0 : i32
    %sign3A_1191 = arith.cmpi sgt, %jit3A_1181, %sign3A_1190 : i32
    %sign3A_1192 = arith.extui %sign3A_1191 : i1 to i32
    %sign3A_1193 = arith.constant 0 : i32
    %sign3A_1194 = arith.cmpi slt, %jit3A_1181, %sign3A_1193 : i32
    %sign3A_1195 = arith.extui %sign3A_1194 : i1 to i32
    %sign3A_1196 = arith.subi %sign3A_1192, %sign3A_1195 : i32
    %ne3A_1197 = arith.cmpi ne, %sign3A_1189, %sign3A_1196 : i32
    %rem3A_1198 = arith.remsi %convert_element_type3A_1180, %jit3A_1181 : i32
    %ne3A_1199 = arith.constant 0 : i32
    %ne3A_1200 = arith.cmpi ne, %rem3A_1198, %ne3A_1199 : i32
    %and3A_1201 = arith.andi %ne3A_1197, %ne3A_1200 : i1
    %sub3A_1202 = arith.constant 1 : i32
    %sub3A_1203 = arith.subi %div3A_1182, %sub3A_1202 : i32
    %select_n3A_1204 = arith.select %and3A_1201, %sub3A_1203, %div3A_1182 : i32
    %mul3A_1205 = arith.constant 8 : i32
    %mul3A_1206 = arith.muli %select_n3A_1204, %mul3A_1205 : i32
    %min3A_1207 = arith.constant 512 : i32
    %min3A_1208 = arith.minsi %mul3A_1206, %min3A_1207 : i32
    %sub3A_1209 = arith.subi %convert_element_type3A_1180, %min3A_1208 : i32
    %convert_element_type3A_1210 = arith.sitofp %sub3A_1209 : i32 to f32
    %add3A_1211 = vector.broadcast %convert_element_type3A_1210 : f32 to vector<1x128xf32>
    %add3A_1212 = arith.addf %dot_general3A_1179, %add3A_1211 : vector<1x128xf32>
    %eq3A_1213 = vector.broadcast %convert_element_type3A_6 : vector<136x1xf32> to vector<136x128xf32>
    %eq3A_1214 = vector.broadcast %add3A_1212 : vector<1x128xf32> to vector<136x128xf32>
    %eq3A_1215 = arith.cmpf oeq, %eq3A_1213, %eq3A_1214 : vector<136x128xf32>
    %convert_element_type3A_1216 = arith.extui %eq3A_1215 : vector<136x128xi1> to vector<136x128xi32>
    %convert_element_type3A_1217 = arith.sitofp %convert_element_type3A_1216 : vector<136x128xi32> to vector<136x128xf32>
    %mul3A_1218 = vector.broadcast %while3A_1173#0 : vector<1x128xf32> to vector<136x128xf32>
    %mul3A_1219 = arith.mulf %convert_element_type3A_1217, %mul3A_1218 : vector<136x128xf32>
    %get3A_1220 = arith.constant 0 : index
    %get3A_1221 = arith.constant 1408 : index
    %get3A_1222 = arith.constant 0 : index
    %get3A_1223 = vector.load %arg3[%get3A_1220, %get3A_1221, %get3A_1222] : memref<1x2048x16xf32, #tpu.memory_space<vmem>>, vector<1x128x16xf32>
    %get3A_1224 = vector.shape_cast %get3A_1223 : vector<1x128x16xf32> to vector<128x16xf32>
    %dot_general3A_1225 = arith.constant dense<0.000000e+00> : vector<136x16xf32>
    %dot_general3A_1226 = tpu.matmul %mul3A_1219, %get3A_1224, %dot_general3A_1225 {dimension_numbers = #tpu.dot_dimension_numbers<[1], [0], [0], [1], [0, 0, 1, 1], [], []>, transpose_lhs_hint = false} : vector<136x128xf32>, vector<128x16xf32>, vector<136x16xf32> -> vector<136x16xf32>
    %get3A_1227 = arith.index_cast %min3A_1208 : i32 to index
    %get3A_1228 = arith.constant 0 : index
    %get3A_1229 = vector.load %arg6[%get3A_1227, %get3A_1228] : memref<656x16xf32, #tpu.memory_space<vmem>>, vector<136x16xf32>
    %add3A_1230 = arith.addf %get3A_1229, %dot_general3A_1226 : vector<136x16xf32>
    %swap3A_1231 = arith.index_cast %min3A_1208 : i32 to index
    %swap3A_1232 = arith.constant 0 : index
    %swap3A_1233 = vector.load %arg6[%swap3A_1231, %swap3A_1232] : memref<656x16xf32, #tpu.memory_space<vmem>>, vector<136x16xf32>
    tpu.vector_store %arg6[%swap3A_1231, %swap3A_1232], %add3A_1230 {strides = array<i32>} : memref<656x16xf32, #tpu.memory_space<vmem>>, vector<136x16xf32>,
    %reduce_sum3A_1234 = vector.shape_cast %while3A_1173#0 : vector<1x128xf32> to vector<1x1x128xf32>
    %reduce_sum3A_1235 = arith.constant dense<0.000000e+00> : vector<1xf32>
    %reduce_sum3A_1236 = vector.multi_reduction <add>, %reduce_sum3A_1234, %reduce_sum3A_1235 [1, 2] : vector<1x1x128xf32> to vector<1xf32>
    %reduce_sum3A_1237 = vector.shape_cast %reduce_sum3A_1236 : vector<1xf32> to vector<1x1x1xf32>
    %reduce_sum3A_1238 = vector.extract %reduce_sum3A_1237[0, 0, 0] : f32 from vector<1x1x1xf32>
    %add3A_1239 = arith.addf %add3A_1147, %reduce_sum3A_1238 : f32
    %get3A_1240 = arith.constant 0 : index
    %get3A_1241 = arith.constant 0 : index
    %get3A_1242 = vector.load %arg5[%get3A_1240, %get3A_1241] : memref<1x2048xf32, #tpu.memory_space<vmem>>, vector<1x2048xf32>
    %lt3A_1243 = arith.constant 1536 : i32
    %lt3A_1244 = vector.broadcast %lt3A_1243 : i32 to vector<1x2048xi32>
    %lt3A_1245 = arith.cmpi slt, %iota3A_7, %lt3A_1244 : vector<1x2048xi32>
    %jit3A_1246 = arith.constant 0.000000e+00 : f32
    %broadcast_in_dim3A_1247 = vector.broadcast %jit3A_1246 : f32 to vector<1x2048xf32>
    %select_n3A_1248 = arith.select %lt3A_1245, %get3A_1242, %broadcast_in_dim3A_1247 : vector<1x2048xi1>, vector<1x2048xf32>
    %convert_element_type3A_1249 = arith.truncf %select_n3A_1248 : vector<1x2048xf32> to vector<1x2048xbf16>
    %get3A_1250 = arith.constant 0 : index
    %get3A_1251 = arith.constant 1536 : index
    %get3A_1252 = vector.load %arg7[%get3A_1250, %get3A_1251] : memref<2048x2048xbf16, #tpu.memory_space<vmem>>, vector<2048x128xbf16>
    %dot_general3A_1253 = arith.constant dense<0.000000e+00> : vector<1x128xf32>
    %dot_general3A_1254 = tpu.matmul %convert_element_type3A_1249, %get3A_1252, %dot_general3A_1253 {dimension_numbers = #tpu.dot_dimension_numbers<[1], [0], [0], [1], [0, 0, 1, 1], [], []>, transpose_lhs_hint = false} : vector<1x2048xbf16>, vector<2048x128xbf16>, vector<1x128xf32> -> vector<1x128xf32>
    %lt3A_1255 = arith.constant 5.000000e-01 : f32
    %lt3A_1256 = vector.broadcast %lt3A_1255 : f32 to vector<1x128xf32>
    %lt3A_1257 = arith.cmpf olt, %dot_general3A_1254, %lt3A_1256 : vector<1x128xf32>
    %convert_element_type3A_1258 = arith.extui %lt3A_1257 : vector<1x128xi1> to vector<1x128xi32>
    %convert_element_type3A_1259 = arith.sitofp %convert_element_type3A_1258 : vector<1x128xi32> to vector<1x128xf32>
    %get3A_1260 = arith.constant 1536 : index
    %get3A_1261 = arith.constant 1536 : index
    %get3A_1262 = vector.load %arg7[%get3A_1260, %get3A_1261] : memref<2048x2048xbf16, #tpu.memory_space<vmem>>, vector<128x128xbf16>
    %mul3A_1263 = arith.mulf %get3A_1262, %convert_element_type3A_4 : vector<128x128xbf16>
    %while3A_1264 = arith.constant true
    %while3A_1265:2 = scf.while (%while3A_1611 = %convert_element_type3A_1259, %while3A_1612 = %while3A_1264) : (vector<1x128xf32>, i1) -> (vector<1x128xf32>, i1) {
      scf.condition(%while3A_1612) %while3A_1611, %while3A_1612 : vector<1x128xf32>, i1
    } do {
    ^bb0(%while3A_1611: vector<1x128xf32>, %while3A_1612: i1):
      %convert_element_type3A_1613 = arith.truncf %while3A_1611 : vector<1x128xf32> to vector<1x128xbf16>
      %dot_general3A_1614 = arith.constant dense<0.000000e+00> : vector<1x128xf32>
      %dot_general3A_1615 = tpu.matmul %convert_element_type3A_1613, %mul3A_1263, %dot_general3A_1614 {dimension_numbers = #tpu.dot_dimension_numbers<[1], [0], [0], [1], [0, 0, 1, 1], [], []>, transpose_lhs_hint = false} : vector<1x128xbf16>, vector<128x128xbf16>, vector<1x128xf32> -> vector<1x128xf32>
      %lt3A_1616 = arith.constant 5.000000e-01 : f32
      %lt3A_1617 = vector.broadcast %lt3A_1616 : f32 to vector<1x128xf32>
      %lt3A_1618 = arith.cmpf olt, %dot_general3A_1615, %lt3A_1617 : vector<1x128xf32>
      %convert_element_type3A_1619 = arith.extui %lt3A_1618 : vector<1x128xi1> to vector<1x128xi32>
      %convert_element_type3A_1620 = arith.sitofp %convert_element_type3A_1619 : vector<1x128xi32> to vector<1x128xf32>
      %mul3A_1621 = arith.mulf %convert_element_type3A_1259, %convert_element_type3A_1620 : vector<1x128xf32>
      %ne3A_1622 = arith.cmpf one, %mul3A_1621, %while3A_1611 : vector<1x128xf32>
      %reduce_or3A = arith.constant 1.000000e+00 : f32
      %reduce_or3A_1623 = arith.constant 0.000000e+00 : f32
      %reduce_or3A_1624 = vector.broadcast %reduce_or3A : f32 to vector<1x128xf32>
      %reduce_or3A_1625 = vector.broadcast %reduce_or3A_1623 : f32 to vector<1x128xf32>
      %reduce_or3A_1626 = arith.select %ne3A_1622, %reduce_or3A_1624, %reduce_or3A_1625 : vector<1x128xi1>, vector<1x128xf32>
      %reduce_or3A_1627 = vector.shape_cast %reduce_or3A_1626 : vector<1x128xf32> to vector<1x1x128xf32>
      %reduce_or3A_1628 = arith.constant dense<0xFF800000> : vector<1xf32>
      %reduce_or3A_1629 = vector.multi_reduction <maximumf>, %reduce_or3A_1627, %reduce_or3A_1628 [1, 2] : vector<1x1x128xf32> to vector<1xf32>
      %reduce_or3A_1630 = vector.shape_cast %reduce_or3A_1629 : vector<1xf32> to vector<1x1x1xf32>
      %reduce_or3A_1631 = vector.extract %reduce_or3A_1630[0, 0, 0] : f32 from vector<1x1x1xf32>
      %reduce_or3A_1632 = arith.constant 0.000000e+00 : f32
      %reduce_or3A_1633 = arith.cmpf ogt, %reduce_or3A_1631, %reduce_or3A_1632 : f32
      scf.yield %mul3A_1621, %reduce_or3A_1633 : vector<1x128xf32>, i1
    }
    %swap3A_1266 = arith.constant 0 : index
    %swap3A_1267 = arith.constant 1536 : index
    %swap3A_1268 = vector.load %arg5[%swap3A_1266, %swap3A_1267] : memref<1x2048xf32, #tpu.memory_space<vmem>>, vector<1x128xf32>
    tpu.vector_store %arg5[%swap3A_1266, %swap3A_1267], %while3A_1265#0 {strides = array<i32>} : memref<1x2048xf32, #tpu.memory_space<vmem>>, vector<1x128xf32>,
    %convert_element_type3A_1269 = arith.truncf %while3A_1265#0 : vector<1x128xf32> to vector<1x128xbf16>
    %dot_general3A_1270 = arith.constant dense<0.000000e+00> : vector<1x128xf32>
    %dot_general3A_1271 = tpu.matmul %convert_element_type3A_1269, %convert_element_type3A_4, %dot_general3A_1270 {dimension_numbers = #tpu.dot_dimension_numbers<[1], [0], [0], [1], [0, 0, 1, 1], [], []>, transpose_lhs_hint = false} : vector<1x128xbf16>, vector<128x128xbf16>, vector<1x128xf32> -> vector<1x128xf32>
    %convert_element_type3A_1272 = arith.fptosi %add3A_1239 : f32 to i32
    %jit3A_1273 = arith.constant 8 : i32
    %div3A_1274 = arith.divsi %convert_element_type3A_1272, %jit3A_1273 : i32
    %sign3A_1275 = arith.constant 0 : i32
    %sign3A_1276 = arith.cmpi sgt, %convert_element_type3A_1272, %sign3A_1275 : i32
    %sign3A_1277 = arith.extui %sign3A_1276 : i1 to i32
    %sign3A_1278 = arith.constant 0 : i32
    %sign3A_1279 = arith.cmpi slt, %convert_element_type3A_1272, %sign3A_1278 : i32
    %sign3A_1280 = arith.extui %sign3A_1279 : i1 to i32
    %sign3A_1281 = arith.subi %sign3A_1277, %sign3A_1280 : i32
    %sign3A_1282 = arith.constant 0 : i32
    %sign3A_1283 = arith.cmpi sgt, %jit3A_1273, %sign3A_1282 : i32
    %sign3A_1284 = arith.extui %sign3A_1283 : i1 to i32
    %sign3A_1285 = arith.constant 0 : i32
    %sign3A_1286 = arith.cmpi slt, %jit3A_1273, %sign3A_1285 : i32
    %sign3A_1287 = arith.extui %sign3A_1286 : i1 to i32
    %sign3A_1288 = arith.subi %sign3A_1284, %sign3A_1287 : i32
    %ne3A_1289 = arith.cmpi ne, %sign3A_1281, %sign3A_1288 : i32
    %rem3A_1290 = arith.remsi %convert_element_type3A_1272, %jit3A_1273 : i32
    %ne3A_1291 = arith.constant 0 : i32
    %ne3A_1292 = arith.cmpi ne, %rem3A_1290, %ne3A_1291 : i32
    %and3A_1293 = arith.andi %ne3A_1289, %ne3A_1292 : i1
    %sub3A_1294 = arith.constant 1 : i32
    %sub3A_1295 = arith.subi %div3A_1274, %sub3A_1294 : i32
    %select_n3A_1296 = arith.select %and3A_1293, %sub3A_1295, %div3A_1274 : i32
    %mul3A_1297 = arith.constant 8 : i32
    %mul3A_1298 = arith.muli %select_n3A_1296, %mul3A_1297 : i32
    %min3A_1299 = arith.constant 512 : i32
    %min3A_1300 = arith.minsi %mul3A_1298, %min3A_1299 : i32
    %sub3A_1301 = arith.subi %convert_element_type3A_1272, %min3A_1300 : i32
    %convert_element_type3A_1302 = arith.sitofp %sub3A_1301 : i32 to f32
    %add3A_1303 = vector.broadcast %convert_element_type3A_1302 : f32 to vector<1x128xf32>
    %add3A_1304 = arith.addf %dot_general3A_1271, %add3A_1303 : vector<1x128xf32>
    %eq3A_1305 = vector.broadcast %convert_element_type3A_6 : vector<136x1xf32> to vector<136x128xf32>
    %eq3A_1306 = vector.broadcast %add3A_1304 : vector<1x128xf32> to vector<136x128xf32>
    %eq3A_1307 = arith.cmpf oeq, %eq3A_1305, %eq3A_1306 : vector<136x128xf32>
    %convert_element_type3A_1308 = arith.extui %eq3A_1307 : vector<136x128xi1> to vector<136x128xi32>
    %convert_element_type3A_1309 = arith.sitofp %convert_element_type3A_1308 : vector<136x128xi32> to vector<136x128xf32>
    %mul3A_1310 = vector.broadcast %while3A_1265#0 : vector<1x128xf32> to vector<136x128xf32>
    %mul3A_1311 = arith.mulf %convert_element_type3A_1309, %mul3A_1310 : vector<136x128xf32>
    %get3A_1312 = arith.constant 0 : index
    %get3A_1313 = arith.constant 1536 : index
    %get3A_1314 = arith.constant 0 : index
    %get3A_1315 = vector.load %arg3[%get3A_1312, %get3A_1313, %get3A_1314] : memref<1x2048x16xf32, #tpu.memory_space<vmem>>, vector<1x128x16xf32>
    %get3A_1316 = vector.shape_cast %get3A_1315 : vector<1x128x16xf32> to vector<128x16xf32>
    %dot_general3A_1317 = arith.constant dense<0.000000e+00> : vector<136x16xf32>
    %dot_general3A_1318 = tpu.matmul %mul3A_1311, %get3A_1316, %dot_general3A_1317 {dimension_numbers = #tpu.dot_dimension_numbers<[1], [0], [0], [1], [0, 0, 1, 1], [], []>, transpose_lhs_hint = false} : vector<136x128xf32>, vector<128x16xf32>, vector<136x16xf32> -> vector<136x16xf32>
    %get3A_1319 = arith.index_cast %min3A_1300 : i32 to index
    %get3A_1320 = arith.constant 0 : index
    %get3A_1321 = vector.load %arg6[%get3A_1319, %get3A_1320] : memref<656x16xf32, #tpu.memory_space<vmem>>, vector<136x16xf32>
    %add3A_1322 = arith.addf %get3A_1321, %dot_general3A_1318 : vector<136x16xf32>
    %swap3A_1323 = arith.index_cast %min3A_1300 : i32 to index
    %swap3A_1324 = arith.constant 0 : index
    %swap3A_1325 = vector.load %arg6[%swap3A_1323, %swap3A_1324] : memref<656x16xf32, #tpu.memory_space<vmem>>, vector<136x16xf32>
    tpu.vector_store %arg6[%swap3A_1323, %swap3A_1324], %add3A_1322 {strides = array<i32>} : memref<656x16xf32, #tpu.memory_space<vmem>>, vector<136x16xf32>,
    %reduce_sum3A_1326 = vector.shape_cast %while3A_1265#0 : vector<1x128xf32> to vector<1x1x128xf32>
    %reduce_sum3A_1327 = arith.constant dense<0.000000e+00> : vector<1xf32>
    %reduce_sum3A_1328 = vector.multi_reduction <add>, %reduce_sum3A_1326, %reduce_sum3A_1327 [1, 2] : vector<1x1x128xf32> to vector<1xf32>
    %reduce_sum3A_1329 = vector.shape_cast %reduce_sum3A_1328 : vector<1xf32> to vector<1x1x1xf32>
    %reduce_sum3A_1330 = vector.extract %reduce_sum3A_1329[0, 0, 0] : f32 from vector<1x1x1xf32>
    %add3A_1331 = arith.addf %add3A_1239, %reduce_sum3A_1330 : f32
    %get3A_1332 = arith.constant 0 : index
    %get3A_1333 = arith.constant 0 : index
    %get3A_1334 = vector.load %arg5[%get3A_1332, %get3A_1333] : memref<1x2048xf32, #tpu.memory_space<vmem>>, vector<1x2048xf32>
    %lt3A_1335 = arith.constant 1664 : i32
    %lt3A_1336 = vector.broadcast %lt3A_1335 : i32 to vector<1x2048xi32>
    %lt3A_1337 = arith.cmpi slt, %iota3A_7, %lt3A_1336 : vector<1x2048xi32>
    %jit3A_1338 = arith.constant 0.000000e+00 : f32
    %broadcast_in_dim3A_1339 = vector.broadcast %jit3A_1338 : f32 to vector<1x2048xf32>
    %select_n3A_1340 = arith.select %lt3A_1337, %get3A_1334, %broadcast_in_dim3A_1339 : vector<1x2048xi1>, vector<1x2048xf32>
    %convert_element_type3A_1341 = arith.truncf %select_n3A_1340 : vector<1x2048xf32> to vector<1x2048xbf16>
    %get3A_1342 = arith.constant 0 : index
    %get3A_1343 = arith.constant 1664 : index
    %get3A_1344 = vector.load %arg7[%get3A_1342, %get3A_1343] : memref<2048x2048xbf16, #tpu.memory_space<vmem>>, vector<2048x128xbf16>
    %dot_general3A_1345 = arith.constant dense<0.000000e+00> : vector<1x128xf32>
    %dot_general3A_1346 = tpu.matmul %convert_element_type3A_1341, %get3A_1344, %dot_general3A_1345 {dimension_numbers = #tpu.dot_dimension_numbers<[1], [0], [0], [1], [0, 0, 1, 1], [], []>, transpose_lhs_hint = false} : vector<1x2048xbf16>, vector<2048x128xbf16>, vector<1x128xf32> -> vector<1x128xf32>
    %lt3A_1347 = arith.constant 5.000000e-01 : f32
    %lt3A_1348 = vector.broadcast %lt3A_1347 : f32 to vector<1x128xf32>
    %lt3A_1349 = arith.cmpf olt, %dot_general3A_1346, %lt3A_1348 : vector<1x128xf32>
    %convert_element_type3A_1350 = arith.extui %lt3A_1349 : vector<1x128xi1> to vector<1x128xi32>
    %convert_element_type3A_1351 = arith.sitofp %convert_element_type3A_1350 : vector<1x128xi32> to vector<1x128xf32>
    %get3A_1352 = arith.constant 1664 : index
    %get3A_1353 = arith.constant 1664 : index
    %get3A_1354 = vector.load %arg7[%get3A_1352, %get3A_1353] : memref<2048x2048xbf16, #tpu.memory_space<vmem>>, vector<128x128xbf16>
    %mul3A_1355 = arith.mulf %get3A_1354, %convert_element_type3A_4 : vector<128x128xbf16>
    %while3A_1356 = arith.constant true
    %while3A_1357:2 = scf.while (%while3A_1611 = %convert_element_type3A_1351, %while3A_1612 = %while3A_1356) : (vector<1x128xf32>, i1) -> (vector<1x128xf32>, i1) {
      scf.condition(%while3A_1612) %while3A_1611, %while3A_1612 : vector<1x128xf32>, i1
    } do {
    ^bb0(%while3A_1611: vector<1x128xf32>, %while3A_1612: i1):
      %convert_element_type3A_1613 = arith.truncf %while3A_1611 : vector<1x128xf32> to vector<1x128xbf16>
      %dot_general3A_1614 = arith.constant dense<0.000000e+00> : vector<1x128xf32>
      %dot_general3A_1615 = tpu.matmul %convert_element_type3A_1613, %mul3A_1355, %dot_general3A_1614 {dimension_numbers = #tpu.dot_dimension_numbers<[1], [0], [0], [1], [0, 0, 1, 1], [], []>, transpose_lhs_hint = false} : vector<1x128xbf16>, vector<128x128xbf16>, vector<1x128xf32> -> vector<1x128xf32>
      %lt3A_1616 = arith.constant 5.000000e-01 : f32
      %lt3A_1617 = vector.broadcast %lt3A_1616 : f32 to vector<1x128xf32>
      %lt3A_1618 = arith.cmpf olt, %dot_general3A_1615, %lt3A_1617 : vector<1x128xf32>
      %convert_element_type3A_1619 = arith.extui %lt3A_1618 : vector<1x128xi1> to vector<1x128xi32>
      %convert_element_type3A_1620 = arith.sitofp %convert_element_type3A_1619 : vector<1x128xi32> to vector<1x128xf32>
      %mul3A_1621 = arith.mulf %convert_element_type3A_1351, %convert_element_type3A_1620 : vector<1x128xf32>
      %ne3A_1622 = arith.cmpf one, %mul3A_1621, %while3A_1611 : vector<1x128xf32>
      %reduce_or3A = arith.constant 1.000000e+00 : f32
      %reduce_or3A_1623 = arith.constant 0.000000e+00 : f32
      %reduce_or3A_1624 = vector.broadcast %reduce_or3A : f32 to vector<1x128xf32>
      %reduce_or3A_1625 = vector.broadcast %reduce_or3A_1623 : f32 to vector<1x128xf32>
      %reduce_or3A_1626 = arith.select %ne3A_1622, %reduce_or3A_1624, %reduce_or3A_1625 : vector<1x128xi1>, vector<1x128xf32>
      %reduce_or3A_1627 = vector.shape_cast %reduce_or3A_1626 : vector<1x128xf32> to vector<1x1x128xf32>
      %reduce_or3A_1628 = arith.constant dense<0xFF800000> : vector<1xf32>
      %reduce_or3A_1629 = vector.multi_reduction <maximumf>, %reduce_or3A_1627, %reduce_or3A_1628 [1, 2] : vector<1x1x128xf32> to vector<1xf32>
      %reduce_or3A_1630 = vector.shape_cast %reduce_or3A_1629 : vector<1xf32> to vector<1x1x1xf32>
      %reduce_or3A_1631 = vector.extract %reduce_or3A_1630[0, 0, 0] : f32 from vector<1x1x1xf32>
      %reduce_or3A_1632 = arith.constant 0.000000e+00 : f32
      %reduce_or3A_1633 = arith.cmpf ogt, %reduce_or3A_1631, %reduce_or3A_1632 : f32
      scf.yield %mul3A_1621, %reduce_or3A_1633 : vector<1x128xf32>, i1
    }
    %swap3A_1358 = arith.constant 0 : index
    %swap3A_1359 = arith.constant 1664 : index
    %swap3A_1360 = vector.load %arg5[%swap3A_1358, %swap3A_1359] : memref<1x2048xf32, #tpu.memory_space<vmem>>, vector<1x128xf32>
    tpu.vector_store %arg5[%swap3A_1358, %swap3A_1359], %while3A_1357#0 {strides = array<i32>} : memref<1x2048xf32, #tpu.memory_space<vmem>>, vector<1x128xf32>,
    %convert_element_type3A_1361 = arith.truncf %while3A_1357#0 : vector<1x128xf32> to vector<1x128xbf16>
    %dot_general3A_1362 = arith.constant dense<0.000000e+00> : vector<1x128xf32>
    %dot_general3A_1363 = tpu.matmul %convert_element_type3A_1361, %convert_element_type3A_4, %dot_general3A_1362 {dimension_numbers = #tpu.dot_dimension_numbers<[1], [0], [0], [1], [0, 0, 1, 1], [], []>, transpose_lhs_hint = false} : vector<1x128xbf16>, vector<128x128xbf16>, vector<1x128xf32> -> vector<1x128xf32>
    %convert_element_type3A_1364 = arith.fptosi %add3A_1331 : f32 to i32
    %jit3A_1365 = arith.constant 8 : i32
    %div3A_1366 = arith.divsi %convert_element_type3A_1364, %jit3A_1365 : i32
    %sign3A_1367 = arith.constant 0 : i32
    %sign3A_1368 = arith.cmpi sgt, %convert_element_type3A_1364, %sign3A_1367 : i32
    %sign3A_1369 = arith.extui %sign3A_1368 : i1 to i32
    %sign3A_1370 = arith.constant 0 : i32
    %sign3A_1371 = arith.cmpi slt, %convert_element_type3A_1364, %sign3A_1370 : i32
    %sign3A_1372 = arith.extui %sign3A_1371 : i1 to i32
    %sign3A_1373 = arith.subi %sign3A_1369, %sign3A_1372 : i32
    %sign3A_1374 = arith.constant 0 : i32
    %sign3A_1375 = arith.cmpi sgt, %jit3A_1365, %sign3A_1374 : i32
    %sign3A_1376 = arith.extui %sign3A_1375 : i1 to i32
    %sign3A_1377 = arith.constant 0 : i32
    %sign3A_1378 = arith.cmpi slt, %jit3A_1365, %sign3A_1377 : i32
    %sign3A_1379 = arith.extui %sign3A_1378 : i1 to i32
    %sign3A_1380 = arith.subi %sign3A_1376, %sign3A_1379 : i32
    %ne3A_1381 = arith.cmpi ne, %sign3A_1373, %sign3A_1380 : i32
    %rem3A_1382 = arith.remsi %convert_element_type3A_1364, %jit3A_1365 : i32
    %ne3A_1383 = arith.constant 0 : i32
    %ne3A_1384 = arith.cmpi ne, %rem3A_1382, %ne3A_1383 : i32
    %and3A_1385 = arith.andi %ne3A_1381, %ne3A_1384 : i1
    %sub3A_1386 = arith.constant 1 : i32
    %sub3A_1387 = arith.subi %div3A_1366, %sub3A_1386 : i32
    %select_n3A_1388 = arith.select %and3A_1385, %sub3A_1387, %div3A_1366 : i32
    %mul3A_1389 = arith.constant 8 : i32
    %mul3A_1390 = arith.muli %select_n3A_1388, %mul3A_1389 : i32
    %min3A_1391 = arith.constant 512 : i32
    %min3A_1392 = arith.minsi %mul3A_1390, %min3A_1391 : i32
    %sub3A_1393 = arith.subi %convert_element_type3A_1364, %min3A_1392 : i32
    %convert_element_type3A_1394 = arith.sitofp %sub3A_1393 : i32 to f32
    %add3A_1395 = vector.broadcast %convert_element_type3A_1394 : f32 to vector<1x128xf32>
    %add3A_1396 = arith.addf %dot_general3A_1363, %add3A_1395 : vector<1x128xf32>
    %eq3A_1397 = vector.broadcast %convert_element_type3A_6 : vector<136x1xf32> to vector<136x128xf32>
    %eq3A_1398 = vector.broadcast %add3A_1396 : vector<1x128xf32> to vector<136x128xf32>
    %eq3A_1399 = arith.cmpf oeq, %eq3A_1397, %eq3A_1398 : vector<136x128xf32>
    %convert_element_type3A_1400 = arith.extui %eq3A_1399 : vector<136x128xi1> to vector<136x128xi32>
    %convert_element_type3A_1401 = arith.sitofp %convert_element_type3A_1400 : vector<136x128xi32> to vector<136x128xf32>
    %mul3A_1402 = vector.broadcast %while3A_1357#0 : vector<1x128xf32> to vector<136x128xf32>
    %mul3A_1403 = arith.mulf %convert_element_type3A_1401, %mul3A_1402 : vector<136x128xf32>
    %get3A_1404 = arith.constant 0 : index
    %get3A_1405 = arith.constant 1664 : index
    %get3A_1406 = arith.constant 0 : index
    %get3A_1407 = vector.load %arg3[%get3A_1404, %get3A_1405, %get3A_1406] : memref<1x2048x16xf32, #tpu.memory_space<vmem>>, vector<1x128x16xf32>
    %get3A_1408 = vector.shape_cast %get3A_1407 : vector<1x128x16xf32> to vector<128x16xf32>
    %dot_general3A_1409 = arith.constant dense<0.000000e+00> : vector<136x16xf32>
    %dot_general3A_1410 = tpu.matmul %mul3A_1403, %get3A_1408, %dot_general3A_1409 {dimension_numbers = #tpu.dot_dimension_numbers<[1], [0], [0], [1], [0, 0, 1, 1], [], []>, transpose_lhs_hint = false} : vector<136x128xf32>, vector<128x16xf32>, vector<136x16xf32> -> vector<136x16xf32>
    %get3A_1411 = arith.index_cast %min3A_1392 : i32 to index
    %get3A_1412 = arith.constant 0 : index
    %get3A_1413 = vector.load %arg6[%get3A_1411, %get3A_1412] : memref<656x16xf32, #tpu.memory_space<vmem>>, vector<136x16xf32>
    %add3A_1414 = arith.addf %get3A_1413, %dot_general3A_1410 : vector<136x16xf32>
    %swap3A_1415 = arith.index_cast %min3A_1392 : i32 to index
    %swap3A_1416 = arith.constant 0 : index
    %swap3A_1417 = vector.load %arg6[%swap3A_1415, %swap3A_1416] : memref<656x16xf32, #tpu.memory_space<vmem>>, vector<136x16xf32>
    tpu.vector_store %arg6[%swap3A_1415, %swap3A_1416], %add3A_1414 {strides = array<i32>} : memref<656x16xf32, #tpu.memory_space<vmem>>, vector<136x16xf32>,
    %reduce_sum3A_1418 = vector.shape_cast %while3A_1357#0 : vector<1x128xf32> to vector<1x1x128xf32>
    %reduce_sum3A_1419 = arith.constant dense<0.000000e+00> : vector<1xf32>
    %reduce_sum3A_1420 = vector.multi_reduction <add>, %reduce_sum3A_1418, %reduce_sum3A_1419 [1, 2] : vector<1x1x128xf32> to vector<1xf32>
    %reduce_sum3A_1421 = vector.shape_cast %reduce_sum3A_1420 : vector<1xf32> to vector<1x1x1xf32>
    %reduce_sum3A_1422 = vector.extract %reduce_sum3A_1421[0, 0, 0] : f32 from vector<1x1x1xf32>
    %add3A_1423 = arith.addf %add3A_1331, %reduce_sum3A_1422 : f32
    %get3A_1424 = arith.constant 0 : index
    %get3A_1425 = arith.constant 0 : index
    %get3A_1426 = vector.load %arg5[%get3A_1424, %get3A_1425] : memref<1x2048xf32, #tpu.memory_space<vmem>>, vector<1x2048xf32>
    %lt3A_1427 = arith.constant 1792 : i32
    %lt3A_1428 = vector.broadcast %lt3A_1427 : i32 to vector<1x2048xi32>
    %lt3A_1429 = arith.cmpi slt, %iota3A_7, %lt3A_1428 : vector<1x2048xi32>
    %jit3A_1430 = arith.constant 0.000000e+00 : f32
    %broadcast_in_dim3A_1431 = vector.broadcast %jit3A_1430 : f32 to vector<1x2048xf32>
    %select_n3A_1432 = arith.select %lt3A_1429, %get3A_1426, %broadcast_in_dim3A_1431 : vector<1x2048xi1>, vector<1x2048xf32>
    %convert_element_type3A_1433 = arith.truncf %select_n3A_1432 : vector<1x2048xf32> to vector<1x2048xbf16>
    %get3A_1434 = arith.constant 0 : index
    %get3A_1435 = arith.constant 1792 : index
    %get3A_1436 = vector.load %arg7[%get3A_1434, %get3A_1435] : memref<2048x2048xbf16, #tpu.memory_space<vmem>>, vector<2048x128xbf16>
    %dot_general3A_1437 = arith.constant dense<0.000000e+00> : vector<1x128xf32>
    %dot_general3A_1438 = tpu.matmul %convert_element_type3A_1433, %get3A_1436, %dot_general3A_1437 {dimension_numbers = #tpu.dot_dimension_numbers<[1], [0], [0], [1], [0, 0, 1, 1], [], []>, transpose_lhs_hint = false} : vector<1x2048xbf16>, vector<2048x128xbf16>, vector<1x128xf32> -> vector<1x128xf32>
    %lt3A_1439 = arith.constant 5.000000e-01 : f32
    %lt3A_1440 = vector.broadcast %lt3A_1439 : f32 to vector<1x128xf32>
    %lt3A_1441 = arith.cmpf olt, %dot_general3A_1438, %lt3A_1440 : vector<1x128xf32>
    %convert_element_type3A_1442 = arith.extui %lt3A_1441 : vector<1x128xi1> to vector<1x128xi32>
    %convert_element_type3A_1443 = arith.sitofp %convert_element_type3A_1442 : vector<1x128xi32> to vector<1x128xf32>
    %get3A_1444 = arith.constant 1792 : index
    %get3A_1445 = arith.constant 1792 : index
    %get3A_1446 = vector.load %arg7[%get3A_1444, %get3A_1445] : memref<2048x2048xbf16, #tpu.memory_space<vmem>>, vector<128x128xbf16>
    %mul3A_1447 = arith.mulf %get3A_1446, %convert_element_type3A_4 : vector<128x128xbf16>
    %while3A_1448 = arith.constant true
    %while3A_1449:2 = scf.while (%while3A_1611 = %convert_element_type3A_1443, %while3A_1612 = %while3A_1448) : (vector<1x128xf32>, i1) -> (vector<1x128xf32>, i1) {
      scf.condition(%while3A_1612) %while3A_1611, %while3A_1612 : vector<1x128xf32>, i1
    } do {
    ^bb0(%while3A_1611: vector<1x128xf32>, %while3A_1612: i1):
      %convert_element_type3A_1613 = arith.truncf %while3A_1611 : vector<1x128xf32> to vector<1x128xbf16>
      %dot_general3A_1614 = arith.constant dense<0.000000e+00> : vector<1x128xf32>
      %dot_general3A_1615 = tpu.matmul %convert_element_type3A_1613, %mul3A_1447, %dot_general3A_1614 {dimension_numbers = #tpu.dot_dimension_numbers<[1], [0], [0], [1], [0, 0, 1, 1], [], []>, transpose_lhs_hint = false} : vector<1x128xbf16>, vector<128x128xbf16>, vector<1x128xf32> -> vector<1x128xf32>
      %lt3A_1616 = arith.constant 5.000000e-01 : f32
      %lt3A_1617 = vector.broadcast %lt3A_1616 : f32 to vector<1x128xf32>
      %lt3A_1618 = arith.cmpf olt, %dot_general3A_1615, %lt3A_1617 : vector<1x128xf32>
      %convert_element_type3A_1619 = arith.extui %lt3A_1618 : vector<1x128xi1> to vector<1x128xi32>
      %convert_element_type3A_1620 = arith.sitofp %convert_element_type3A_1619 : vector<1x128xi32> to vector<1x128xf32>
      %mul3A_1621 = arith.mulf %convert_element_type3A_1443, %convert_element_type3A_1620 : vector<1x128xf32>
      %ne3A_1622 = arith.cmpf one, %mul3A_1621, %while3A_1611 : vector<1x128xf32>
      %reduce_or3A = arith.constant 1.000000e+00 : f32
      %reduce_or3A_1623 = arith.constant 0.000000e+00 : f32
      %reduce_or3A_1624 = vector.broadcast %reduce_or3A : f32 to vector<1x128xf32>
      %reduce_or3A_1625 = vector.broadcast %reduce_or3A_1623 : f32 to vector<1x128xf32>
      %reduce_or3A_1626 = arith.select %ne3A_1622, %reduce_or3A_1624, %reduce_or3A_1625 : vector<1x128xi1>, vector<1x128xf32>
      %reduce_or3A_1627 = vector.shape_cast %reduce_or3A_1626 : vector<1x128xf32> to vector<1x1x128xf32>
      %reduce_or3A_1628 = arith.constant dense<0xFF800000> : vector<1xf32>
      %reduce_or3A_1629 = vector.multi_reduction <maximumf>, %reduce_or3A_1627, %reduce_or3A_1628 [1, 2] : vector<1x1x128xf32> to vector<1xf32>
      %reduce_or3A_1630 = vector.shape_cast %reduce_or3A_1629 : vector<1xf32> to vector<1x1x1xf32>
      %reduce_or3A_1631 = vector.extract %reduce_or3A_1630[0, 0, 0] : f32 from vector<1x1x1xf32>
      %reduce_or3A_1632 = arith.constant 0.000000e+00 : f32
      %reduce_or3A_1633 = arith.cmpf ogt, %reduce_or3A_1631, %reduce_or3A_1632 : f32
      scf.yield %mul3A_1621, %reduce_or3A_1633 : vector<1x128xf32>, i1
    }
    %swap3A_1450 = arith.constant 0 : index
    %swap3A_1451 = arith.constant 1792 : index
    %swap3A_1452 = vector.load %arg5[%swap3A_1450, %swap3A_1451] : memref<1x2048xf32, #tpu.memory_space<vmem>>, vector<1x128xf32>
    tpu.vector_store %arg5[%swap3A_1450, %swap3A_1451], %while3A_1449#0 {strides = array<i32>} : memref<1x2048xf32, #tpu.memory_space<vmem>>, vector<1x128xf32>,
    %convert_element_type3A_1453 = arith.truncf %while3A_1449#0 : vector<1x128xf32> to vector<1x128xbf16>
    %dot_general3A_1454 = arith.constant dense<0.000000e+00> : vector<1x128xf32>
    %dot_general3A_1455 = tpu.matmul %convert_element_type3A_1453, %convert_element_type3A_4, %dot_general3A_1454 {dimension_numbers = #tpu.dot_dimension_numbers<[1], [0], [0], [1], [0, 0, 1, 1], [], []>, transpose_lhs_hint = false} : vector<1x128xbf16>, vector<128x128xbf16>, vector<1x128xf32> -> vector<1x128xf32>
    %convert_element_type3A_1456 = arith.fptosi %add3A_1423 : f32 to i32
    %jit3A_1457 = arith.constant 8 : i32
    %div3A_1458 = arith.divsi %convert_element_type3A_1456, %jit3A_1457 : i32
    %sign3A_1459 = arith.constant 0 : i32
    %sign3A_1460 = arith.cmpi sgt, %convert_element_type3A_1456, %sign3A_1459 : i32
    %sign3A_1461 = arith.extui %sign3A_1460 : i1 to i32
    %sign3A_1462 = arith.constant 0 : i32
    %sign3A_1463 = arith.cmpi slt, %convert_element_type3A_1456, %sign3A_1462 : i32
    %sign3A_1464 = arith.extui %sign3A_1463 : i1 to i32
    %sign3A_1465 = arith.subi %sign3A_1461, %sign3A_1464 : i32
    %sign3A_1466 = arith.constant 0 : i32
    %sign3A_1467 = arith.cmpi sgt, %jit3A_1457, %sign3A_1466 : i32
    %sign3A_1468 = arith.extui %sign3A_1467 : i1 to i32
    %sign3A_1469 = arith.constant 0 : i32
    %sign3A_1470 = arith.cmpi slt, %jit3A_1457, %sign3A_1469 : i32
    %sign3A_1471 = arith.extui %sign3A_1470 : i1 to i32
    %sign3A_1472 = arith.subi %sign3A_1468, %sign3A_1471 : i32
    %ne3A_1473 = arith.cmpi ne, %sign3A_1465, %sign3A_1472 : i32
    %rem3A_1474 = arith.remsi %convert_element_type3A_1456, %jit3A_1457 : i32
    %ne3A_1475 = arith.constant 0 : i32
    %ne3A_1476 = arith.cmpi ne, %rem3A_1474, %ne3A_1475 : i32
    %and3A_1477 = arith.andi %ne3A_1473, %ne3A_1476 : i1
    %sub3A_1478 = arith.constant 1 : i32
    %sub3A_1479 = arith.subi %div3A_1458, %sub3A_1478 : i32
    %select_n3A_1480 = arith.select %and3A_1477, %sub3A_1479, %div3A_1458 : i32
    %mul3A_1481 = arith.constant 8 : i32
    %mul3A_1482 = arith.muli %select_n3A_1480, %mul3A_1481 : i32
    %min3A_1483 = arith.constant 512 : i32
    %min3A_1484 = arith.minsi %mul3A_1482, %min3A_1483 : i32
    %sub3A_1485 = arith.subi %convert_element_type3A_1456, %min3A_1484 : i32
    %convert_element_type3A_1486 = arith.sitofp %sub3A_1485 : i32 to f32
    %add3A_1487 = vector.broadcast %convert_element_type3A_1486 : f32 to vector<1x128xf32>
    %add3A_1488 = arith.addf %dot_general3A_1455, %add3A_1487 : vector<1x128xf32>
    %eq3A_1489 = vector.broadcast %convert_element_type3A_6 : vector<136x1xf32> to vector<136x128xf32>
    %eq3A_1490 = vector.broadcast %add3A_1488 : vector<1x128xf32> to vector<136x128xf32>
    %eq3A_1491 = arith.cmpf oeq, %eq3A_1489, %eq3A_1490 : vector<136x128xf32>
    %convert_element_type3A_1492 = arith.extui %eq3A_1491 : vector<136x128xi1> to vector<136x128xi32>
    %convert_element_type3A_1493 = arith.sitofp %convert_element_type3A_1492 : vector<136x128xi32> to vector<136x128xf32>
    %mul3A_1494 = vector.broadcast %while3A_1449#0 : vector<1x128xf32> to vector<136x128xf32>
    %mul3A_1495 = arith.mulf %convert_element_type3A_1493, %mul3A_1494 : vector<136x128xf32>
    %get3A_1496 = arith.constant 0 : index
    %get3A_1497 = arith.constant 1792 : index
    %get3A_1498 = arith.constant 0 : index
    %get3A_1499 = vector.load %arg3[%get3A_1496, %get3A_1497, %get3A_1498] : memref<1x2048x16xf32, #tpu.memory_space<vmem>>, vector<1x128x16xf32>
    %get3A_1500 = vector.shape_cast %get3A_1499 : vector<1x128x16xf32> to vector<128x16xf32>
    %dot_general3A_1501 = arith.constant dense<0.000000e+00> : vector<136x16xf32>
    %dot_general3A_1502 = tpu.matmul %mul3A_1495, %get3A_1500, %dot_general3A_1501 {dimension_numbers = #tpu.dot_dimension_numbers<[1], [0], [0], [1], [0, 0, 1, 1], [], []>, transpose_lhs_hint = false} : vector<136x128xf32>, vector<128x16xf32>, vector<136x16xf32> -> vector<136x16xf32>
    %get3A_1503 = arith.index_cast %min3A_1484 : i32 to index
    %get3A_1504 = arith.constant 0 : index
    %get3A_1505 = vector.load %arg6[%get3A_1503, %get3A_1504] : memref<656x16xf32, #tpu.memory_space<vmem>>, vector<136x16xf32>
    %add3A_1506 = arith.addf %get3A_1505, %dot_general3A_1502 : vector<136x16xf32>
    %swap3A_1507 = arith.index_cast %min3A_1484 : i32 to index
    %swap3A_1508 = arith.constant 0 : index
    %swap3A_1509 = vector.load %arg6[%swap3A_1507, %swap3A_1508] : memref<656x16xf32, #tpu.memory_space<vmem>>, vector<136x16xf32>
    tpu.vector_store %arg6[%swap3A_1507, %swap3A_1508], %add3A_1506 {strides = array<i32>} : memref<656x16xf32, #tpu.memory_space<vmem>>, vector<136x16xf32>,
    %reduce_sum3A_1510 = vector.shape_cast %while3A_1449#0 : vector<1x128xf32> to vector<1x1x128xf32>
    %reduce_sum3A_1511 = arith.constant dense<0.000000e+00> : vector<1xf32>
    %reduce_sum3A_1512 = vector.multi_reduction <add>, %reduce_sum3A_1510, %reduce_sum3A_1511 [1, 2] : vector<1x1x128xf32> to vector<1xf32>
    %reduce_sum3A_1513 = vector.shape_cast %reduce_sum3A_1512 : vector<1xf32> to vector<1x1x1xf32>
    %reduce_sum3A_1514 = vector.extract %reduce_sum3A_1513[0, 0, 0] : f32 from vector<1x1x1xf32>
    %add3A_1515 = arith.addf %add3A_1423, %reduce_sum3A_1514 : f32
    %get3A_1516 = arith.constant 0 : index
    %get3A_1517 = arith.constant 0 : index
    %get3A_1518 = vector.load %arg5[%get3A_1516, %get3A_1517] : memref<1x2048xf32, #tpu.memory_space<vmem>>, vector<1x2048xf32>
    %lt3A_1519 = arith.constant 1920 : i32
    %lt3A_1520 = vector.broadcast %lt3A_1519 : i32 to vector<1x2048xi32>
    %lt3A_1521 = arith.cmpi slt, %iota3A_7, %lt3A_1520 : vector<1x2048xi32>
    %jit3A_1522 = arith.constant 0.000000e+00 : f32
    %broadcast_in_dim3A_1523 = vector.broadcast %jit3A_1522 : f32 to vector<1x2048xf32>
    %select_n3A_1524 = arith.select %lt3A_1521, %get3A_1518, %broadcast_in_dim3A_1523 : vector<1x2048xi1>, vector<1x2048xf32>
    %convert_element_type3A_1525 = arith.truncf %select_n3A_1524 : vector<1x2048xf32> to vector<1x2048xbf16>
    %get3A_1526 = arith.constant 0 : index
    %get3A_1527 = arith.constant 1920 : index
    %get3A_1528 = vector.load %arg7[%get3A_1526, %get3A_1527] : memref<2048x2048xbf16, #tpu.memory_space<vmem>>, vector<2048x128xbf16>
    %dot_general3A_1529 = arith.constant dense<0.000000e+00> : vector<1x128xf32>
    %dot_general3A_1530 = tpu.matmul %convert_element_type3A_1525, %get3A_1528, %dot_general3A_1529 {dimension_numbers = #tpu.dot_dimension_numbers<[1], [0], [0], [1], [0, 0, 1, 1], [], []>, transpose_lhs_hint = false} : vector<1x2048xbf16>, vector<2048x128xbf16>, vector<1x128xf32> -> vector<1x128xf32>
    %lt3A_1531 = arith.constant 5.000000e-01 : f32
    %lt3A_1532 = vector.broadcast %lt3A_1531 : f32 to vector<1x128xf32>
    %lt3A_1533 = arith.cmpf olt, %dot_general3A_1530, %lt3A_1532 : vector<1x128xf32>
    %convert_element_type3A_1534 = arith.extui %lt3A_1533 : vector<1x128xi1> to vector<1x128xi32>
    %convert_element_type3A_1535 = arith.sitofp %convert_element_type3A_1534 : vector<1x128xi32> to vector<1x128xf32>
    %get3A_1536 = arith.constant 1920 : index
    %get3A_1537 = arith.constant 1920 : index
    %get3A_1538 = vector.load %arg7[%get3A_1536, %get3A_1537] : memref<2048x2048xbf16, #tpu.memory_space<vmem>>, vector<128x128xbf16>
    %mul3A_1539 = arith.mulf %get3A_1538, %convert_element_type3A_4 : vector<128x128xbf16>
    %while3A_1540 = arith.constant true
    %while3A_1541:2 = scf.while (%while3A_1611 = %convert_element_type3A_1535, %while3A_1612 = %while3A_1540) : (vector<1x128xf32>, i1) -> (vector<1x128xf32>, i1) {
      scf.condition(%while3A_1612) %while3A_1611, %while3A_1612 : vector<1x128xf32>, i1
    } do {
    ^bb0(%while3A_1611: vector<1x128xf32>, %while3A_1612: i1):
      %convert_element_type3A_1613 = arith.truncf %while3A_1611 : vector<1x128xf32> to vector<1x128xbf16>
      %dot_general3A_1614 = arith.constant dense<0.000000e+00> : vector<1x128xf32>
      %dot_general3A_1615 = tpu.matmul %convert_element_type3A_1613, %mul3A_1539, %dot_general3A_1614 {dimension_numbers = #tpu.dot_dimension_numbers<[1], [0], [0], [1], [0, 0, 1, 1], [], []>, transpose_lhs_hint = false} : vector<1x128xbf16>, vector<128x128xbf16>, vector<1x128xf32> -> vector<1x128xf32>
      %lt3A_1616 = arith.constant 5.000000e-01 : f32
      %lt3A_1617 = vector.broadcast %lt3A_1616 : f32 to vector<1x128xf32>
      %lt3A_1618 = arith.cmpf olt, %dot_general3A_1615, %lt3A_1617 : vector<1x128xf32>
      %convert_element_type3A_1619 = arith.extui %lt3A_1618 : vector<1x128xi1> to vector<1x128xi32>
      %convert_element_type3A_1620 = arith.sitofp %convert_element_type3A_1619 : vector<1x128xi32> to vector<1x128xf32>
      %mul3A_1621 = arith.mulf %convert_element_type3A_1535, %convert_element_type3A_1620 : vector<1x128xf32>
      %ne3A_1622 = arith.cmpf one, %mul3A_1621, %while3A_1611 : vector<1x128xf32>
      %reduce_or3A = arith.constant 1.000000e+00 : f32
      %reduce_or3A_1623 = arith.constant 0.000000e+00 : f32
      %reduce_or3A_1624 = vector.broadcast %reduce_or3A : f32 to vector<1x128xf32>
      %reduce_or3A_1625 = vector.broadcast %reduce_or3A_1623 : f32 to vector<1x128xf32>
      %reduce_or3A_1626 = arith.select %ne3A_1622, %reduce_or3A_1624, %reduce_or3A_1625 : vector<1x128xi1>, vector<1x128xf32>
      %reduce_or3A_1627 = vector.shape_cast %reduce_or3A_1626 : vector<1x128xf32> to vector<1x1x128xf32>
      %reduce_or3A_1628 = arith.constant dense<0xFF800000> : vector<1xf32>
      %reduce_or3A_1629 = vector.multi_reduction <maximumf>, %reduce_or3A_1627, %reduce_or3A_1628 [1, 2] : vector<1x1x128xf32> to vector<1xf32>
      %reduce_or3A_1630 = vector.shape_cast %reduce_or3A_1629 : vector<1xf32> to vector<1x1x1xf32>
      %reduce_or3A_1631 = vector.extract %reduce_or3A_1630[0, 0, 0] : f32 from vector<1x1x1xf32>
      %reduce_or3A_1632 = arith.constant 0.000000e+00 : f32
      %reduce_or3A_1633 = arith.cmpf ogt, %reduce_or3A_1631, %reduce_or3A_1632 : f32
      scf.yield %mul3A_1621, %reduce_or3A_1633 : vector<1x128xf32>, i1
    }
    %swap3A_1542 = arith.constant 0 : index
    %swap3A_1543 = arith.constant 1920 : index
    %swap3A_1544 = vector.load %arg5[%swap3A_1542, %swap3A_1543] : memref<1x2048xf32, #tpu.memory_space<vmem>>, vector<1x128xf32>
    tpu.vector_store %arg5[%swap3A_1542, %swap3A_1543], %while3A_1541#0 {strides = array<i32>} : memref<1x2048xf32, #tpu.memory_space<vmem>>, vector<1x128xf32>,
    %convert_element_type3A_1545 = arith.truncf %while3A_1541#0 : vector<1x128xf32> to vector<1x128xbf16>
    %dot_general3A_1546 = arith.constant dense<0.000000e+00> : vector<1x128xf32>
    %dot_general3A_1547 = tpu.matmul %convert_element_type3A_1545, %convert_element_type3A_4, %dot_general3A_1546 {dimension_numbers = #tpu.dot_dimension_numbers<[1], [0], [0], [1], [0, 0, 1, 1], [], []>, transpose_lhs_hint = false} : vector<1x128xbf16>, vector<128x128xbf16>, vector<1x128xf32> -> vector<1x128xf32>
    %convert_element_type3A_1548 = arith.fptosi %add3A_1515 : f32 to i32
    %jit3A_1549 = arith.constant 8 : i32
    %div3A_1550 = arith.divsi %convert_element_type3A_1548, %jit3A_1549 : i32
    %sign3A_1551 = arith.constant 0 : i32
    %sign3A_1552 = arith.cmpi sgt, %convert_element_type3A_1548, %sign3A_1551 : i32
    %sign3A_1553 = arith.extui %sign3A_1552 : i1 to i32
    %sign3A_1554 = arith.constant 0 : i32
    %sign3A_1555 = arith.cmpi slt, %convert_element_type3A_1548, %sign3A_1554 : i32
    %sign3A_1556 = arith.extui %sign3A_1555 : i1 to i32
    %sign3A_1557 = arith.subi %sign3A_1553, %sign3A_1556 : i32
    %sign3A_1558 = arith.constant 0 : i32
    %sign3A_1559 = arith.cmpi sgt, %jit3A_1549, %sign3A_1558 : i32
    %sign3A_1560 = arith.extui %sign3A_1559 : i1 to i32
    %sign3A_1561 = arith.constant 0 : i32
    %sign3A_1562 = arith.cmpi slt, %jit3A_1549, %sign3A_1561 : i32
    %sign3A_1563 = arith.extui %sign3A_1562 : i1 to i32
    %sign3A_1564 = arith.subi %sign3A_1560, %sign3A_1563 : i32
    %ne3A_1565 = arith.cmpi ne, %sign3A_1557, %sign3A_1564 : i32
    %rem3A_1566 = arith.remsi %convert_element_type3A_1548, %jit3A_1549 : i32
    %ne3A_1567 = arith.constant 0 : i32
    %ne3A_1568 = arith.cmpi ne, %rem3A_1566, %ne3A_1567 : i32
    %and3A_1569 = arith.andi %ne3A_1565, %ne3A_1568 : i1
    %sub3A_1570 = arith.constant 1 : i32
    %sub3A_1571 = arith.subi %div3A_1550, %sub3A_1570 : i32
    %select_n3A_1572 = arith.select %and3A_1569, %sub3A_1571, %div3A_1550 : i32
    %mul3A_1573 = arith.constant 8 : i32
    %mul3A_1574 = arith.muli %select_n3A_1572, %mul3A_1573 : i32
    %min3A_1575 = arith.constant 512 : i32
    %min3A_1576 = arith.minsi %mul3A_1574, %min3A_1575 : i32
    %sub3A_1577 = arith.subi %convert_element_type3A_1548, %min3A_1576 : i32
    %convert_element_type3A_1578 = arith.sitofp %sub3A_1577 : i32 to f32
    %add3A_1579 = vector.broadcast %convert_element_type3A_1578 : f32 to vector<1x128xf32>
    %add3A_1580 = arith.addf %dot_general3A_1547, %add3A_1579 : vector<1x128xf32>
    %eq3A_1581 = vector.broadcast %convert_element_type3A_6 : vector<136x1xf32> to vector<136x128xf32>
    %eq3A_1582 = vector.broadcast %add3A_1580 : vector<1x128xf32> to vector<136x128xf32>
    %eq3A_1583 = arith.cmpf oeq, %eq3A_1581, %eq3A_1582 : vector<136x128xf32>
    %convert_element_type3A_1584 = arith.extui %eq3A_1583 : vector<136x128xi1> to vector<136x128xi32>
    %convert_element_type3A_1585 = arith.sitofp %convert_element_type3A_1584 : vector<136x128xi32> to vector<136x128xf32>
    %mul3A_1586 = vector.broadcast %while3A_1541#0 : vector<1x128xf32> to vector<136x128xf32>
    %mul3A_1587 = arith.mulf %convert_element_type3A_1585, %mul3A_1586 : vector<136x128xf32>
    %get3A_1588 = arith.constant 0 : index
    %get3A_1589 = arith.constant 1920 : index
    %get3A_1590 = arith.constant 0 : index
    %get3A_1591 = vector.load %arg3[%get3A_1588, %get3A_1589, %get3A_1590] : memref<1x2048x16xf32, #tpu.memory_space<vmem>>, vector<1x128x16xf32>
    %get3A_1592 = vector.shape_cast %get3A_1591 : vector<1x128x16xf32> to vector<128x16xf32>
    %dot_general3A_1593 = arith.constant dense<0.000000e+00> : vector<136x16xf32>
    %dot_general3A_1594 = tpu.matmul %mul3A_1587, %get3A_1592, %dot_general3A_1593 {dimension_numbers = #tpu.dot_dimension_numbers<[1], [0], [0], [1], [0, 0, 1, 1], [], []>, transpose_lhs_hint = false} : vector<136x128xf32>, vector<128x16xf32>, vector<136x16xf32> -> vector<136x16xf32>
    %get3A_1595 = arith.index_cast %min3A_1576 : i32 to index
    %get3A_1596 = arith.constant 0 : index
    %get3A_1597 = vector.load %arg6[%get3A_1595, %get3A_1596] : memref<656x16xf32, #tpu.memory_space<vmem>>, vector<136x16xf32>
    %add3A_1598 = arith.addf %get3A_1597, %dot_general3A_1594 : vector<136x16xf32>
    %swap3A_1599 = arith.index_cast %min3A_1576 : i32 to index
    %swap3A_1600 = arith.constant 0 : index
    %swap3A_1601 = vector.load %arg6[%swap3A_1599, %swap3A_1600] : memref<656x16xf32, #tpu.memory_space<vmem>>, vector<136x16xf32>
    tpu.vector_store %arg6[%swap3A_1599, %swap3A_1600], %add3A_1598 {strides = array<i32>} : memref<656x16xf32, #tpu.memory_space<vmem>>, vector<136x16xf32>,
    %get3A_1602 = arith.constant 0 : index
    %get3A_1603 = arith.constant 0 : index
    %get3A_1604 = vector.load %arg6[%get3A_1602, %get3A_1603] : memref<656x16xf32, #tpu.memory_space<vmem>>, vector<512x16xf32>
    %swap3A_1605 = arith.constant 0 : index
    %swap3A_1606 = arith.constant 0 : index
    %swap3A_1607 = arith.constant 0 : index
    %swap3A_1608 = vector.load %arg4[%swap3A_1605, %swap3A_1606, %swap3A_1607] : memref<1x512x16xf32, #tpu.memory_space<vmem>>, vector<1x512x16xf32>
    %swap3A_1609 = vector.shape_cast %swap3A_1608 : vector<1x512x16xf32> to vector<512x16xf32>
    %swap3A_1610 = vector.shape_cast %get3A_1604 : vector<512x16xf32> to vector<1x512x16xf32>
    tpu.vector_store %arg4[%swap3A_1605, %swap3A_1606, %swap3A_1607], %swap3A_1610 {strides = array<i32>} : memref<1x512x16xf32, #tpu.memory_space<vmem>>, vector<1x512x16xf32>,
    return
  }
  func.func @transform_0(%arg0: i32) -> (i32, i32, i32) {
    %c0_i32 = arith.constant 0 : i32
    %c0_i32_0 = arith.constant 0 : i32
    %c0_i32_1 = arith.constant 0 : i32
    return %arg0, %c0_i32, %c0_i32_0 : i32, i32, i32
  }
  func.func @transform_1(%arg0: i32) -> (i32, i32, i32) {
    %c0_i32 = arith.constant 0 : i32
    %c0_i32_0 = arith.constant 0 : i32
    %c0_i32_1 = arith.constant 0 : i32
    return %arg0, %c0_i32, %c0_i32_0 : i32, i32, i32
  }
  func.func @transform_2(%arg0: i32) -> (i32, i32, i32) {
    %c0_i32 = arith.constant 0 : i32
    %c0_i32_0 = arith.constant 0 : i32
    %c0_i32_1 = arith.constant 0 : i32
    return %arg0, %c0_i32, %c0_i32_0 : i32, i32, i32
  }
  func.func @transform_3(%arg0: i32) -> (i32, i32, i32) {
    %c0_i32 = arith.constant 0 : i32
    %c0_i32_0 = arith.constant 0 : i32
    %c0_i32_1 = arith.constant 0 : i32
    return %arg0, %c0_i32, %c0_i32_0 : i32, i32, i32
  }
}

</mosaic_0001>

<sc_bundles>
// kernel: gather_offload_async_start.1
scs
__scs_entry_jumppad:
0x0: {  	(pc) =	sbr.rel $0x88, $3  }
0x1: {  	(tag) =	ssettag $0x0;
	lr =	simm.s32 $0x1  }
0x2: {  	[smem:$0x3F9F] =	sst lr;
	_ =	strace $0xD0000000  }
0x3: {  	_ = 	snop  }
0x4: {  	_ = 	snop  }
0x5: {  	_ = 	snop  }
0x6: {  	_ = 	snop  }
0x7: {  	_ = 	snop  }
__scs_overlays_trampoline_lowered:
0x8: {  	[smem:$0x3FAE] =	sst s0  }
0x9: {  	[smem:$0x3FAF] =	sst s1  }
0xa: {  	[smem:$0x3FB0] =	sst s2  }
0xb: {  	[smem:$0x3FB1] =	sst s3  }
0xc: {  	[smem:$0x3FB2] =	sst s4  }
0xd: {  	[smem:$0x3FB3] =	sst s5  }
0xe: {  	[smem:$0x3FB4] =	sst s6  }
0xf: {  	[smem:$0x3FB5] =	sst s7  }
0x10: {  	[smem:$0x3FB6] =	sst s8  }
0x11: {  	[smem:$0x3FB7] =	sst s9;
	s0 =	simm.s32 @!p0 $0x0  }
0x12: {  	s1 =	sld [smem:$0x3F9D];
	s0 =	simm.s32 @p0 $0x1  }
0x13: {  	[smem:$0x3FB8] =	sst s0;
	s0 =	simm.s32 @!p1 $0x0  }
0x14: {  	s2 =	sld [smem:$0x3F9C];
	s0 =	simm.s32 @p1 $0x1  }
0x15: {  	[smem:$0x3FB9] =	sst s0;
	s0 =	simm.s32 @!p2 $0x0  }
0x16: {  	s3 =	sld [smem:$0x3FDB];
	s0 =	simm.s32 @p2 $0x1  }
0x17: {  	s4 =	simm.s32 $0x1BF5;
	[smem:$0x3FBB] =	sst s0  }
0x18: {  	s0 =	sld [smem:$0x3F9E];
	_ =	swait.ge [sflag:s4], $0x0  }
0x19: {  	s7 =	sld [smem:$0x3F9F]  }
0x1a: {  	s8 =	sadd.s32 $0xFFFFE003, lr  }
0x1b: {  	s9 =	sadd.s32 $0xFFFFFEF7, lr;
	s5 =	simm.s32 $0xFFFFFFFF;
	p2 =	slt.u32 s8, $0xFFFFF086  }
0x1c: {  	p1 =	slt.u32 s9, $0xF7A;
	s5 =	simm.s32 @!p2 $0x0  }
0x1d: {  	s5 =	simm.s32 @p1 $0x1;
	p0 =	seq.s32 s7, s2  }
0x1e: {  	s7 =	smul.u32 @!p0 $0xF7A, s2;
	p2 =	seq.s32 @!p0 s5, $0x0  }
0x1f: {  	s9 =	smul.u32 $0xF7A, s1;
	s8 =	simm.s32 @!p0 $0x1BF5;
	p2 =	por !p2, p0  }
0x20: {  	[sflag:s8] =	ssyncset.s32 @!p0 $0xFFFFF086;
	s6 =	sadd.s32 @!p0 s3, s7;
	s7 =	simm.s32 @!p0 $0x108  }
0x21: {  	s3 =	sadd.s32 s3, s9;
	s6 =	sadd.s32 @!p0 $0x88, s6;
	s7 =	simm.s32 @p2 $0x1082  }
0x22: {  	[simem:s7], [sflag:s8] =	dma.local @!p0 [hbm:s6], $0xF7A  }
0x23: {  	s9 =	sor.u32 $0xD0000000, s2;
	s6 =	simm.s32 $0x108;
	_ =	swait.ge @!p0 [sflag:s8], $0x0  }
0x24: {  	s3 =	sadd.s32 $0x88, s3;
	s6 =	simm.s32 @!p1 $0x1082;
	[sflag:s4] =	ssyncset.s32 $0xFFFFF086  }
0x25: {  	[simem:s6], [sflag:s4] =	dma.local [hbm:s3], $0xF7A  }
0x26: {  	[smem:$0x3F9F] =	sst s1;
	(tag) =	ssettag s2;
	_ =	strace s9  }
0x27: {  	s1 =	sld [smem:$0x3FAF]  }
0x28: {  	s2 =	sld [smem:$0x3FB0]  }
0x29: {  	s4 =	sld [smem:$0x3FB2]  }
0x2a: {  	p0 =	seq.s32 s5, $0x0;
	s5 =	sld [smem:$0x3FB3]  }
0x2b: {  	s6 =	sld [smem:$0x3FB4]  }
0x2c: {  	s7 =	sld [smem:$0x3FB5]  }
0x2d: {  	s3 =	simm.s32 $0x108;
	s8 =	sld [smem:$0x3FB6]  }
0x2e: {  	s3 =	simm.s32 @!p0 $0x1082;
	s9 =	sld [smem:$0x3FB7]  }
0x2f: {  	lr =	sadd.s32 s0, s3;
	s0 =	sld [smem:$0x3FAE]  }
0x30: {  	s3 =	sld [smem:$0x3FB1]  }
0x31: {  	[smem:$0x3FBA] =	sst s10  }
0x32: {  	s10 =	sld [smem:$0x3FB8];
	_ =	sdelay $0x3  }
0x33: {  	p0 =	seq.s32 s10, $0x1;
	s10 =	sld [smem:$0x3FBA];
	_ =	sdelay $0x3  }
0x34: {  	[smem:$0x3FBA] =	sst s10  }
0x35: {  	s10 =	sld [smem:$0x3FB9];
	_ =	sdelay $0x3  }
0x36: {  	p1 =	seq.s32 s10, $0x1;
	s10 =	sld [smem:$0x3FBA];
	_ =	sdelay $0x3  }
0x37: {  	[smem:$0x3FBA] =	sst s10  }
0x38: {  	s10 =	sld [smem:$0x3FBB]  }
0x39: {  	_ = 	snop;
	(pc) =	sbr.ind lr, $3  }
0x3a: {  	_ = 	snop  }
0x3b: {  	_ = 	snop  }
0x3c: {  	p2 =	seq.s32 s10, $0x1;
	s10 =	sld [smem:$0x3FBA]  }
0x3d: {  	_ =	shalt  }
0x3e: {  	_ =	shalt  }
0x3f: {  	_ =	shalt  }
0x40: {  	_ =	shalt  }
0x41: {  	_ =	shalt  }
0x42: {  	_ =	shalt  }
0x43: {  	_ =	shalt  }
0x44: {  	_ =	shalt  }
0x45: {  	_ =	shalt  }
0x46: {  	_ =	shalt  }
0x47: {  	_ =	shalt  }
0x48: {  	_ =	shalt  }
0x49: {  	_ =	shalt  }
0x4a: {  	_ =	shalt  }
0x4b: {  	_ =	shalt  }
0x4c: {  	_ =	shalt  }
0x4d: {  	_ =	shalt  }
0x4e: {  	_ =	shalt  }
0x4f: {  	_ =	shalt  }
0x50: {  	_ =	shalt  }
0x51: {  	_ =	shalt  }
0x52: {  	_ =	shalt  }
0x53: {  	_ =	shalt  }
0x54: {  	_ =	shalt  }
0x55: {  	_ =	shalt  }
0x56: {  	_ =	shalt  }
0x57: {  	_ =	shalt  }
0x58: {  	_ =	shalt  }
0x59: {  	_ =	shalt  }
0x5a: {  	_ =	shalt  }
0x5b: {  	_ =	shalt  }
0x5c: {  	_ =	shalt  }
0x5d: {  	_ =	shalt  }
0x5e: {  	_ =	shalt  }
0x5f: {  	_ =	shalt  }
0x60: {  	_ =	shalt  }
0x61: {  	_ =	shalt  }
0x62: {  	_ =	shalt  }
0x63: {  	_ =	shalt  }
0x64: {  	_ =	shalt  }
0x65: {  	_ =	shalt  }
0x66: {  	_ =	shalt  }
0x67: {  	_ =	shalt  }
0x68: {  	_ =	shalt  }
0x69: {  	_ =	shalt  }
0x6a: {  	_ =	shalt  }
0x6b: {  	_ =	shalt  }
0x6c: {  	_ =	shalt  }
0x6d: {  	_ =	shalt  }
0x6e: {  	_ =	shalt  }
0x6f: {  	_ =	shalt  }
0x70: {  	_ =	shalt  }
0x71: {  	_ =	shalt  }
0x72: {  	_ =	shalt  }
0x73: {  	_ =	shalt  }
0x74: {  	_ =	shalt  }
0x75: {  	_ =	shalt  }
0x76: {  	_ =	shalt  }
0x77: {  	_ =	shalt  }
0x78: {  	_ =	shalt  }
0x79: {  	_ =	shalt  }
0x7a: {  	_ =	shalt  }
0x7b: {  	_ =	shalt  }
0x7c: {  	_ =	shalt  }
0x7d: {  	_ =	shalt  }
0x7e: {  	_ =	shalt  }
0x7f: {  	_ =	shalt  }
0x80: {  	_ =	shalt  }
0x81: {  	_ =	shalt  }
0x82: {  	_ =	shalt  }
0x83: {  	_ =	shalt  }
0x84: {  	_ =	shalt  }
0x85: {  	_ =	shalt  }
0x86: {  	_ =	shalt  }
0x87: {  	_ =	shalt  }
.Lfunc_end0:
.L_simem_size_0:
called_computation.1_lowered:
.L_overlay_start_0:
0x88: {  	s2 =	sld [smem:$0x3FD9]  }
0x89: {  	s3 =	sld [smem:$0x3FFE];
	_ =	sdelay $0x1  }
0x8a: {  	s1 =	srdreg.scid  }
0x8b: {  	s0 =	sand.u32 $0x1, s1  }
0x8c: {  	s14 =	sshll.u32 s0, $0xA;
	s2 =	sadd.s32 s3, s2  }
0x8d: {  	s2 =	sadd.s32 s2, s14  }
0x8e: {  	[smem:$0x3FC6] =	sst s2  }
0x8f: {  	_ = 	snop  }
0x90: {  	s2 =	sld [smem:$0x3FD0];
	_ =	sdelay $0x2  }
0x91: {  	s15 =	simm.s32 $0xA;
	s4 =	simm.s32 $0x10  }
0x92: {  	[smem:s4], [sflag:s15] =	dma.local [hbm:s2], $0x1  }
0x93: {  	_ =	swait.eq [sflag:s15], $0x1  }
0x94: {  	[sflag:s15] =	ssyncset.done $0x0  }
0x95: {  	[sflag:s15] =	ssyncadd.s32 $0xFFFFFFFF  }
0x96: {  	s16 =	sld [smem:$0x10];
	(tm) =	ssettm $0x1  }
0x97: {  	s17 =	sld [smem:$0x3FFB];
	_ =	sdelay $0x3  }
0x98: {  	_ =	strace s17  }
0x99: {  	s3 =	sld [smem:$0x3FFC];
	_ =	sdelay $0x3  }
0x9a: {  	_ =	strace s3  }
0x9b: {  	s3 =	sld [smem:$0x3FFD];
	_ =	sdelay $0x3  }
0x9c: {  	_ =	strace s3  }
0x9d: {  	_ =	strace $0x8FFFFFFF  }
0x9e: {  	s18 =	sld [smem:$0x3FDB];
	_ =	sdelay $0x1  }
0x9f: {  	s19 =	simm.s32 $_scs_section_size  }
0xa0: {  	s5 =	simm.s32 $_size__tile_overlayer_lowered;
	s6 =	simm.s32 $_tile_overlayer_lowered  }
0xa1: {  	s22 =	simm.s32 $0x1BFF;
	s21 =	sshll.u32 s6, $0x1;
	s3 =	sadd.s32 s19, s18  }
0xa2: {  	s7 =	simm.s32 $0x0;
	s20 =	sshll.u32 s5, $0x1;
	s5 =	sadd.s32 s21, s3  }
0xa3: {  	[timem:s7], [sflag:s22] =	dma.local [hbm:s5], s20  }
0xa4: {  	_ =	swait.ge [sflag:s22], s20  }
0xa5: {  	s4 =	ssub.s32 $0x0, s20;
	[sflag:s22] =	ssyncset.done $0x0  }
0xa6: {  	[sflag:s22] =	ssyncadd.s32 s4;
	_ =	sdelay $0x1  }
0xa7: {  	s23 =	simm.s32 $0x1B8B  }
0xa8: {  	_ =	swait.ge [sflag:s23], $0x1  }
0xa9: {  	[sflag:s23] =	ssyncset.done $0x0  }
0xaa: {  	s25 =	simm.s32 $0x1B8E;
	s24 =	sld [smem:$0x3FFE];
	[sflag:s23] =	ssyncadd.s32 $0xFFFFFFFF  }
0xab: {  	s26 =	simm.s32 $execute0_lowered;
	[smem:$0x3FD2] =	sst s25  }
0xac: {  	s5 =	sshll.u32 s26, $0x1;
	_ =	strace $0x80000046;
	[dreg:$0x1] =	wrdreg $0xFFFFFFFF  }
0xad: {  	s28 =	simm.s32 $_size_execute0_lowered;
	s3 =	sadd.s32 s3, s5;
	[dreg:$0x0] =	wrdreg $0x0  }
0xae: {  	s5 =	sshll.u32 s28, $0x1;
	[dreg:$0x2] =	wrdreg s3  }
0xaf: {  	[dreg:$0x3] =	wrdreg s5  }
0xb0: {  	[dreg:$0x4] =	wrdreg $0xC0  }
0xb1: {  	_ =	task [dreg:s7], $0x5FFFF  }
0xb2: {  	[dreg:$0x1] =	wrdreg $0xFFFFFFFF  }
0xb3: {  	[dreg:$0x0] =	wrdreg $0x60  }
0xb4: {  	[dreg:$0x2] =	wrdreg s24  }
0xb5: {  	[dreg:$0x3] =	wrdreg s16  }
0xb6: {  	[dreg:$0x4] =	wrdreg $0x9  }
0xb7: {  	_ =	task.clear_ibuf [dreg:s7], $0x5FFFF;
	_ =	strace $0x90000046  }
0xb8: {  	s29 =	simm.s32 $0x9;
	_ =	strace $0x80000048  }
0xb9: {  	_ =	swait.ge [sflag:s29], $0x1  }
0xba: {  	[sflag:s29] =	ssyncadd.s32 $0xFFFFFFFF  }
0xbb: {  	_ =	strace $0x90000048  }
0xbc: {  	_ =	sfence  }
0xbd: {  	s30 =	sld [smem:$0x0];
	_ =	sdelay $0x2  }
0xbe: {  	s31 =	sshll.u32 s1, $0xD;
	s1 =	sshrl.u32 s1, $0x2  }
0xbf: {  	s3 =	sand.u32 $0x4000, s31;
	s1 =	sadd.s32 s1, s30  }
0xc0: {  	s0 =	sor.u32 s3, s0;
	s1 =	sshll.u32 s1, $0x11  }
0xc1: {  	s0 =	sor.u32 s1, s0  }
0xc2: {  	s0 =	sadd.s32 $0x8F2B, s0  }
0xc3: {  	[sflag:s0] =	ssyncadd.remote.s32 $0x1  }
0xc4: {  	_ =	sfence.sel $0xFFFF  }
0xc5: {  	[dreg:$0x0] =	wrdreg $0xFFFFFFFF;
	(pc) =	sbr.abs _section_cstart, $3  }
0xc6: {  	[dreg:$0x1] =	wrdreg $0xFFFFFFFF  }
0xc7: {  	_ =	task.clear_ibuf [dreg:s7], $0x2FFFF;
	_ =	strace $0x9FFFFFFF  }
0xc8: {  	(tm) =	ssettm $0x7FFFFFFF  }
0xc9: {  	_ =	shalt  }
tec
execute0_lowered:
.L_overlay_start_1:
0x0: {  	(tag) =	ssettag $0x1  }
0x1: {  	s1 =	srdreg.scid;
	s2 =	rddreg [dreg:$0x0]  }
0x2: {  	s0 =	stileid.u32;
	s3 =	rddreg [dreg:$0x1]  }
0x3: {  	s6 =	simm.s32 $0x1;
	s9 =	simm.s32 $0x1;
	s1 =	sshll.u32 s1, $0x7  }
0x4: {  	s10 =	simm.s32 $0x3;
	s4 =	sshll.u32 s0, $0x8;
	s5 =	sand.u32 $0x80, s1  }
0x5: {  	s13 =	simm.s32 $0x0;
	s12 =	simm.s32 $0x0;
	s4 =	sor.u32 s4, s5  }
0x6: {  	s1 =	rddreg [dreg:$0x2];
	_ =	strace $0x80000047;
	s8 =	ssub.s32 $0x2000, s4  }
.Ltmp0:
0x7: {  	s5 =	sadd.s32 $0x13B000, s2;
	s7 =	sand.u32 $0xF80, s8;
	(pc) =	sbr.rel .LBB2_1-.Ltmp0, $4  }
0x8: {  	[sflag:s6] =	ssyncpa.u1 $0x0;
	s11 =	smov.u32 s4;
	p0 =	sne.s32 s7, $0x0  }
0x9: {  	s8 =	sshrl.u32 s8, $0xC;
	s7 =	simm.s32 $0x2;
	s9 =	simm.s32 @!p0 $0x0  }
0xa: {  	[sflag:s7] =	ssyncpa.u1 $0x0;
	p0 =	por $0x0, $0x0;
	s8 =	sadd.s32 s9, s8  }
0xb: {  	vm0 =	vmmov $0xffff;
	[sflag:s10] =	ssyncpa.u1 $0x0;
	s10 =	simm.s32 $0x0;
	s9 =	sadd.s32 $0x1, s8  }
.LBB2_4:
0xc: {  	vm1 =	veq.s32 v4, $0x80000000;
	v56 =	vand.u32 $0x3, v4;
	v6 =	vand.u32 $0x7FFF, v6  }
0xd: {  	v2 =	vor.u32 v2, v5;
	v59 =	vshrl.u32 v1, $0x2;
	v60 =	vand.u32 $0x3, v1  }
0xe: {  	v4 =	vsel vm1, $0xFFFFFFFF, v56;
	v6 =	vsel vm1, $0xFFFFFFFF, v6;
	v2 =	vor.u32 v3, v2  }
0xf: {  	vm1 =	veq.s32 v1, $0x80000000;
	v5 =	vand.u32 $0x7FFF, v59;
	v7 =	vshrl.u32 v4, $0x2  }
0x10: {  	v57 =	vshll.u32 v6, $0x2;
	v4 =	vshll.u32 v4, $0x7;
	v1 =	vsel vm1, $0xFFFFFFFF, v60  }
0x11: {  	v5 =	vsel vm1, $0xFFFFFFFF, v5;
	v6 =	vand.u32 $0x7F, v6;
	v7 =	vmul.u32 $0x13A00, v7  }
0x12: {  	v58 =	vand.u32 $0xFFFFFE00, v57;
	v4 =	vand.u32 $0x180, v4;
	v61 =	vshrl.u32 v1, $0x2  }
0x13: {  	v62 =	vshll.u32 v5, $0x2;
	v3 =	vadd.s32 v7, v58;
	v7 =	vmul.u32 $0x13A00, v61  }
0x14: {  	v1 =	vshll.u32 v1, $0x7;
	v3 =	vor.u32 v4, v3;
	v4 =	vand.u32 $0xFFFFFE00, v62  }
0x15: {  	v1 =	vand.u32 $0x180, v1;
	v3 =	vor.u32 v6, v3;
	v4 =	vadd.s32 v7, v4  }
0x16: {  	[tilespmem:s16], [sflag:$0x1] =	stream.indirect_vreg.gather [hbm4b:s2+s10], $0x1, v0, vm0, $0x4038;
	v63 =	vand.u32 $0x7F, v5;
	v1 =	vor.u32 v1, v4;
	[tilespmem:$0x200] =	vst v63  }
0x17: {  	s15 =	sadd.s32 $0x10, s15;
	(ifvalue) =	ssetifvalue $0x7FFFFFFF;
	v0 =	vor.u32 v63, v1  }
0x18: {  	[tilespmem:s15], [sflag:$0x1] =	stream.indirect_vreg.gather [hbm4b:s2+s10], $0x1, v2, vm0, $0x4038;
	[tilespmem:$0x200] =	vst v63  }
0x19: {  	s15 =	sadd.s32 $0x10, s15;
	(ifvalue) =	ssetifvalue $0x7FFFFFFF  }
0x1a: {  	[tilespmem:s15], [sflag:$0x1] =	stream.indirect_vreg.gather [hbm4b:s2+s10], $0x1, v3, vm0, $0x4038;
	[tilespmem:$0x200] =	vst v63  }
0x1b: {  	s15 =	sadd.s32 $0x10, s15;
	(ifvalue) =	ssetifvalue $0x7FFFFFFF  }
0x1c: {  	[tilespmem:s15], [sflag:$0x1] =	stream.indirect_vreg.gather [hbm4b:s2+s10], $0x1, v0, vm0, $0x4038;
	[tilespmem:$0x200] =	vst v63  }
0x1d: {  	_ =	swait.ge [sflag:s6], $0x80  }
0x1e: {  	s30 =	sshrl.u32 s13, $0x3;
	[sflag:s6] =	ssyncset.done $0x0  }
0x1f: {  	s31 =	sand.u32 $0x7, s13;
	s15 =	sadd.s32 s5, s30;
	[sflag:s6] =	ssyncadd.s32 $0xFFFFFF80  }
0x20: {  	[hbm4b:s15+s31] =	stream.linear.scatter [tilespmem:s14], [sflag:$0x3], $0x80, $0x38;
	[tilespmem:$0x200] =	vst v63  }
.LBB2_5:
0x21: {  	s15 =	sadd.s32 $0x1000, s11  }
0x22: {  	p2 =	sgt.s32 s15, $0x1FFF  }
0x23: {  	s15 =	smov.u32 @p2 s4;
	p2 =	sne.s32 s12, s9  }
.Ltmp1:
0x24: {  	p1 =	slt.u32 s12, $0x2;
	(pc) =	sbr.rel @!p2 .LBB2_6-.Ltmp1, $4  }
0x25: {  	s14 =	simm.s32 @!p1 $0x3  }
0x26: {  	s16 =	sadd.s32 $0x1, s12;
	_ =	swait.ge @!p1 [sflag:s14], $0x80  }
0x27: {  	s13 =	smov.u32 s11;
	p0 =	por !p0, !p0;
	[sflag:s14] =	ssyncset.done @!p1 $0x0  }
0x28: {  	s12 =	smov.u32 s16;
	s11 =	smov.u32 s15;
	[sflag:s14] =	ssyncadd.s32 @!p1 $0xFFFFFF80  }
.LBB2_1:
0x29: {  	p1 =	sge.u32 s12, s8  }
0x2a: {  	s14 =	sxor.u32 @!p1 $0xFFFFFFFF, s12  }
0x2b: {  	s31 =	sadd.s32 $0xFFFFFFFF, s12;
	s15 =	sshrl.u32 @!p1 s11, $0x3;
	s14 =	sshll.u32 @!p1 s14, $0x7  }
0x2c: {  	s16 =	sand.u32 @!p1 $0x7, s11;
	s15 =	sadd.s32 @!p1 s3, s15;
	s14 =	sand.u32 @!p1 $0x80, s14  }
0x2d: {  	[tilespmem:s14], [sflag:$0x2] =	stream.linear.gather @!p1 [hbm4b:s15+s16], $0x80, $0x38;
	[tilespmem:$0x200] =	vst v63  }
0x2e: {  	p1 =	sge.u32 s31, s8  }
.Ltmp2:
0x2f: {  	_ = 	snop;
	(pc) =	sbr.rel @p1 .LBB2_5-.Ltmp2, $1  }
0x30: {  	_ =	sdelay $0x3  }
0x31: {  	s14 =	simm.s32 $0x1  }
0x32: {  	_ =	swait.ge [sflag:s7], $0x80;
	s14 =	simm.s32 @!p0 $0x0  }
0x33: {  	[sflag:s7] =	ssyncset.done $0x0;
	s14 =	sshll.u32 s14, $0x7  }
0x34: {  	[sflag:s7] =	ssyncadd.s32 $0xFFFFFF80;
	(ifvalue) =	ssetifvalue $0x7FFFFFFF;
	v0 =	vld.msk [tilespmem:s14+$0x0 ss:$0x1], $0xffff  }
0x35: {  	s15 =	sadd.s32 $0x10, s14  }
0x36: {  	v1 =	vld.msk [tilespmem:s15+$0x0 ss:$0x1], $0xffff;
	_ =	sdelay $0x2  }
0x37: {  	v2 =	vshrl.u32 v0, $0x2  }
0x38: {  	vm1 =	veq.s32 v0, $0x80000000;
	v0 =	vand.u32 $0x3, v0;
	v2 =	vand.u32 $0x7FFF, v2  }
0x39: {  	v0 =	vsel vm1, $0xFFFFFFFF, v0;
	v6 =	vshrl.u32 v1, $0x2;
	v2 =	vsel vm1, $0xFFFFFFFF, v2  }
0x3a: {  	v3 =	vshrl.u32 v0, $0x2;
	v0 =	vshll.u32 v0, $0x7;
	vm1 =	veq.s32 v1, $0x80000000  }
0x3b: {  	s15 =	sadd.s32 $0x10, s15;
	v1 =	vand.u32 $0x3, v1;
	v4 =	vshll.u32 v2, $0x2;
	v3 =	vmul.u32 $0x13A00, v3  }
0x3c: {  	v0 =	vand.u32 $0x180, v0;
	v7 =	vand.u32 $0x7F, v2;
	v5 =	vand.u32 $0xFFFFFE00, v4;
	v4 =	vld.msk [tilespmem:s15+$0x0 ss:$0x1], $0xffff  }
0x3d: {  	v1 =	vsel vm1, $0xFFFFFFFF, v1;
	v2 =	vadd.s32 v3, v5;
	v3 =	vand.u32 $0x7FFF, v6  }
0x3e: {  	v3 =	vsel vm1, $0xFFFFFFFF, v3;
	v0 =	vor.u32 v0, v2;
	v2 =	vshrl.u32 v1, $0x2  }
0x3f: {  	s16 =	sshll.u32 s12, $0x7;
	s18 =	simm.s32 $0x30;
	v1 =	vshll.u32 v1, $0x7;
	v5 =	vshll.u32 v3, $0x2;
	v8 =	vmul.u32 $0x13A00, v2  }
0x40: {  	s31 =	sand.u32 $0x80, s16;
	s17 =	sadd.s32 $0x10, s15;
	s15 =	sor.u32 $0x100, s14;
	v2 =	vand.u32 $0x180, v1;
	v0 =	vor.u32 v7, v0;
	v5 =	vand.u32 $0xFFFFFE00, v5  }
0x41: {  	s14 =	sor.u32 $0x100, s31;
	s16 =	smov.u32 s15;
	v1 =	vld.msk [tilespmem:s17+$0x0 ss:$0x1], $0xffff;
	v3 =	vand.u32 $0x7F, v3;
	(ifvalue) =	ssetifvalue $0x7FFFFFFF;
	v6 =	vshrl.u32 v4, $0x2;
	v5 =	vadd.s32 v8, v5  }
.LBB2_3:
0x42: {  	s18 =	sadd.s32 $0x10, s18  }
0x43: {  	vm1 =	veq.s32 v4, $0x80000000;
	v4 =	vand.u32 $0x3, v4;
	v6 =	vand.u32 $0x7FFF, v6;
	s15 =	sadd.s32 $0x10, s15;
	p1 =	slt.u32 s18, $0x70  }
.Ltmp3:
0x44: {  	v5 =	vor.u32 v2, v5;
	v4 =	vsel vm1, $0xFFFFFFFF, v4;
	v7 =	vsel vm1, $0xFFFFFFFF, v6;
	(pc) =	sbr.rel @p1 .LBB2_3-.Ltmp3, $4  }
0x45: {  	v2 =	vshrl.u32 v4, $0x2;
	v6 =	vshll.u32 v7, $0x2;
	v4 =	vshll.u32 v4, $0x7;
	[tilespmem:s16], [sflag:$0x1] =	stream.indirect_vreg.gather [hbm4b:s2+s10], $0x1, v0, vm0, $0x4038;
	[tilespmem:$0x200] =	vst v63  }
0x46: {  	v0 =	vor.u32 v3, v5;
	s16 =	smov.u32 s15;
	v8 =	vmul.u32 $0x13A00, v2;
	v2 =	vand.u32 $0x180, v4  }
0x47: {  	s17 =	sadd.s32 $0x10, s17;
	v9 =	vand.u32 $0xFFFFFE00, v6  }
0x48: {  	v3 =	vand.u32 $0x7F, v7;
	v6 =	vshrl.u32 v1, $0x2;
	v5 =	vadd.s32 v8, v9;
	(ifvalue) =	ssetifvalue $0x7FFFFFFF;
	v4 =	vmovc v1;
	v1 =	vld.msk [tilespmem:s17+$0x0 ss:$0x1], $0xffff  }
.Ltmp4:
0x49: {  	_ = 	snop;
	(pc) =	sbr.rel .LBB2_4-.Ltmp4, $1  }
0x4a: {  	_ =	sdelay $0x3  }
.LBB2_6:
0x4b: {  	_ =	sfence.sel $0x180000  }
0x4c: {  	s2 =	simm.s32 $0x2;
	[bflag:$0x0] =	sbarrier.arrive $0xFFFF  }
0x4d: {  	s30 =	simm.s32 $0x3;
	[sflag:s2] =	ssyncpa.u1 $0x1  }
0x4e: {  	s31 =	simm.s32 $0x1;
	[sflag:s30] =	ssyncpa.u1 $0x1  }
0x4f: {  	[sflag:s31] =	ssyncpa.u1 $0x1  }
0x50: {  	p0 =	sne.s32 s0, $0x0;
	_ =	strace $0x90000047  }
0x51: {  	s0 =	sadd.s32 @!p0 $0x100000, s1;
	[bflag:$0x2] =	sbarrier.arrive $0xFFFF  }
0x52: {  	[sflag:s0] =	ssyncadd.tile.s32 @!p0 $0x1;
	_ =	shalt  }
.Lfunc_end2:
_tile_overlayer_lowered:
.L_overlay_start_2:
0x53: {  	(tag) =	ssettag $0x2  }
0x54: {  	s0 =	rddreg [dreg:$0x0];
	s2 =	stileid.u32  }
0x55: {  	s1 =	rddreg [dreg:$0x1];
	p0 =	sne.s32 s2, $0x0  }
0x56: {  	s3 =	rddreg [dreg:$0x2];
	[bflag:$0x3] =	sbarrier.arrive $0xFFFF;
	s2 =	simm.s32 @!p0 $0x1C01  }
0x57: {  	[timem:s3], [sflag:s2] =	dma.local @!p0 [hbm:s0], s1  }
0x58: {  	s0 =	simm.s32 @!p0 $0x1  }
0x59: {  	_ =	swait.ge @!p0 [sflag:s0], s1  }
0x5a: {  	s1 =	ssub.s32 @!p0 $0x0, s1;
	[sflag:s0] =	ssyncset.done @!p0 $0x0  }
0x5b: {  	[sflag:s0] =	ssyncadd.s32 @!p0 s1  }
0x5c: {  	[bflag:$0x3] =	sbarrier.arrive $0xFFFF  }
0x5d: {  	_ =	shalt  }

// kernel: gather_offload_async_start
scs
__scs_entry_jumppad:
0x0: {  	(pc) =	sbr.rel $0x88, $3  }
0x1: {  	(tag) =	ssettag $0x0;
	lr =	simm.s32 $0x1  }
0x2: {  	[smem:$0x3F9F] =	sst lr;
	_ =	strace $0xD0000000  }
0x3: {  	_ = 	snop  }
0x4: {  	_ = 	snop  }
0x5: {  	_ = 	snop  }
0x6: {  	_ = 	snop  }
0x7: {  	_ = 	snop  }
__scs_overlays_trampoline_lowered:
0x8: {  	[smem:$0x3FAE] =	sst s0  }
0x9: {  	[smem:$0x3FAF] =	sst s1  }
0xa: {  	[smem:$0x3FB0] =	sst s2  }
0xb: {  	[smem:$0x3FB1] =	sst s3  }
0xc: {  	[smem:$0x3FB2] =	sst s4  }
0xd: {  	[smem:$0x3FB3] =	sst s5  }
0xe: {  	[smem:$0x3FB4] =	sst s6  }
0xf: {  	[smem:$0x3FB5] =	sst s7  }
0x10: {  	[smem:$0x3FB6] =	sst s8  }
0x11: {  	[smem:$0x3FB7] =	sst s9;
	s0 =	simm.s32 @!p0 $0x0  }
0x12: {  	s1 =	sld [smem:$0x3F9D];
	s0 =	simm.s32 @p0 $0x1  }
0x13: {  	[smem:$0x3FB8] =	sst s0;
	s0 =	simm.s32 @!p1 $0x0  }
0x14: {  	s2 =	sld [smem:$0x3F9C];
	s0 =	simm.s32 @p1 $0x1  }
0x15: {  	[smem:$0x3FB9] =	sst s0;
	s0 =	simm.s32 @!p2 $0x0  }
0x16: {  	s3 =	sld [smem:$0x3FDB];
	s0 =	simm.s32 @p2 $0x1  }
0x17: {  	s4 =	simm.s32 $0x1BF5;
	[smem:$0x3FBB] =	sst s0  }
0x18: {  	s0 =	sld [smem:$0x3F9E];
	_ =	swait.ge [sflag:s4], $0x0  }
0x19: {  	s7 =	sld [smem:$0x3F9F]  }
0x1a: {  	s8 =	sadd.s32 $0xFFFFE003, lr  }
0x1b: {  	s9 =	sadd.s32 $0xFFFFFEF7, lr;
	s5 =	simm.s32 $0xFFFFFFFF;
	p2 =	slt.u32 s8, $0xFFFFF086  }
0x1c: {  	p1 =	slt.u32 s9, $0xF7A;
	s5 =	simm.s32 @!p2 $0x0  }
0x1d: {  	s5 =	simm.s32 @p1 $0x1;
	p0 =	seq.s32 s7, s2  }
0x1e: {  	s7 =	smul.u32 @!p0 $0xF7A, s2;
	p2 =	seq.s32 @!p0 s5, $0x0  }
0x1f: {  	s9 =	smul.u32 $0xF7A, s1;
	s8 =	simm.s32 @!p0 $0x1BF5;
	p2 =	por !p2, p0  }
0x20: {  	[sflag:s8] =	ssyncset.s32 @!p0 $0xFFFFF086;
	s6 =	sadd.s32 @!p0 s3, s7;
	s7 =	simm.s32 @!p0 $0x108  }
0x21: {  	s3 =	sadd.s32 s3, s9;
	s6 =	sadd.s32 @!p0 $0x88, s6;
	s7 =	simm.s32 @p2 $0x1082  }
0x22: {  	[simem:s7], [sflag:s8] =	dma.local @!p0 [hbm:s6], $0xF7A  }
0x23: {  	s9 =	sor.u32 $0xD0000000, s2;
	s6 =	simm.s32 $0x108;
	_ =	swait.ge @!p0 [sflag:s8], $0x0  }
0x24: {  	s3 =	sadd.s32 $0x88, s3;
	s6 =	simm.s32 @!p1 $0x1082;
	[sflag:s4] =	ssyncset.s32 $0xFFFFF086  }
0x25: {  	[simem:s6], [sflag:s4] =	dma.local [hbm:s3], $0xF7A  }
0x26: {  	[smem:$0x3F9F] =	sst s1;
	(tag) =	ssettag s2;
	_ =	strace s9  }
0x27: {  	s1 =	sld [smem:$0x3FAF]  }
0x28: {  	s2 =	sld [smem:$0x3FB0]  }
0x29: {  	s4 =	sld [smem:$0x3FB2]  }
0x2a: {  	p0 =	seq.s32 s5, $0x0;
	s5 =	sld [smem:$0x3FB3]  }
0x2b: {  	s6 =	sld [smem:$0x3FB4]  }
0x2c: {  	s7 =	sld [smem:$0x3FB5]  }
0x2d: {  	s3 =	simm.s32 $0x108;
	s8 =	sld [smem:$0x3FB6]  }
0x2e: {  	s3 =	simm.s32 @!p0 $0x1082;
	s9 =	sld [smem:$0x3FB7]  }
0x2f: {  	lr =	sadd.s32 s0, s3;
	s0 =	sld [smem:$0x3FAE]  }
0x30: {  	s3 =	sld [smem:$0x3FB1]  }
0x31: {  	[smem:$0x3FBA] =	sst s10  }
0x32: {  	s10 =	sld [smem:$0x3FB8];
	_ =	sdelay $0x3  }
0x33: {  	p0 =	seq.s32 s10, $0x1;
	s10 =	sld [smem:$0x3FBA];
	_ =	sdelay $0x3  }
0x34: {  	[smem:$0x3FBA] =	sst s10  }
0x35: {  	s10 =	sld [smem:$0x3FB9];
	_ =	sdelay $0x3  }
0x36: {  	p1 =	seq.s32 s10, $0x1;
	s10 =	sld [smem:$0x3FBA];
	_ =	sdelay $0x3  }
0x37: {  	[smem:$0x3FBA] =	sst s10  }
0x38: {  	s10 =	sld [smem:$0x3FBB]  }
0x39: {  	_ = 	snop;
	(pc) =	sbr.ind lr, $3  }
0x3a: {  	_ = 	snop  }
0x3b: {  	_ = 	snop  }
0x3c: {  	p2 =	seq.s32 s10, $0x1;
	s10 =	sld [smem:$0x3FBA]  }
0x3d: {  	_ =	shalt  }
0x3e: {  	_ =	shalt  }
0x3f: {  	_ =	shalt  }
0x40: {  	_ =	shalt  }
0x41: {  	_ =	shalt  }
0x42: {  	_ =	shalt  }
0x43: {  	_ =	shalt  }
0x44: {  	_ =	shalt  }
0x45: {  	_ =	shalt  }
0x46: {  	_ =	shalt  }
0x47: {  	_ =	shalt  }
0x48: {  	_ =	shalt  }
0x49: {  	_ =	shalt  }
0x4a: {  	_ =	shalt  }
0x4b: {  	_ =	shalt  }
0x4c: {  	_ =	shalt  }
0x4d: {  	_ =	shalt  }
0x4e: {  	_ =	shalt  }
0x4f: {  	_ =	shalt  }
0x50: {  	_ =	shalt  }
0x51: {  	_ =	shalt  }
0x52: {  	_ =	shalt  }
0x53: {  	_ =	shalt  }
0x54: {  	_ =	shalt  }
0x55: {  	_ =	shalt  }
0x56: {  	_ =	shalt  }
0x57: {  	_ =	shalt  }
0x58: {  	_ =	shalt  }
0x59: {  	_ =	shalt  }
0x5a: {  	_ =	shalt  }
0x5b: {  	_ =	shalt  }
0x5c: {  	_ =	shalt  }
0x5d: {  	_ =	shalt  }
0x5e: {  	_ =	shalt  }
0x5f: {  	_ =	shalt  }
0x60: {  	_ =	shalt  }
0x61: {  	_ =	shalt  }
0x62: {  	_ =	shalt  }
0x63: {  	_ =	shalt  }
0x64: {  	_ =	shalt  }
0x65: {  	_ =	shalt  }
0x66: {  	_ =	shalt  }
0x67: {  	_ =	shalt  }
0x68: {  	_ =	shalt  }
0x69: {  	_ =	shalt  }
0x6a: {  	_ =	shalt  }
0x6b: {  	_ =	shalt  }
0x6c: {  	_ =	shalt  }
0x6d: {  	_ =	shalt  }
0x6e: {  	_ =	shalt  }
0x6f: {  	_ =	shalt  }
0x70: {  	_ =	shalt  }
0x71: {  	_ =	shalt  }
0x72: {  	_ =	shalt  }
0x73: {  	_ =	shalt  }
0x74: {  	_ =	shalt  }
0x75: {  	_ =	shalt  }
0x76: {  	_ =	shalt  }
0x77: {  	_ =	shalt  }
0x78: {  	_ =	shalt  }
0x79: {  	_ =	shalt  }
0x7a: {  	_ =	shalt  }
0x7b: {  	_ =	shalt  }
0x7c: {  	_ =	shalt  }
0x7d: {  	_ =	shalt  }
0x7e: {  	_ =	shalt  }
0x7f: {  	_ =	shalt  }
0x80: {  	_ =	shalt  }
0x81: {  	_ =	shalt  }
0x82: {  	_ =	shalt  }
0x83: {  	_ =	shalt  }
0x84: {  	_ =	shalt  }
0x85: {  	_ =	shalt  }
0x86: {  	_ =	shalt  }
0x87: {  	_ =	shalt  }
.Lfunc_end0:
.L_simem_size_0:
called_computation_lowered:
.L_overlay_start_0:
0x88: {  	s2 =	sld [smem:$0x3FD9]  }
0x89: {  	s3 =	sld [smem:$0x3FFE];
	_ =	sdelay $0x1  }
0x8a: {  	s1 =	srdreg.scid  }
0x8b: {  	s0 =	sand.u32 $0x1, s1  }
0x8c: {  	s14 =	sshll.u32 s0, $0xA;
	s2 =	sadd.s32 s3, s2  }
0x8d: {  	s2 =	sadd.s32 s2, s14  }
0x8e: {  	[smem:$0x3FC6] =	sst s2  }
0x8f: {  	_ = 	snop  }
0x90: {  	s2 =	sld [smem:$0x3FD0];
	_ =	sdelay $0x2  }
0x91: {  	s15 =	simm.s32 $0xA;
	s4 =	simm.s32 $0x10  }
0x92: {  	[smem:s4], [sflag:s15] =	dma.local [hbm:s2], $0x1  }
0x93: {  	_ =	swait.eq [sflag:s15], $0x1  }
0x94: {  	[sflag:s15] =	ssyncset.done $0x0  }
0x95: {  	[sflag:s15] =	ssyncadd.s32 $0xFFFFFFFF  }
0x96: {  	s16 =	sld [smem:$0x10];
	(tm) =	ssettm $0x1  }
0x97: {  	s17 =	sld [smem:$0x3FFB];
	_ =	sdelay $0x3  }
0x98: {  	_ =	strace s17  }
0x99: {  	s3 =	sld [smem:$0x3FFC];
	_ =	sdelay $0x3  }
0x9a: {  	_ =	strace s3  }
0x9b: {  	s3 =	sld [smem:$0x3FFD];
	_ =	sdelay $0x3  }
0x9c: {  	_ =	strace s3  }
0x9d: {  	_ =	strace $0x8FFFFFFF  }
0x9e: {  	s18 =	sld [smem:$0x3FDB];
	_ =	sdelay $0x1  }
0x9f: {  	s19 =	simm.s32 $_scs_section_size  }
0xa0: {  	s5 =	simm.s32 $_size__tile_overlayer_lowered;
	s6 =	simm.s32 $_tile_overlayer_lowered  }
0xa1: {  	s22 =	simm.s32 $0x1BFF;
	s21 =	sshll.u32 s6, $0x1;
	s3 =	sadd.s32 s19, s18  }
0xa2: {  	s7 =	simm.s32 $0x0;
	s20 =	sshll.u32 s5, $0x1;
	s5 =	sadd.s32 s21, s3  }
0xa3: {  	[timem:s7], [sflag:s22] =	dma.local [hbm:s5], s20  }
0xa4: {  	_ =	swait.ge [sflag:s22], s20  }
0xa5: {  	s4 =	ssub.s32 $0x0, s20;
	[sflag:s22] =	ssyncset.done $0x0  }
0xa6: {  	[sflag:s22] =	ssyncadd.s32 s4;
	_ =	sdelay $0x1  }
0xa7: {  	s23 =	simm.s32 $0x1B8B  }
0xa8: {  	_ =	swait.ge [sflag:s23], $0x1  }
0xa9: {  	[sflag:s23] =	ssyncset.done $0x0  }
0xaa: {  	s25 =	simm.s32 $0x1B8E;
	s24 =	sld [smem:$0x3FFE];
	[sflag:s23] =	ssyncadd.s32 $0xFFFFFFFF  }
0xab: {  	s26 =	simm.s32 $execute0_lowered;
	[smem:$0x3FD2] =	sst s25  }
0xac: {  	s5 =	sshll.u32 s26, $0x1;
	_ =	strace $0x80000049;
	[dreg:$0x1] =	wrdreg $0xFFFFFFFF  }
0xad: {  	s28 =	simm.s32 $_size_execute0_lowered;
	s3 =	sadd.s32 s3, s5;
	[dreg:$0x0] =	wrdreg $0x0  }
0xae: {  	s5 =	sshll.u32 s28, $0x1;
	[dreg:$0x2] =	wrdreg s3  }
0xaf: {  	[dreg:$0x3] =	wrdreg s5  }
0xb0: {  	[dreg:$0x4] =	wrdreg $0xC0  }
0xb1: {  	_ =	task [dreg:s7], $0x5FFFF  }
0xb2: {  	[dreg:$0x1] =	wrdreg $0xFFFFFFFF  }
0xb3: {  	[dreg:$0x0] =	wrdreg $0x60  }
0xb4: {  	[dreg:$0x2] =	wrdreg s24  }
0xb5: {  	[dreg:$0x3] =	wrdreg s16  }
0xb6: {  	[dreg:$0x4] =	wrdreg $0x9  }
0xb7: {  	_ =	task.clear_ibuf [dreg:s7], $0x5FFFF;
	_ =	strace $0x90000049  }
0xb8: {  	s29 =	simm.s32 $0x9;
	_ =	strace $0x8000004B  }
0xb9: {  	_ =	swait.ge [sflag:s29], $0x1  }
0xba: {  	[sflag:s29] =	ssyncadd.s32 $0xFFFFFFFF  }
0xbb: {  	_ =	strace $0x9000004B  }
0xbc: {  	_ =	sfence  }
0xbd: {  	s30 =	sld [smem:$0x0];
	_ =	sdelay $0x2  }
0xbe: {  	s31 =	sshll.u32 s1, $0xD;
	s1 =	sshrl.u32 s1, $0x2  }
0xbf: {  	s3 =	sand.u32 $0x4000, s31;
	s1 =	sadd.s32 s1, s30  }
0xc0: {  	s0 =	sor.u32 s3, s0;
	s1 =	sshll.u32 s1, $0x11  }
0xc1: {  	s0 =	sor.u32 s1, s0  }
0xc2: {  	s0 =	sadd.s32 $0x8F2B, s0  }
0xc3: {  	[sflag:s0] =	ssyncadd.remote.s32 $0x1  }
0xc4: {  	_ =	sfence.sel $0xFFFF  }
0xc5: {  	[dreg:$0x0] =	wrdreg $0xFFFFFFFF;
	(pc) =	sbr.abs _section_cstart, $3  }
0xc6: {  	[dreg:$0x1] =	wrdreg $0xFFFFFFFF  }
0xc7: {  	_ =	task.clear_ibuf [dreg:s7], $0x2FFFF;
	_ =	strace $0x9FFFFFFF  }
0xc8: {  	(tm) =	ssettm $0x7FFFFFFF  }
0xc9: {  	_ =	shalt  }
tec
execute0_lowered:
.L_overlay_start_1:
0x0: {  	(tag) =	ssettag $0x1  }
0x1: {  	s7 =	rddreg [dreg:$0x0]  }
0x2: {  	s2 =	rddreg [dreg:$0x1]  }
0x3: {  	s0 =	rddreg [dreg:$0x2]  }
0x4: {  	s1 =	srdreg.scid;
	_ =	strace $0x8000004A;
	s4 =	simm.s32 $0x1  }
0x5: {  	s9 =	simm.s32 $0x3;
	s12 =	simm.s32 $0x0;
	s5 =	sshll.u32 s1, $0x4  }
.Ltmp0:
0x6: {  	s1 =	stileid.u32;
	s5 =	sand.u32 $0x10, s5;
	(pc) =	sbr.rel .LBB2_1-.Ltmp0, $4  }
0x7: {  	s10 =	simm.s32 $0x0;
	s3 =	sadd.s32 $0x2800, s7;
	s6 =	sor.u32 s1, s5  }
0x8: {  	[sflag:s4] =	ssyncpa.u1 $0x0;
	s5 =	simm.s32 $0x2;
	s6 =	sshll.u32 s6, $0x8  }
0x9: {  	s7 =	sadd.s32 $0x13B000, s7;
	[sflag:s5] =	ssyncpa.u1 $0x0;
	s8 =	sadd.s32 $0x100, s6  }
0xa: {  	vm0 =	vmmov $0xff;
	vm1 =	vcmask $0x3F20;
	[sflag:s9] =	ssyncpa.u1 $0x0;
	s9 =	simm.s32 $0x100;
	s11 =	smov.u32 s6  }
.LBB2_9:
0xb: {  	p0 =	seq.s32 s10, $0x2  }
.Ltmp1:
0xc: {  	_ = 	snop;
	(pc) =	sbr.rel @p0 .LBB2_11-.Ltmp1, $1  }
0xd: {  	_ =	sdelay $0x3  }
.LBB2_10:
0xe: {  	s12 =	sadd.s32 $0x100, s11  }
0xf: {  	s13 =	smov.u32 s6;
	p0 =	slt.s32 s12, s8  }
0x10: {  	s13 =	smov.u32 @p0 s12  }
0x11: {  	s10 =	sadd.s32 $0x1, s10;
	s12 =	smov.u32 s11;
	s11 =	smov.u32 s13  }
.LBB2_1:
0x12: {  	p0 =	sne.s32 s10, $0x0  }
.Ltmp2:
0x13: {  	_ = 	snop;
	(pc) =	sbr.rel @!p0 .LBB2_2-.Ltmp2, $1  }
0x14: {  	_ =	sdelay $0x3  }
0x15: {  	s13 =	sand.u32 $0x1, s10  }
0x16: {  	p0 =	seq.s32 s13, $0x0  }
.Ltmp3:
0x17: {  	_ = 	snop;
	(pc) =	sbr.rel @p0 .LBB2_9-.Ltmp3, $1  }
0x18: {  	_ =	sdelay $0x3  }
0x19: {  	_ =	swait.ge [sflag:s5], $0x100  }
0x1a: {  	[sflag:s5] =	ssyncset.done $0x0  }
0x1b: {  	s13 =	simm.s32 $0x0;
	[sflag:s5] =	ssyncadd.s32 $0xFFFFFF00  }
0x1c: {  	v0 =	vld.msk [tilespmem:s13+$0x100 ss:$0x1], $0xffff;
	_ =	sdelay $0x4  }
0x1d: {  	v1 =	vand.u32 $0x3, v0;
	v2 =	vshll.u32 v0, $0x5  }
0x1e: {  	vm2 =	veq.s32 v0, $0x80000000;
	v0 =	vmul.u32 $0x271000, v1;
	v1 =	vand.u32 $0x3FFF80, v2  }
0x1f: {  	v1 =	vsel vm2, $0xFFFFFF80, v1  }
0x20: {  	v0 =	vsel vm2, $0xFFD8F000, v0;
	v2 =	vand.u32 $0xFFFFFC00, v1  }
0x21: {  	v1 =	vand.u32 $0x380, v1;
	v0 =	vadd.s32 v0, v2  }
0x22: {  	v0 =	vor.u32 v1, v0  }
0x23: {  	v0 =	vshrl.u32 v0, $0x3;
	_ =	sdelay $0x3  }
0x24: {  	s13 =	simm.s32 $0x8200  }
0x25: {  	[tilespmem:s13], [sflag:$0x1] =	stream.indirect_vreg.gather [hbm:s3], $0x80, v0, vm0, $0x38;
	[tilespmem:$0x10200] =	vst v63  }
0x26: {  	s14 =	simm.s32 $0x8600;
	s31 =	simm.s32 $0x10  }
0x27: {  	[tilespmem:s14], [sflag:$0x1] =	stream.indirect_vreg.gather [hbm:s3], $0x80, v0, vm1, $0x38;
	[tilespmem:$0x10200] =	vst v63  }
0x28: {  	s14 =	simm.s32 $0x80;
	v0 =	vld.msk [tilespmem:s31+$0x100 ss:$0x1], $0xffff  }
.LBB2_5:
0x29: {  	p0 =	sne.s32 s14, $0x3C0;
	_ =	sdelay $0x4  }
0x2a: {  	v1 =	vand.u32 $0x3, v0;
	v2 =	vshll.u32 v0, $0x5  }
0x2b: {  	vm2 =	veq.s32 v0, $0x80000000;
	v0 =	vmul.u32 $0x271000, v1;
	v1 =	vand.u32 $0x3FFF80, v2  }
0x2c: {  	v1 =	vsel vm2, $0xFFFFFF80, v1  }
0x2d: {  	v0 =	vsel vm2, $0xFFD8F000, v0;
	v2 =	vand.u32 $0xFFFFFC00, v1  }
0x2e: {  	v1 =	vand.u32 $0x380, v1;
	v0 =	vadd.s32 v0, v2  }
0x2f: {  	v0 =	vor.u32 v1, v0  }
0x30: {  	v0 =	vshrl.u32 v0, $0x3;
	_ =	sdelay $0x3  }
.Ltmp4:
0x31: {  	s13 =	sadd.s32 $0x800, s13;
	(pc) =	sbr.rel @p0 .LBB2_5-.Ltmp4, $4  }
0x32: {  	[tilespmem:s13], [sflag:$0x1] =	stream.indirect_vreg.gather [hbm:s3], $0x80, v0, vm0, $0x38;
	[tilespmem:$0x10200] =	vst v63  }
0x33: {  	s15 =	sshra.s32 s14, $0x2;
	s16 =	sadd.s32 $0x400, s13  }
0x34: {  	[tilespmem:s16], [sflag:$0x1] =	stream.indirect_vreg.gather [hbm:s3], $0x80, v0, vm1, $0x38;
	[tilespmem:$0x10200] =	vst v63  }
0x35: {  	s14 =	sadd.s32 $0x40, s14;
	v0 =	vld.msk [tilespmem:s15+$0x100 ss:$0x1], $0xffff  }
0x36: {  	_ =	sdelay $0x3  }
0x37: {  	v1 =	vand.u32 $0x3, v0;
	v2 =	vshll.u32 v0, $0x5  }
0x38: {  	vm2 =	veq.s32 v0, $0x80000000;
	v61 =	vmul.u32 $0x271000, v1;
	v62 =	vand.u32 $0x3FFF80, v2  }
0x39: {  	v1 =	vsel vm2, $0xFFFFFF80, v62  }
0x3a: {  	v0 =	vsel vm2, $0xFFD8F000, v61;
	v63 =	vand.u32 $0xFFFFFC00, v1  }
0x3b: {  	v1 =	vand.u32 $0x380, v1;
	v0 =	vadd.s32 v0, v63  }
0x3c: {  	v0 =	vor.u32 v1, v0  }
0x3d: {  	v0 =	vshrl.u32 v0, $0x3;
	_ =	sdelay $0x3  }
0x3e: {  	s13 =	sadd.s32 $0x800, s13  }
0x3f: {  	[tilespmem:s13], [sflag:$0x1] =	stream.indirect_vreg.gather [hbm:s3], $0x80, v0, vm0, $0x38;
	[tilespmem:$0x10200] =	vst v63  }
0x40: {  	s13 =	sadd.s32 $0x400, s13  }
0x41: {  	[tilespmem:s13], [sflag:$0x1] =	stream.indirect_vreg.gather [hbm:s3], $0x80, v0, vm1, $0x38;
	[tilespmem:$0x10200] =	vst v63  }
0x42: {  	s12 =	sshll.u32 s12, $0x4;
	s14 =	simm.s32 $0x80;
	_ =	swait.ge [sflag:s4], $0x8000  }
0x43: {  	s15 =	simm.s32 $0x8600;
	s12 =	sadd.s32 s12, s7;
	[sflag:s4] =	ssyncset.done $0x0  }
0x44: {  	s16 =	sadd.s32 $0x0, s12;
	s13 =	simm.s32 $0x8200;
	[sflag:s4] =	ssyncadd.s32 $0xFFFF8000  }
.LBB2_7:
0x45: {  	[hbm:s16] =	stream.linear.scatter [tilespmem:s13], [sflag:$0x3], $0x400, $0x38;
	[tilespmem:$0x10200] =	vst v63  }
0x46: {  	s16 =	smov.u32 s14;
	s13 =	smov.u32 s15;
	p0 =	sne.s32 s14, $0xF80  }
.Ltmp5:
0x47: {  	s14 =	sadd.s32 $0x80, s14;
	(pc) =	sbr.rel @p0 .LBB2_7-.Ltmp5, $2  }
0x48: {  	_ =	sdelay $0x2  }
0x49: {  	s15 =	sadd.s32 $0x400, s15;
	s16 =	sadd.s32 s16, s12  }
.Ltmp6:
0x4a: {  	(pc) =	sbr.rel .LBB2_9-.Ltmp6, $2  }
0x4b: {  	_ =	sdelay $0x2  }
0x4c: {  	[hbm:s16] =	stream.linear.scatter [tilespmem:s13], [sflag:$0x3], $0x400, $0x38;
	[tilespmem:$0x10200] =	vst v63  }
.LBB2_2:
.Ltmp7:
0x4d: {  	(pc) =	sbr.rel .LBB2_10-.Ltmp7, $4  }
0x4e: {  	_ = 	snop  }
0x4f: {  	s12 =	sshrl.u32 s11, $0x3  }
0x50: {  	s13 =	sand.u32 $0x7, s11;
	s12 =	sadd.s32 s2, s12  }
0x51: {  	[tilespmem:s9], [sflag:$0x2] =	stream.linear.gather [hbm4b:s12+s13], $0x100, $0x38;
	[tilespmem:$0x10200] =	vst v63  }
.LBB2_11:
0x52: {  	s2 =	simm.s32 $0x3  }
0x53: {  	_ =	swait.ge [sflag:s2], $0x8000  }
0x54: {  	[sflag:s2] =	ssyncset.done $0x0  }
0x55: {  	[sflag:s2] =	ssyncadd.s32 $0xFFFF8000  }
0x56: {  	_ =	sfence.sel $0x180000  }
0x57: {  	s3 =	simm.s32 $0x2;
	[bflag:$0x0] =	sbarrier.arrive $0xFFFF  }
0x58: {  	[sflag:s3] =	ssyncpa.u1 $0x1  }
0x59: {  	s31 =	simm.s32 $0x1;
	[sflag:s2] =	ssyncpa.u1 $0x1  }
0x5a: {  	[sflag:s31] =	ssyncpa.u1 $0x1  }
0x5b: {  	p0 =	sne.s32 s1, $0x0;
	_ =	strace $0x9000004A  }
0x5c: {  	s0 =	sadd.s32 @!p0 $0x100000, s0;
	[bflag:$0x2] =	sbarrier.arrive $0xFFFF  }
0x5d: {  	[sflag:s0] =	ssyncadd.tile.s32 @!p0 $0x1;
	_ =	shalt  }
.Lfunc_end2:
_tile_overlayer_lowered:
.L_overlay_start_2:
0x5e: {  	(tag) =	ssettag $0x2  }
0x5f: {  	s0 =	rddreg [dreg:$0x0];
	s2 =	stileid.u32  }
0x60: {  	s1 =	rddreg [dreg:$0x1];
	p0 =	sne.s32 s2, $0x0  }
0x61: {  	s3 =	rddreg [dreg:$0x2];
	[bflag:$0x3] =	sbarrier.arrive $0xFFFF;
	s2 =	simm.s32 @!p0 $0x1C01  }
0x62: {  	[timem:s3], [sflag:s2] =	dma.local @!p0 [hbm:s0], s1  }
0x63: {  	s0 =	simm.s32 @!p0 $0x1  }
0x64: {  	_ =	swait.ge @!p0 [sflag:s0], s1  }
0x65: {  	s1 =	ssub.s32 @!p0 $0x0, s1;
	[sflag:s0] =	ssyncset.done @!p0 $0x0  }
0x66: {  	[sflag:s0] =	ssyncadd.s32 @!p0 s1  }
0x67: {  	[bflag:$0x3] =	sbarrier.arrive $0xFFFF  }
0x68: {  	_ =	shalt  }

</sc_bundles>
